<compile_context>
chip_gen: v7x
topology: tpu7x:2x2x1
jax: 0.10.2.dev20260603
libtpu: 0.0.44.dev20260713+nightly
codegen_flags: <defaults>
</compile_context>

<pallas_src>
import functools

import jax
import jax.numpy as jnp
from jax import lax
from jax.experimental import pallas as pl
from jax.experimental.pallas import tpu as pltpu
from jax.experimental.pallas import tpu_sc as plsc

FEATURES = 64
VOCAB = 5
BATCH = 16384
SEQ = 50
TABW = VOCAB * FEATURES

_info = plsc.get_sparse_core_info()
NC, NS, L = _info.num_cores, _info.num_subcores, _info.num_lanes
NW = NC * NS
NI = 512
NIB = BATCH // NI
NCH = SEQ * NIB // NW
KB = 8
IB = 2
NSPL = TABW * L
NSR = NSPL // 128

_mesh = plsc.VectorSubcoreMesh(core_axis_name="c", subcore_axis_name="s")


@functools.partial(
    pl.kernel,
    out_type=jax.ShapeDtypeStruct((SEQ, FEATURES, BATCH), jnp.float32),
    mesh=_mesh,
    scratch_types=[
        pltpu.VMEM((VOCAB, FEATURES), jnp.float32),
        pltpu.VMEM((FEATURES,), jnp.float32),
        pltpu.VMEM((TABW,), jnp.float32),
        pltpu.VMEM_SHARED((TABW,), jnp.float32),
        pltpu.VMEM((NSR, 128), jnp.int32),
        pltpu.VMEM((NSPL,), jnp.float32),
        [pltpu.VMEM((NI,), jnp.int32) for _ in range(2)],
        [pltpu.VMEM((FEATURES, NI), jnp.float32) for _ in range(2)],
        pltpu.SemaphoreType.DMA,
        [pltpu.SemaphoreType.DMA for _ in range(2)],
        [pltpu.SemaphoreType.DMA for _ in range(2)],
    ],
)
def _embed(wt_hbm, b_hbm, xt_hbm, out_hbm,
           wt_v, b_v, tf_v, tf_sh, sidx_v, spl_v, idx_b, out_b,
           gsem, isem_b, osem_b):
    cid = lax.axis_index("c")
    sid = lax.axis_index("s")
    wid = sid * NC + cid

    @pl.when(sid == 0)
    def _build():
        pltpu.sync_copy(wt_hbm, wt_v)
        pltpu.sync_copy(b_hbm, b_v)
        for v in range(VOCAB):
            for q in range(FEATURES // L):
                tf_v[pl.ds(v * FEATURES + q * L, L)] = (
                    wt_v[v, pl.ds(q * L, L)] + b_v[pl.ds(q * L, L)])
        pltpu.sync_copy(tf_v, tf_sh)

    def chunk_src(cc):
        j = cc // NIB
        i0 = (cc % NIB) * NI
        return j * BATCH + i0

    pltpu.async_copy(xt_hbm.at[pl.ds(chunk_src(wid * NCH), NI)],
                     idx_b[0], isem_b[0])

    def _sb2(g, carry):
        row = g // 8
        col = (g % 8) * L
        sidx_v[row, pl.ds(col, L)] = jnp.full((L,), g, jnp.int32)
        return carry

    lax.fori_loop(0, TABW, _sb2, 0)

    plsc.subcore_barrier()

    sdescs = [
        pltpu.async_copy(tf_sh.at[sidx_v.at[r]],
                         spl_v.at[pl.ds(r * 128, 128)], gsem)
        for r in range(NSR)
    ]
    for d in sdescs:
        d.wait()

    def body(t, carry):
        for bf in range(2):
            c = t * 2 + bf
            cc = wid * NCH + c

            @pl.when(c + 1 < NCH)
            def _pf(bf=bf, cc=cc):
                pltpu.async_copy(xt_hbm.at[pl.ds(chunk_src(cc + 1), NI)],
                                 idx_b[1 - bf], isem_b[1 - bf])

            @pl.when(c >= 2)
            def _reclaim(bf=bf):
                pltpu.make_async_copy(
                    out_b[bf], out_hbm.at[0, :, pl.ds(0, NI)],
                    osem_b[bf]).wait()

            pltpu.make_async_copy(
                xt_hbm.at[pl.ds(0, NI)], idx_b[bf], isem_b[bf]).wait()

            @plsc.parallel_loop(0, FEATURES // KB, 1)
            def kblock(kb, bf=bf):
                k0 = kb * KB
                spl = [[spl_v[pl.ds(((v * FEATURES) + k0 + kk) * L, L)]
                        for v in range(VOCAB)] for kk in range(KB)]

                @plsc.parallel_loop(0, NI // L, 1, unroll=IB)
                def iblock(g):
                    x = idx_b[bf][pl.ds(g * L, L)]
                    m1 = x == 1
                    m2 = x == 2
                    m3 = x == 3
                    m4 = x == 4
                    for kk in range(KB):
                        tt = spl[kk]
                        acc = jnp.where(m1, tt[1], tt[0])
                        acc = jnp.where(m2, tt[2], acc)
                        acc = jnp.where(m3, tt[3], acc)
                        acc = jnp.where(m4, tt[4], acc)
                        out_b[bf][k0 + kk, pl.ds(g * L, L)] = acc

            j = cc // NIB
            i0 = (cc % NIB) * NI
            pltpu.async_copy(out_b[bf], out_hbm.at[j, :, pl.ds(i0, NI)],
                             osem_b[bf])
        return carry

    lax.fori_loop(0, NCH // 2, body, 0)
    for bf in range(2):
        pltpu.make_async_copy(
            out_b[bf], out_hbm.at[0, :, pl.ds(0, NI)], osem_b[bf]).wait()


def kernel(X, W, b):
    wt = W.T
    xt = X.T.reshape(-1).astype(jnp.int32)
    out = _embed(wt, b, xt)
    return out.transpose(2, 0, 1)

# --- scband reference (transcript-rebuilt; emitter-appended) ---
"""Pipeline reference for scband-label2-vec-19542101197613 (READ-ONLY COPY).

The authoritative reference and input builder live on the scoring server;
editing this copy changes nothing except your own understanding.
"""

import jax, jax.numpy as jnp
import numpy as np

FEATURES = 64
BATCH = 16384
SEQ = 50
VOCAB = 5

def setup_inputs(seed: int = 0) -> dict:
    key = jax.random.key(seed)
    k1, k2, k3 = jax.random.split(key, 3)
    X = jax.random.randint(k1, (BATCH, SEQ), 0, VOCAB)
    # nn.Linear(5, features): weight [features, 5], bias [features]
    W = jax.random.normal(k2, (FEATURES, VOCAB), dtype=jnp.float32) * 0.1
    b = jax.random.normal(k3, (FEATURES,), dtype=jnp.float32) * 0.1
    return {"X": X, "W": W, "b": b}

def reference(X, W, b):
    X_one_hot = jax.nn.one_hot(X, VOCAB, dtype=jnp.float32)
    batch_size, seq_length = X_one_hot.shape[0], X_one_hot.shape[1]
    X_flat = X_one_hot.reshape(batch_size * seq_length, VOCAB)
    output = X_flat @ W.T + b
    output = output.reshape(batch_size, seq_length, FEATURES)
    return output

if __name__ == "__main__":
    import jax
    _d = setup_inputs()
    print(jax.jit(kernel)(*tuple(_d.values())))

</pallas_src>

<mosaic_0001>
#map = affine_map<(d0, d1) -> (0, 0)>
#map1 = affine_map<(d0, d1) -> (0)>
#map2 = affine_map<(d0, d1) -> (0, 0, 0)>
module attributes {stable_mosaic.version = 14 : i64} {
  func.func @_embed(%arg0: i32, %arg1: i32, %arg2: memref<5x64xf32, #tpu.memory_space<hbm>>, %arg3: memref<64xf32, #tpu.memory_space<hbm>>, %arg4: memref<819200xi32, #tpu.memory_space<hbm>>, %arg5: memref<50x64x16384xf32, #tpu.memory_space<hbm>>, %arg6: memref<5x64xf32, #tpu.memory_space<vmem>>, %arg7: memref<64xf32, #tpu.memory_space<vmem>>, %arg8: memref<320xf32, #tpu.memory_space<vmem>>, %arg9: memref<320xf32, #tpu.memory_space<vmem_shared>>, %arg10: memref<40x128xi32, #tpu.memory_space<vmem>>, %arg11: memref<5120xf32, #tpu.memory_space<vmem>>, %arg12: memref<512xi32, #tpu.memory_space<vmem>>, %arg13: memref<512xi32, #tpu.memory_space<vmem>>, %arg14: memref<64x512xf32, #tpu.memory_space<vmem>>, %arg15: memref<64x512xf32, #tpu.memory_space<vmem>>, %arg16: memref<!tpu.dma_semaphore, #tpu.memory_space<semaphore_mem>>, %arg17: memref<!tpu.dma_semaphore, #tpu.memory_space<semaphore_mem>>, %arg18: memref<!tpu.dma_semaphore, #tpu.memory_space<semaphore_mem>>, %arg19: memref<!tpu.dma_semaphore, #tpu.memory_space<semaphore_mem>>, %arg20: memref<!tpu.dma_semaphore, #tpu.memory_space<semaphore_mem>>) attributes {dimension_semantics = [#tpu.dimension_semantics<core_parallel>, #tpu.dimension_semantics<subcore_parallel>], iteration_bounds = array<i64: 2, 16>, scalar_prefetch = 0 : i64, scratch_operands = 15 : i64, tpu.core_type = #tpu.core_type<sc_vector_subcore>, window_params = [{transform_indices = #map}, {transform_indices = #map1}, {transform_indices = #map1}, {transform_indices = #map2}]} {
    %mul3A = arith.constant 2 : i32
    %mul3A_0 = arith.muli %arg1, %mul3A : i32
    %add3A = arith.addi %mul3A_0, %arg0 : i32
    %eq3A = arith.constant 0 : i32
    %eq3A_1 = arith.cmpi eq, %arg1, %eq3A : i32
    %convert_element_type3A = arith.extui %eq3A_1 : i1 to i32
    %cond3A = arith.constant 0 : i32
    %cond3A_2 = arith.cmpi ne, %convert_element_type3A, %cond3A : i32
    scf.if %cond3A_2 {
      "tpu.region"() ({
        %run_scoped3A = tpu.sem_alloc : memref<!tpu.dma_semaphore, #tpu.memory_space<semaphore_mem>>
        tpu.enqueue_dma source(%arg2 : memref<5x64xf32, #tpu.memory_space<hbm>>) target(%arg6 : memref<5x64xf32, #tpu.memory_space<vmem>>) target_semaphore(%run_scoped3A : memref<!tpu.dma_semaphore, #tpu.memory_space<semaphore_mem>>)
        tpu.wait_dma2 semaphore(%run_scoped3A : memref<!tpu.dma_semaphore, #tpu.memory_space<semaphore_mem>>) src(%arg2 : memref<5x64xf32, #tpu.memory_space<hbm>>) dst(%arg6 : memref<5x64xf32, #tpu.memory_space<vmem>>)
        tpu.yield
      }) : () -> ()
      "tpu.region"() ({
        %run_scoped3A = tpu.sem_alloc : memref<!tpu.dma_semaphore, #tpu.memory_space<semaphore_mem>>
        tpu.enqueue_dma source(%arg3 : memref<64xf32, #tpu.memory_space<hbm>>) target(%arg7 : memref<64xf32, #tpu.memory_space<vmem>>) target_semaphore(%run_scoped3A : memref<!tpu.dma_semaphore, #tpu.memory_space<semaphore_mem>>)
        tpu.wait_dma2 semaphore(%run_scoped3A : memref<!tpu.dma_semaphore, #tpu.memory_space<semaphore_mem>>) src(%arg3 : memref<64xf32, #tpu.memory_space<hbm>>) dst(%arg7 : memref<64xf32, #tpu.memory_space<vmem>>)
        tpu.yield
      }) : () -> ()
      %get3A = arith.constant 0 : i32
      %get3A_710 = arith.index_cast %get3A : i32 to index
      %get3A_711 = arith.constant 0 : index
      %get3A_712 = tpu.vector_load %arg6[%get3A_710, %get3A_711] {strides = array<i32>} : memref<5x64xf32, #tpu.memory_space<vmem>>, vector<1x16xf32>,
      %get3A_713 = vector.shape_cast %get3A_712 : vector<1x16xf32> to vector<16xf32>
      %get3A_714 = arith.constant 0 : index
      %get3A_715 = tpu.vector_load %arg7[%get3A_714] {strides = array<i32>} : memref<64xf32, #tpu.memory_space<vmem>>, vector<16xf32>,
      %get3A_716 = vector.shape_cast %get3A_715 : vector<16xf32> to vector<16xf32>
      %add3A_717 = arith.addf %get3A_713, %get3A_716 : vector<16xf32>
      %swap3A = arith.constant 0 : index
      %swap3A_718 = tpu.vector_load %arg8[%swap3A] {strides = array<i32>} : memref<320xf32, #tpu.memory_space<vmem>>, vector<16xf32>,
      %swap3A_719 = vector.shape_cast %swap3A_718 : vector<16xf32> to vector<16xf32>
      %swap3A_720 = vector.shape_cast %add3A_717 : vector<16xf32> to vector<16xf32>
      tpu.vector_store %arg8[%swap3A], %swap3A_720 {strides = array<i32>} : memref<320xf32, #tpu.memory_space<vmem>>, vector<16xf32>,
      %get3A_721 = arith.constant 0 : i32
      %get3A_722 = arith.index_cast %get3A_721 : i32 to index
      %get3A_723 = arith.constant 16 : index
      %get3A_724 = tpu.vector_load %arg6[%get3A_722, %get3A_723] {strides = array<i32>} : memref<5x64xf32, #tpu.memory_space<vmem>>, vector<1x16xf32>,
      %get3A_725 = vector.shape_cast %get3A_724 : vector<1x16xf32> to vector<16xf32>
      %get3A_726 = arith.constant 16 : index
      %get3A_727 = tpu.vector_load %arg7[%get3A_726] {strides = array<i32>} : memref<64xf32, #tpu.memory_space<vmem>>, vector<16xf32>,
      %get3A_728 = vector.shape_cast %get3A_727 : vector<16xf32> to vector<16xf32>
      %add3A_729 = arith.addf %get3A_725, %get3A_728 : vector<16xf32>
      %swap3A_730 = arith.constant 16 : index
      %swap3A_731 = tpu.vector_load %arg8[%swap3A_730] {strides = array<i32>} : memref<320xf32, #tpu.memory_space<vmem>>, vector<16xf32>,
      %swap3A_732 = vector.shape_cast %swap3A_731 : vector<16xf32> to vector<16xf32>
      %swap3A_733 = vector.shape_cast %add3A_729 : vector<16xf32> to vector<16xf32>
      tpu.vector_store %arg8[%swap3A_730], %swap3A_733 {strides = array<i32>} : memref<320xf32, #tpu.memory_space<vmem>>, vector<16xf32>,
      %get3A_734 = arith.constant 0 : i32
      %get3A_735 = arith.index_cast %get3A_734 : i32 to index
      %get3A_736 = arith.constant 32 : index
      %get3A_737 = tpu.vector_load %arg6[%get3A_735, %get3A_736] {strides = array<i32>} : memref<5x64xf32, #tpu.memory_space<vmem>>, vector<1x16xf32>,
      %get3A_738 = vector.shape_cast %get3A_737 : vector<1x16xf32> to vector<16xf32>
      %get3A_739 = arith.constant 32 : index
      %get3A_740 = tpu.vector_load %arg7[%get3A_739] {strides = array<i32>} : memref<64xf32, #tpu.memory_space<vmem>>, vector<16xf32>,
      %get3A_741 = vector.shape_cast %get3A_740 : vector<16xf32> to vector<16xf32>
      %add3A_742 = arith.addf %get3A_738, %get3A_741 : vector<16xf32>
      %swap3A_743 = arith.constant 32 : index
      %swap3A_744 = tpu.vector_load %arg8[%swap3A_743] {strides = array<i32>} : memref<320xf32, #tpu.memory_space<vmem>>, vector<16xf32>,
      %swap3A_745 = vector.shape_cast %swap3A_744 : vector<16xf32> to vector<16xf32>
      %swap3A_746 = vector.shape_cast %add3A_742 : vector<16xf32> to vector<16xf32>
      tpu.vector_store %arg8[%swap3A_743], %swap3A_746 {strides = array<i32>} : memref<320xf32, #tpu.memory_space<vmem>>, vector<16xf32>,
      %get3A_747 = arith.constant 0 : i32
      %get3A_748 = arith.index_cast %get3A_747 : i32 to index
      %get3A_749 = arith.constant 48 : index
      %get3A_750 = tpu.vector_load %arg6[%get3A_748, %get3A_749] {strides = array<i32>} : memref<5x64xf32, #tpu.memory_space<vmem>>, vector<1x16xf32>,
      %get3A_751 = vector.shape_cast %get3A_750 : vector<1x16xf32> to vector<16xf32>
      %get3A_752 = arith.constant 48 : index
      %get3A_753 = tpu.vector_load %arg7[%get3A_752] {strides = array<i32>} : memref<64xf32, #tpu.memory_space<vmem>>, vector<16xf32>,
      %get3A_754 = vector.shape_cast %get3A_753 : vector<16xf32> to vector<16xf32>
      %add3A_755 = arith.addf %get3A_751, %get3A_754 : vector<16xf32>
      %swap3A_756 = arith.constant 48 : index
      %swap3A_757 = tpu.vector_load %arg8[%swap3A_756] {strides = array<i32>} : memref<320xf32, #tpu.memory_space<vmem>>, vector<16xf32>,
      %swap3A_758 = vector.shape_cast %swap3A_757 : vector<16xf32> to vector<16xf32>
      %swap3A_759 = vector.shape_cast %add3A_755 : vector<16xf32> to vector<16xf32>
      tpu.vector_store %arg8[%swap3A_756], %swap3A_759 {strides = array<i32>} : memref<320xf32, #tpu.memory_space<vmem>>, vector<16xf32>,
      %get3A_760 = arith.constant 1 : i32
      %get3A_761 = arith.index_cast %get3A_760 : i32 to index
      %get3A_762 = arith.constant 0 : index
      %get3A_763 = tpu.vector_load %arg6[%get3A_761, %get3A_762] {strides = array<i32>} : memref<5x64xf32, #tpu.memory_space<vmem>>, vector<1x16xf32>,
      %get3A_764 = vector.shape_cast %get3A_763 : vector<1x16xf32> to vector<16xf32>
      %get3A_765 = arith.constant 0 : index
      %get3A_766 = tpu.vector_load %arg7[%get3A_765] {strides = array<i32>} : memref<64xf32, #tpu.memory_space<vmem>>, vector<16xf32>,
      %get3A_767 = vector.shape_cast %get3A_766 : vector<16xf32> to vector<16xf32>
      %add3A_768 = arith.addf %get3A_764, %get3A_767 : vector<16xf32>
      %swap3A_769 = arith.constant 64 : index
      %swap3A_770 = tpu.vector_load %arg8[%swap3A_769] {strides = array<i32>} : memref<320xf32, #tpu.memory_space<vmem>>, vector<16xf32>,
      %swap3A_771 = vector.shape_cast %swap3A_770 : vector<16xf32> to vector<16xf32>
      %swap3A_772 = vector.shape_cast %add3A_768 : vector<16xf32> to vector<16xf32>
      tpu.vector_store %arg8[%swap3A_769], %swap3A_772 {strides = array<i32>} : memref<320xf32, #tpu.memory_space<vmem>>, vector<16xf32>,
      %get3A_773 = arith.constant 1 : i32
      %get3A_774 = arith.index_cast %get3A_773 : i32 to index
      %get3A_775 = arith.constant 16 : index
      %get3A_776 = tpu.vector_load %arg6[%get3A_774, %get3A_775] {strides = array<i32>} : memref<5x64xf32, #tpu.memory_space<vmem>>, vector<1x16xf32>,
      %get3A_777 = vector.shape_cast %get3A_776 : vector<1x16xf32> to vector<16xf32>
      %get3A_778 = arith.constant 16 : index
      %get3A_779 = tpu.vector_load %arg7[%get3A_778] {strides = array<i32>} : memref<64xf32, #tpu.memory_space<vmem>>, vector<16xf32>,
      %get3A_780 = vector.shape_cast %get3A_779 : vector<16xf32> to vector<16xf32>
      %add3A_781 = arith.addf %get3A_777, %get3A_780 : vector<16xf32>
      %swap3A_782 = arith.constant 80 : index
      %swap3A_783 = tpu.vector_load %arg8[%swap3A_782] {strides = array<i32>} : memref<320xf32, #tpu.memory_space<vmem>>, vector<16xf32>,
      %swap3A_784 = vector.shape_cast %swap3A_783 : vector<16xf32> to vector<16xf32>
      %swap3A_785 = vector.shape_cast %add3A_781 : vector<16xf32> to vector<16xf32>
      tpu.vector_store %arg8[%swap3A_782], %swap3A_785 {strides = array<i32>} : memref<320xf32, #tpu.memory_space<vmem>>, vector<16xf32>,
      %get3A_786 = arith.constant 1 : i32
      %get3A_787 = arith.index_cast %get3A_786 : i32 to index
      %get3A_788 = arith.constant 32 : index
      %get3A_789 = tpu.vector_load %arg6[%get3A_787, %get3A_788] {strides = array<i32>} : memref<5x64xf32, #tpu.memory_space<vmem>>, vector<1x16xf32>,
      %get3A_790 = vector.shape_cast %get3A_789 : vector<1x16xf32> to vector<16xf32>
      %get3A_791 = arith.constant 32 : index
      %get3A_792 = tpu.vector_load %arg7[%get3A_791] {strides = array<i32>} : memref<64xf32, #tpu.memory_space<vmem>>, vector<16xf32>,
      %get3A_793 = vector.shape_cast %get3A_792 : vector<16xf32> to vector<16xf32>
      %add3A_794 = arith.addf %get3A_790, %get3A_793 : vector<16xf32>
      %swap3A_795 = arith.constant 96 : index
      %swap3A_796 = tpu.vector_load %arg8[%swap3A_795] {strides = array<i32>} : memref<320xf32, #tpu.memory_space<vmem>>, vector<16xf32>,
      %swap3A_797 = vector.shape_cast %swap3A_796 : vector<16xf32> to vector<16xf32>
      %swap3A_798 = vector.shape_cast %add3A_794 : vector<16xf32> to vector<16xf32>
      tpu.vector_store %arg8[%swap3A_795], %swap3A_798 {strides = array<i32>} : memref<320xf32, #tpu.memory_space<vmem>>, vector<16xf32>,
      %get3A_799 = arith.constant 1 : i32
      %get3A_800 = arith.index_cast %get3A_799 : i32 to index
      %get3A_801 = arith.constant 48 : index
      %get3A_802 = tpu.vector_load %arg6[%get3A_800, %get3A_801] {strides = array<i32>} : memref<5x64xf32, #tpu.memory_space<vmem>>, vector<1x16xf32>,
      %get3A_803 = vector.shape_cast %get3A_802 : vector<1x16xf32> to vector<16xf32>
      %get3A_804 = arith.constant 48 : index
      %get3A_805 = tpu.vector_load %arg7[%get3A_804] {strides = array<i32>} : memref<64xf32, #tpu.memory_space<vmem>>, vector<16xf32>,
      %get3A_806 = vector.shape_cast %get3A_805 : vector<16xf32> to vector<16xf32>
      %add3A_807 = arith.addf %get3A_803, %get3A_806 : vector<16xf32>
      %swap3A_808 = arith.constant 112 : index
      %swap3A_809 = tpu.vector_load %arg8[%swap3A_808] {strides = array<i32>} : memref<320xf32, #tpu.memory_space<vmem>>, vector<16xf32>,
      %swap3A_810 = vector.shape_cast %swap3A_809 : vector<16xf32> to vector<16xf32>
      %swap3A_811 = vector.shape_cast %add3A_807 : vector<16xf32> to vector<16xf32>
      tpu.vector_store %arg8[%swap3A_808], %swap3A_811 {strides = array<i32>} : memref<320xf32, #tpu.memory_space<vmem>>, vector<16xf32>,
      %get3A_812 = arith.constant 2 : i32
      %get3A_813 = arith.index_cast %get3A_812 : i32 to index
      %get3A_814 = arith.constant 0 : index
      %get3A_815 = tpu.vector_load %arg6[%get3A_813, %get3A_814] {strides = array<i32>} : memref<5x64xf32, #tpu.memory_space<vmem>>, vector<1x16xf32>,
      %get3A_816 = vector.shape_cast %get3A_815 : vector<1x16xf32> to vector<16xf32>
      %get3A_817 = arith.constant 0 : index
      %get3A_818 = tpu.vector_load %arg7[%get3A_817] {strides = array<i32>} : memref<64xf32, #tpu.memory_space<vmem>>, vector<16xf32>,
      %get3A_819 = vector.shape_cast %get3A_818 : vector<16xf32> to vector<16xf32>
      %add3A_820 = arith.addf %get3A_816, %get3A_819 : vector<16xf32>
      %swap3A_821 = arith.constant 128 : index
      %swap3A_822 = tpu.vector_load %arg8[%swap3A_821] {strides = array<i32>} : memref<320xf32, #tpu.memory_space<vmem>>, vector<16xf32>,
      %swap3A_823 = vector.shape_cast %swap3A_822 : vector<16xf32> to vector<16xf32>
      %swap3A_824 = vector.shape_cast %add3A_820 : vector<16xf32> to vector<16xf32>
      tpu.vector_store %arg8[%swap3A_821], %swap3A_824 {strides = array<i32>} : memref<320xf32, #tpu.memory_space<vmem>>, vector<16xf32>,
      %get3A_825 = arith.constant 2 : i32
      %get3A_826 = arith.index_cast %get3A_825 : i32 to index
      %get3A_827 = arith.constant 16 : index
      %get3A_828 = tpu.vector_load %arg6[%get3A_826, %get3A_827] {strides = array<i32>} : memref<5x64xf32, #tpu.memory_space<vmem>>, vector<1x16xf32>,
      %get3A_829 = vector.shape_cast %get3A_828 : vector<1x16xf32> to vector<16xf32>
      %get3A_830 = arith.constant 16 : index
      %get3A_831 = tpu.vector_load %arg7[%get3A_830] {strides = array<i32>} : memref<64xf32, #tpu.memory_space<vmem>>, vector<16xf32>,
      %get3A_832 = vector.shape_cast %get3A_831 : vector<16xf32> to vector<16xf32>
      %add3A_833 = arith.addf %get3A_829, %get3A_832 : vector<16xf32>
      %swap3A_834 = arith.constant 144 : index
      %swap3A_835 = tpu.vector_load %arg8[%swap3A_834] {strides = array<i32>} : memref<320xf32, #tpu.memory_space<vmem>>, vector<16xf32>,
      %swap3A_836 = vector.shape_cast %swap3A_835 : vector<16xf32> to vector<16xf32>
      %swap3A_837 = vector.shape_cast %add3A_833 : vector<16xf32> to vector<16xf32>
      tpu.vector_store %arg8[%swap3A_834], %swap3A_837 {strides = array<i32>} : memref<320xf32, #tpu.memory_space<vmem>>, vector<16xf32>,
      %get3A_838 = arith.constant 2 : i32
      %get3A_839 = arith.index_cast %get3A_838 : i32 to index
      %get3A_840 = arith.constant 32 : index
      %get3A_841 = tpu.vector_load %arg6[%get3A_839, %get3A_840] {strides = array<i32>} : memref<5x64xf32, #tpu.memory_space<vmem>>, vector<1x16xf32>,
      %get3A_842 = vector.shape_cast %get3A_841 : vector<1x16xf32> to vector<16xf32>
      %get3A_843 = arith.constant 32 : index
      %get3A_844 = tpu.vector_load %arg7[%get3A_843] {strides = array<i32>} : memref<64xf32, #tpu.memory_space<vmem>>, vector<16xf32>,
      %get3A_845 = vector.shape_cast %get3A_844 : vector<16xf32> to vector<16xf32>
      %add3A_846 = arith.addf %get3A_842, %get3A_845 : vector<16xf32>
      %swap3A_847 = arith.constant 160 : index
      %swap3A_848 = tpu.vector_load %arg8[%swap3A_847] {strides = array<i32>} : memref<320xf32, #tpu.memory_space<vmem>>, vector<16xf32>,
      %swap3A_849 = vector.shape_cast %swap3A_848 : vector<16xf32> to vector<16xf32>
      %swap3A_850 = vector.shape_cast %add3A_846 : vector<16xf32> to vector<16xf32>
      tpu.vector_store %arg8[%swap3A_847], %swap3A_850 {strides = array<i32>} : memref<320xf32, #tpu.memory_space<vmem>>, vector<16xf32>,
      %get3A_851 = arith.constant 2 : i32
      %get3A_852 = arith.index_cast %get3A_851 : i32 to index
      %get3A_853 = arith.constant 48 : index
      %get3A_854 = tpu.vector_load %arg6[%get3A_852, %get3A_853] {strides = array<i32>} : memref<5x64xf32, #tpu.memory_space<vmem>>, vector<1x16xf32>,
      %get3A_855 = vector.shape_cast %get3A_854 : vector<1x16xf32> to vector<16xf32>
      %get3A_856 = arith.constant 48 : index
      %get3A_857 = tpu.vector_load %arg7[%get3A_856] {strides = array<i32>} : memref<64xf32, #tpu.memory_space<vmem>>, vector<16xf32>,
      %get3A_858 = vector.shape_cast %get3A_857 : vector<16xf32> to vector<16xf32>
      %add3A_859 = arith.addf %get3A_855, %get3A_858 : vector<16xf32>
      %swap3A_860 = arith.constant 176 : index
      %swap3A_861 = tpu.vector_load %arg8[%swap3A_860] {strides = array<i32>} : memref<320xf32, #tpu.memory_space<vmem>>, vector<16xf32>,
      %swap3A_862 = vector.shape_cast %swap3A_861 : vector<16xf32> to vector<16xf32>
      %swap3A_863 = vector.shape_cast %add3A_859 : vector<16xf32> to vector<16xf32>
      tpu.vector_store %arg8[%swap3A_860], %swap3A_863 {strides = array<i32>} : memref<320xf32, #tpu.memory_space<vmem>>, vector<16xf32>,
      %get3A_864 = arith.constant 3 : i32
      %get3A_865 = arith.index_cast %get3A_864 : i32 to index
      %get3A_866 = arith.constant 0 : index
      %get3A_867 = tpu.vector_load %arg6[%get3A_865, %get3A_866] {strides = array<i32>} : memref<5x64xf32, #tpu.memory_space<vmem>>, vector<1x16xf32>,
      %get3A_868 = vector.shape_cast %get3A_867 : vector<1x16xf32> to vector<16xf32>
      %get3A_869 = arith.constant 0 : index
      %get3A_870 = tpu.vector_load %arg7[%get3A_869] {strides = array<i32>} : memref<64xf32, #tpu.memory_space<vmem>>, vector<16xf32>,
      %get3A_871 = vector.shape_cast %get3A_870 : vector<16xf32> to vector<16xf32>
      %add3A_872 = arith.addf %get3A_868, %get3A_871 : vector<16xf32>
      %swap3A_873 = arith.constant 192 : index
      %swap3A_874 = tpu.vector_load %arg8[%swap3A_873] {strides = array<i32>} : memref<320xf32, #tpu.memory_space<vmem>>, vector<16xf32>,
      %swap3A_875 = vector.shape_cast %swap3A_874 : vector<16xf32> to vector<16xf32>
      %swap3A_876 = vector.shape_cast %add3A_872 : vector<16xf32> to vector<16xf32>
      tpu.vector_store %arg8[%swap3A_873], %swap3A_876 {strides = array<i32>} : memref<320xf32, #tpu.memory_space<vmem>>, vector<16xf32>,
      %get3A_877 = arith.constant 3 : i32
      %get3A_878 = arith.index_cast %get3A_877 : i32 to index
      %get3A_879 = arith.constant 16 : index
      %get3A_880 = tpu.vector_load %arg6[%get3A_878, %get3A_879] {strides = array<i32>} : memref<5x64xf32, #tpu.memory_space<vmem>>, vector<1x16xf32>,
      %get3A_881 = vector.shape_cast %get3A_880 : vector<1x16xf32> to vector<16xf32>
      %get3A_882 = arith.constant 16 : index
      %get3A_883 = tpu.vector_load %arg7[%get3A_882] {strides = array<i32>} : memref<64xf32, #tpu.memory_space<vmem>>, vector<16xf32>,
      %get3A_884 = vector.shape_cast %get3A_883 : vector<16xf32> to vector<16xf32>
      %add3A_885 = arith.addf %get3A_881, %get3A_884 : vector<16xf32>
      %swap3A_886 = arith.constant 208 : index
      %swap3A_887 = tpu.vector_load %arg8[%swap3A_886] {strides = array<i32>} : memref<320xf32, #tpu.memory_space<vmem>>, vector<16xf32>,
      %swap3A_888 = vector.shape_cast %swap3A_887 : vector<16xf32> to vector<16xf32>
      %swap3A_889 = vector.shape_cast %add3A_885 : vector<16xf32> to vector<16xf32>
      tpu.vector_store %arg8[%swap3A_886], %swap3A_889 {strides = array<i32>} : memref<320xf32, #tpu.memory_space<vmem>>, vector<16xf32>,
      %get3A_890 = arith.constant 3 : i32
      %get3A_891 = arith.index_cast %get3A_890 : i32 to index
      %get3A_892 = arith.constant 32 : index
      %get3A_893 = tpu.vector_load %arg6[%get3A_891, %get3A_892] {strides = array<i32>} : memref<5x64xf32, #tpu.memory_space<vmem>>, vector<1x16xf32>,
      %get3A_894 = vector.shape_cast %get3A_893 : vector<1x16xf32> to vector<16xf32>
      %get3A_895 = arith.constant 32 : index
      %get3A_896 = tpu.vector_load %arg7[%get3A_895] {strides = array<i32>} : memref<64xf32, #tpu.memory_space<vmem>>, vector<16xf32>,
      %get3A_897 = vector.shape_cast %get3A_896 : vector<16xf32> to vector<16xf32>
      %add3A_898 = arith.addf %get3A_894, %get3A_897 : vector<16xf32>
      %swap3A_899 = arith.constant 224 : index
      %swap3A_900 = tpu.vector_load %arg8[%swap3A_899] {strides = array<i32>} : memref<320xf32, #tpu.memory_space<vmem>>, vector<16xf32>,
      %swap3A_901 = vector.shape_cast %swap3A_900 : vector<16xf32> to vector<16xf32>
      %swap3A_902 = vector.shape_cast %add3A_898 : vector<16xf32> to vector<16xf32>
      tpu.vector_store %arg8[%swap3A_899], %swap3A_902 {strides = array<i32>} : memref<320xf32, #tpu.memory_space<vmem>>, vector<16xf32>,
      %get3A_903 = arith.constant 3 : i32
      %get3A_904 = arith.index_cast %get3A_903 : i32 to index
      %get3A_905 = arith.constant 48 : index
      %get3A_906 = tpu.vector_load %arg6[%get3A_904, %get3A_905] {strides = array<i32>} : memref<5x64xf32, #tpu.memory_space<vmem>>, vector<1x16xf32>,
      %get3A_907 = vector.shape_cast %get3A_906 : vector<1x16xf32> to vector<16xf32>
      %get3A_908 = arith.constant 48 : index
      %get3A_909 = tpu.vector_load %arg7[%get3A_908] {strides = array<i32>} : memref<64xf32, #tpu.memory_space<vmem>>, vector<16xf32>,
      %get3A_910 = vector.shape_cast %get3A_909 : vector<16xf32> to vector<16xf32>
      %add3A_911 = arith.addf %get3A_907, %get3A_910 : vector<16xf32>
      %swap3A_912 = arith.constant 240 : index
      %swap3A_913 = tpu.vector_load %arg8[%swap3A_912] {strides = array<i32>} : memref<320xf32, #tpu.memory_space<vmem>>, vector<16xf32>,
      %swap3A_914 = vector.shape_cast %swap3A_913 : vector<16xf32> to vector<16xf32>
      %swap3A_915 = vector.shape_cast %add3A_911 : vector<16xf32> to vector<16xf32>
      tpu.vector_store %arg8[%swap3A_912], %swap3A_915 {strides = array<i32>} : memref<320xf32, #tpu.memory_space<vmem>>, vector<16xf32>,
      %get3A_916 = arith.constant 4 : i32
      %get3A_917 = arith.index_cast %get3A_916 : i32 to index
      %get3A_918 = arith.constant 0 : index
      %get3A_919 = tpu.vector_load %arg6[%get3A_917, %get3A_918] {strides = array<i32>} : memref<5x64xf32, #tpu.memory_space<vmem>>, vector<1x16xf32>,
      %get3A_920 = vector.shape_cast %get3A_919 : vector<1x16xf32> to vector<16xf32>
      %get3A_921 = arith.constant 0 : index
      %get3A_922 = tpu.vector_load %arg7[%get3A_921] {strides = array<i32>} : memref<64xf32, #tpu.memory_space<vmem>>, vector<16xf32>,
      %get3A_923 = vector.shape_cast %get3A_922 : vector<16xf32> to vector<16xf32>
      %add3A_924 = arith.addf %get3A_920, %get3A_923 : vector<16xf32>
      %swap3A_925 = arith.constant 256 : index
      %swap3A_926 = tpu.vector_load %arg8[%swap3A_925] {strides = array<i32>} : memref<320xf32, #tpu.memory_space<vmem>>, vector<16xf32>,
      %swap3A_927 = vector.shape_cast %swap3A_926 : vector<16xf32> to vector<16xf32>
      %swap3A_928 = vector.shape_cast %add3A_924 : vector<16xf32> to vector<16xf32>
      tpu.vector_store %arg8[%swap3A_925], %swap3A_928 {strides = array<i32>} : memref<320xf32, #tpu.memory_space<vmem>>, vector<16xf32>,
      %get3A_929 = arith.constant 4 : i32
      %get3A_930 = arith.index_cast %get3A_929 : i32 to index
      %get3A_931 = arith.constant 16 : index
      %get3A_932 = tpu.vector_load %arg6[%get3A_930, %get3A_931] {strides = array<i32>} : memref<5x64xf32, #tpu.memory_space<vmem>>, vector<1x16xf32>,
      %get3A_933 = vector.shape_cast %get3A_932 : vector<1x16xf32> to vector<16xf32>
      %get3A_934 = arith.constant 16 : index
      %get3A_935 = tpu.vector_load %arg7[%get3A_934] {strides = array<i32>} : memref<64xf32, #tpu.memory_space<vmem>>, vector<16xf32>,
      %get3A_936 = vector.shape_cast %get3A_935 : vector<16xf32> to vector<16xf32>
      %add3A_937 = arith.addf %get3A_933, %get3A_936 : vector<16xf32>
      %swap3A_938 = arith.constant 272 : index
      %swap3A_939 = tpu.vector_load %arg8[%swap3A_938] {strides = array<i32>} : memref<320xf32, #tpu.memory_space<vmem>>, vector<16xf32>,
      %swap3A_940 = vector.shape_cast %swap3A_939 : vector<16xf32> to vector<16xf32>
      %swap3A_941 = vector.shape_cast %add3A_937 : vector<16xf32> to vector<16xf32>
      tpu.vector_store %arg8[%swap3A_938], %swap3A_941 {strides = array<i32>} : memref<320xf32, #tpu.memory_space<vmem>>, vector<16xf32>,
      %get3A_942 = arith.constant 4 : i32
      %get3A_943 = arith.index_cast %get3A_942 : i32 to index
      %get3A_944 = arith.constant 32 : index
      %get3A_945 = tpu.vector_load %arg6[%get3A_943, %get3A_944] {strides = array<i32>} : memref<5x64xf32, #tpu.memory_space<vmem>>, vector<1x16xf32>,
      %get3A_946 = vector.shape_cast %get3A_945 : vector<1x16xf32> to vector<16xf32>
      %get3A_947 = arith.constant 32 : index
      %get3A_948 = tpu.vector_load %arg7[%get3A_947] {strides = array<i32>} : memref<64xf32, #tpu.memory_space<vmem>>, vector<16xf32>,
      %get3A_949 = vector.shape_cast %get3A_948 : vector<16xf32> to vector<16xf32>
      %add3A_950 = arith.addf %get3A_946, %get3A_949 : vector<16xf32>
      %swap3A_951 = arith.constant 288 : index
      %swap3A_952 = tpu.vector_load %arg8[%swap3A_951] {strides = array<i32>} : memref<320xf32, #tpu.memory_space<vmem>>, vector<16xf32>,
      %swap3A_953 = vector.shape_cast %swap3A_952 : vector<16xf32> to vector<16xf32>
      %swap3A_954 = vector.shape_cast %add3A_950 : vector<16xf32> to vector<16xf32>
      tpu.vector_store %arg8[%swap3A_951], %swap3A_954 {strides = array<i32>} : memref<320xf32, #tpu.memory_space<vmem>>, vector<16xf32>,
      %get3A_955 = arith.constant 4 : i32
      %get3A_956 = arith.index_cast %get3A_955 : i32 to index
      %get3A_957 = arith.constant 48 : index
      %get3A_958 = tpu.vector_load %arg6[%get3A_956, %get3A_957] {strides = array<i32>} : memref<5x64xf32, #tpu.memory_space<vmem>>, vector<1x16xf32>,
      %get3A_959 = vector.shape_cast %get3A_958 : vector<1x16xf32> to vector<16xf32>
      %get3A_960 = arith.constant 48 : index
      %get3A_961 = tpu.vector_load %arg7[%get3A_960] {strides = array<i32>} : memref<64xf32, #tpu.memory_space<vmem>>, vector<16xf32>,
      %get3A_962 = vector.shape_cast %get3A_961 : vector<16xf32> to vector<16xf32>
      %add3A_963 = arith.addf %get3A_959, %get3A_962 : vector<16xf32>
      %swap3A_964 = arith.constant 304 : index
      %swap3A_965 = tpu.vector_load %arg8[%swap3A_964] {strides = array<i32>} : memref<320xf32, #tpu.memory_space<vmem>>, vector<16xf32>,
      %swap3A_966 = vector.shape_cast %swap3A_965 : vector<16xf32> to vector<16xf32>
      %swap3A_967 = vector.shape_cast %add3A_963 : vector<16xf32> to vector<16xf32>
      tpu.vector_store %arg8[%swap3A_964], %swap3A_967 {strides = array<i32>} : memref<320xf32, #tpu.memory_space<vmem>>, vector<16xf32>,
      "tpu.region"() ({
        %run_scoped3A = tpu.sem_alloc : memref<!tpu.dma_semaphore, #tpu.memory_space<semaphore_mem>>
        tpu.enqueue_dma source(%arg8 : memref<320xf32, #tpu.memory_space<vmem>>) target(%arg9 : memref<320xf32, #tpu.memory_space<vmem_shared>>) target_semaphore(%run_scoped3A : memref<!tpu.dma_semaphore, #tpu.memory_space<semaphore_mem>>)
        tpu.wait_dma2 semaphore(%run_scoped3A : memref<!tpu.dma_semaphore, #tpu.memory_space<semaphore_mem>>) src(%arg8 : memref<320xf32, #tpu.memory_space<vmem>>) dst(%arg9 : memref<320xf32, #tpu.memory_space<vmem_shared>>)
        tpu.yield
      }) : () -> ()
    } else {
    }
    %mul3A_3 = arith.constant 50 : i32
    %mul3A_4 = arith.muli %add3A, %mul3A_3 : i32
    %jit3A = arith.constant 32 : i32
    %div3A = arith.divsi %mul3A_4, %jit3A : i32
    %sign3A = arith.constant 0 : i32
    %sign3A_5 = arith.cmpi sgt, %mul3A_4, %sign3A : i32
    %sign3A_6 = arith.extui %sign3A_5 : i1 to i32
    %sign3A_7 = arith.constant 0 : i32
    %sign3A_8 = arith.cmpi slt, %mul3A_4, %sign3A_7 : i32
    %sign3A_9 = arith.extui %sign3A_8 : i1 to i32
    %sign3A_10 = arith.subi %sign3A_6, %sign3A_9 : i32
    %sign3A_11 = arith.constant 0 : i32
    %sign3A_12 = arith.cmpi sgt, %jit3A, %sign3A_11 : i32
    %sign3A_13 = arith.extui %sign3A_12 : i1 to i32
    %sign3A_14 = arith.constant 0 : i32
    %sign3A_15 = arith.cmpi slt, %jit3A, %sign3A_14 : i32
    %sign3A_16 = arith.extui %sign3A_15 : i1 to i32
    %sign3A_17 = arith.subi %sign3A_13, %sign3A_16 : i32
    %ne3A = arith.cmpi ne, %sign3A_10, %sign3A_17 : i32
    %rem3A = arith.remsi %mul3A_4, %jit3A : i32
    %ne3A_18 = arith.constant 0 : i32
    %ne3A_19 = arith.cmpi ne, %rem3A, %ne3A_18 : i32
    %and3A = arith.andi %ne3A, %ne3A_19 : i1
    %sub3A = arith.constant 1 : i32
    %sub3A_20 = arith.subi %div3A, %sub3A : i32
    %select_n3A = arith.select %and3A, %sub3A_20, %div3A : i32
    %jit3A_21 = arith.constant 32 : i32
    %eq3A_22 = arith.constant 0 : i32
    %eq3A_23 = arith.cmpi eq, %jit3A_21, %eq3A_22 : i32
    %jit3A_24 = arith.constant 1 : i32
    %select_n3A_25 = arith.select %eq3A_23, %jit3A_24, %jit3A_21 : i32
    %rem3A_26 = arith.remsi %mul3A_4, %select_n3A_25 : i32
    %ne3A_27 = arith.constant 0 : i32
    %ne3A_28 = arith.cmpi ne, %rem3A_26, %ne3A_27 : i32
    %lt3A = arith.constant 0 : i32
    %lt3A_29 = arith.cmpi slt, %rem3A_26, %lt3A : i32
    %lt3A_30 = arith.constant 0 : i32
    %lt3A_31 = arith.cmpi slt, %select_n3A_25, %lt3A_30 : i32
    %ne3A_32 = arith.xori %lt3A_29, %lt3A_31 : i1
    %and3A_33 = arith.andi %ne3A_32, %ne3A_28 : i1
    %add3A_34 = arith.addi %rem3A_26, %select_n3A_25 : i32
    %select_n3A_35 = arith.select %and3A_33, %add3A_34, %rem3A_26 : i32
    %mul3A_36 = arith.constant 512 : i32
    %mul3A_37 = arith.muli %select_n3A_35, %mul3A_36 : i32
    %mul3A_38 = arith.constant 16384 : i32
    %mul3A_39 = arith.muli %select_n3A, %mul3A_38 : i32
    %add3A_40 = arith.addi %mul3A_39, %mul3A_37 : i32
    %dma_start3A = tpu.memref_slice %arg4[%add3A_40] : memref<819200xi32, #tpu.memory_space<hbm>> -> memref<512xi32, #tpu.memory_space<hbm>>
    %dma_start3A_41 = tpu.memref_slice %arg4[%add3A_40] : memref<819200xi32, #tpu.memory_space<hbm>> -> memref<512xi32, #tpu.memory_space<hbm>>
    tpu.enqueue_dma source(%dma_start3A_41 : memref<512xi32, #tpu.memory_space<hbm>>) target(%arg12 : memref<512xi32, #tpu.memory_space<vmem>>) target_semaphore(%arg17 : memref<!tpu.dma_semaphore, #tpu.memory_space<semaphore_mem>>)
    %scan3A = arith.constant 0 : i32
    %scan3A_42 = arith.constant 0 : i32
    %scan3A_43 = arith.constant 320 : i32
    %scan3A_44 = arith.addi %scan3A_42, %scan3A_43 : i32
    %scan3A_45 = arith.constant 1 : i32
    scf.for %scan3A_710 = %scan3A_42 to %scan3A_44 step %scan3A_45  : i32 {
      %jit3A_711 = arith.constant 8 : i32
      %div3A_712 = arith.divsi %scan3A_710, %jit3A_711 : i32
      %sign3A_713 = arith.constant 0 : i32
      %sign3A_714 = arith.cmpi sgt, %scan3A_710, %sign3A_713 : i32
      %sign3A_715 = arith.extui %sign3A_714 : i1 to i32
      %sign3A_716 = arith.constant 0 : i32
      %sign3A_717 = arith.cmpi slt, %scan3A_710, %sign3A_716 : i32
      %sign3A_718 = arith.extui %sign3A_717 : i1 to i32
      %sign3A_719 = arith.subi %sign3A_715, %sign3A_718 : i32
      %sign3A_720 = arith.constant 0 : i32
      %sign3A_721 = arith.cmpi sgt, %jit3A_711, %sign3A_720 : i32
      %sign3A_722 = arith.extui %sign3A_721 : i1 to i32
      %sign3A_723 = arith.constant 0 : i32
      %sign3A_724 = arith.cmpi slt, %jit3A_711, %sign3A_723 : i32
      %sign3A_725 = arith.extui %sign3A_724 : i1 to i32
      %sign3A_726 = arith.subi %sign3A_722, %sign3A_725 : i32
      %ne3A_727 = arith.cmpi ne, %sign3A_719, %sign3A_726 : i32
      %rem3A_728 = arith.remsi %scan3A_710, %jit3A_711 : i32
      %ne3A_729 = arith.constant 0 : i32
      %ne3A_730 = arith.cmpi ne, %rem3A_728, %ne3A_729 : i32
      %and3A_731 = arith.andi %ne3A_727, %ne3A_730 : i1
      %sub3A_732 = arith.constant 1 : i32
      %sub3A_733 = arith.subi %div3A_712, %sub3A_732 : i32
      %select_n3A_734 = arith.select %and3A_731, %sub3A_733, %div3A_712 : i32
      %jit3A_735 = arith.constant 8 : i32
      %eq3A_736 = arith.constant 0 : i32
      %eq3A_737 = arith.cmpi eq, %jit3A_735, %eq3A_736 : i32
      %jit3A_738 = arith.constant 1 : i32
      %select_n3A_739 = arith.select %eq3A_737, %jit3A_738, %jit3A_735 : i32
      %rem3A_740 = arith.remsi %scan3A_710, %select_n3A_739 : i32
      %ne3A_741 = arith.constant 0 : i32
      %ne3A_742 = arith.cmpi ne, %rem3A_740, %ne3A_741 : i32
      %lt3A_743 = arith.constant 0 : i32
      %lt3A_744 = arith.cmpi slt, %rem3A_740, %lt3A_743 : i32
      %lt3A_745 = arith.constant 0 : i32
      %lt3A_746 = arith.cmpi slt, %select_n3A_739, %lt3A_745 : i32
      %ne3A_747 = arith.xori %lt3A_744, %lt3A_746 : i1
      %and3A_748 = arith.andi %ne3A_747, %ne3A_742 : i1
      %add3A_749 = arith.addi %rem3A_740, %select_n3A_739 : i32
      %select_n3A_750 = arith.select %and3A_748, %add3A_749, %rem3A_740 : i32
      %mul3A_751 = arith.constant 16 : i32
      %mul3A_752 = arith.muli %select_n3A_750, %mul3A_751 : i32
      %broadcast_in_dim3A = vector.broadcast %scan3A_710 : i32 to vector<16xi32>
      %swap3A = arith.index_cast %select_n3A_734 : i32 to index
      %swap3A_753 = arith.index_cast %mul3A_752 : i32 to index
      %swap3A_754 = tpu.vector_load %arg10[%swap3A, %swap3A_753] {strides = array<i32>} : memref<40x128xi32, #tpu.memory_space<vmem>>, vector<1x16xi32>,
      %swap3A_755 = vector.shape_cast %swap3A_754 : vector<1x16xi32> to vector<16xi32>
      %swap3A_756 = vector.shape_cast %broadcast_in_dim3A : vector<16xi32> to vector<1x16xi32>
      tpu.vector_store %arg10[%swap3A, %swap3A_753], %swap3A_756 {strides = array<i32>} : memref<40x128xi32, #tpu.memory_space<vmem>>, vector<1x16xi32>,
    }
    %scan3A_46 = arith.constant 320 : i32
    %barrier3A = arith.constant 0 : index
    tpu.barrier barrier_id(%barrier3A)
    %dma_start3A_47 = arith.constant 0 : i32
    %dma_start3A_48 = arith.constant 0 : i32
    %dma_start3A_49 = tpu.memref_slice %arg11[%dma_start3A_48] : memref<5120xf32, #tpu.memory_space<vmem>> -> memref<128xf32, #tpu.memory_space<vmem>>
    %dma_start3A_50 = arith.constant 0 : i32
    %dma_start3A_51 = tpu.memref_slice %arg10[%dma_start3A_47, %dma_start3A_50] : memref<40x128xi32, #tpu.memory_space<vmem>> -> memref<1x128xi32, #tpu.memory_space<vmem>>
    %dma_start3A_52 = tpu.memref_squeeze %dma_start3A_51 : memref<1x128xi32, #tpu.memory_space<vmem>> -> memref<128xi32, #tpu.memory_space<vmem>>
    %dma_start3A_53 = arith.constant 0 : i32
    %dma_start3A_54 = tpu.memref_slice %arg9[%dma_start3A_53] : memref<320xf32, #tpu.memory_space<vmem_shared>> -> memref<320xf32, #tpu.memory_space<vmem_shared>>
    tpu.enqueue_indirect_dma source(%dma_start3A_54 : memref<320xf32, #tpu.memory_space<vmem_shared>>) target(%dma_start3A_49 : memref<128xf32, #tpu.memory_space<vmem>>) offsets(%dma_start3A_52 : memref<128xi32, #tpu.memory_space<vmem>>) semaphore(%arg16 : memref<!tpu.dma_semaphore, #tpu.memory_space<semaphore_mem>>)
    %dma_start3A_55 = arith.constant 1 : i32
    %dma_start3A_56 = arith.constant 128 : i32
    %dma_start3A_57 = tpu.memref_slice %arg11[%dma_start3A_56] : memref<5120xf32, #tpu.memory_space<vmem>> -> memref<128xf32, #tpu.memory_space<vmem>>
    %dma_start3A_58 = arith.constant 0 : i32
    %dma_start3A_59 = tpu.memref_slice %arg10[%dma_start3A_55, %dma_start3A_58] : memref<40x128xi32, #tpu.memory_space<vmem>> -> memref<1x128xi32, #tpu.memory_space<vmem>>
    %dma_start3A_60 = tpu.memref_squeeze %dma_start3A_59 : memref<1x128xi32, #tpu.memory_space<vmem>> -> memref<128xi32, #tpu.memory_space<vmem>>
    %dma_start3A_61 = arith.constant 0 : i32
    %dma_start3A_62 = tpu.memref_slice %arg9[%dma_start3A_61] : memref<320xf32, #tpu.memory_space<vmem_shared>> -> memref<320xf32, #tpu.memory_space<vmem_shared>>
    tpu.enqueue_indirect_dma source(%dma_start3A_62 : memref<320xf32, #tpu.memory_space<vmem_shared>>) target(%dma_start3A_57 : memref<128xf32, #tpu.memory_space<vmem>>) offsets(%dma_start3A_60 : memref<128xi32, #tpu.memory_space<vmem>>) semaphore(%arg16 : memref<!tpu.dma_semaphore, #tpu.memory_space<semaphore_mem>>)
    %dma_start3A_63 = arith.constant 2 : i32
    %dma_start3A_64 = arith.constant 256 : i32
    %dma_start3A_65 = tpu.memref_slice %arg11[%dma_start3A_64] : memref<5120xf32, #tpu.memory_space<vmem>> -> memref<128xf32, #tpu.memory_space<vmem>>
    %dma_start3A_66 = arith.constant 0 : i32
    %dma_start3A_67 = tpu.memref_slice %arg10[%dma_start3A_63, %dma_start3A_66] : memref<40x128xi32, #tpu.memory_space<vmem>> -> memref<1x128xi32, #tpu.memory_space<vmem>>
    %dma_start3A_68 = tpu.memref_squeeze %dma_start3A_67 : memref<1x128xi32, #tpu.memory_space<vmem>> -> memref<128xi32, #tpu.memory_space<vmem>>
    %dma_start3A_69 = arith.constant 0 : i32
    %dma_start3A_70 = tpu.memref_slice %arg9[%dma_start3A_69] : memref<320xf32, #tpu.memory_space<vmem_shared>> -> memref<320xf32, #tpu.memory_space<vmem_shared>>
    tpu.enqueue_indirect_dma source(%dma_start3A_70 : memref<320xf32, #tpu.memory_space<vmem_shared>>) target(%dma_start3A_65 : memref<128xf32, #tpu.memory_space<vmem>>) offsets(%dma_start3A_68 : memref<128xi32, #tpu.memory_space<vmem>>) semaphore(%arg16 : memref<!tpu.dma_semaphore, #tpu.memory_space<semaphore_mem>>)
    %dma_start3A_71 = arith.constant 3 : i32
    %dma_start3A_72 = arith.constant 384 : i32
    %dma_start3A_73 = tpu.memref_slice %arg11[%dma_start3A_72] : memref<5120xf32, #tpu.memory_space<vmem>> -> memref<128xf32, #tpu.memory_space<vmem>>
    %dma_start3A_74 = arith.constant 0 : i32
    %dma_start3A_75 = tpu.memref_slice %arg10[%dma_start3A_71, %dma_start3A_74] : memref<40x128xi32, #tpu.memory_space<vmem>> -> memref<1x128xi32, #tpu.memory_space<vmem>>
    %dma_start3A_76 = tpu.memref_squeeze %dma_start3A_75 : memref<1x128xi32, #tpu.memory_space<vmem>> -> memref<128xi32, #tpu.memory_space<vmem>>
    %dma_start3A_77 = arith.constant 0 : i32
    %dma_start3A_78 = tpu.memref_slice %arg9[%dma_start3A_77] : memref<320xf32, #tpu.memory_space<vmem_shared>> -> memref<320xf32, #tpu.memory_space<vmem_shared>>
    tpu.enqueue_indirect_dma source(%dma_start3A_78 : memref<320xf32, #tpu.memory_space<vmem_shared>>) target(%dma_start3A_73 : memref<128xf32, #tpu.memory_space<vmem>>) offsets(%dma_start3A_76 : memref<128xi32, #tpu.memory_space<vmem>>) semaphore(%arg16 : memref<!tpu.dma_semaphore, #tpu.memory_space<semaphore_mem>>)
    %dma_start3A_79 = arith.constant 4 : i32
    %dma_start3A_80 = arith.constant 512 : i32
    %dma_start3A_81 = tpu.memref_slice %arg11[%dma_start3A_80] : memref<5120xf32, #tpu.memory_space<vmem>> -> memref<128xf32, #tpu.memory_space<vmem>>
    %dma_start3A_82 = arith.constant 0 : i32
    %dma_start3A_83 = tpu.memref_slice %arg10[%dma_start3A_79, %dma_start3A_82] : memref<40x128xi32, #tpu.memory_space<vmem>> -> memref<1x128xi32, #tpu.memory_space<vmem>>
    %dma_start3A_84 = tpu.memref_squeeze %dma_start3A_83 : memref<1x128xi32, #tpu.memory_space<vmem>> -> memref<128xi32, #tpu.memory_space<vmem>>
    %dma_start3A_85 = arith.constant 0 : i32
    %dma_start3A_86 = tpu.memref_slice %arg9[%dma_start3A_85] : memref<320xf32, #tpu.memory_space<vmem_shared>> -> memref<320xf32, #tpu.memory_space<vmem_shared>>
    tpu.enqueue_indirect_dma source(%dma_start3A_86 : memref<320xf32, #tpu.memory_space<vmem_shared>>) target(%dma_start3A_81 : memref<128xf32, #tpu.memory_space<vmem>>) offsets(%dma_start3A_84 : memref<128xi32, #tpu.memory_space<vmem>>) semaphore(%arg16 : memref<!tpu.dma_semaphore, #tpu.memory_space<semaphore_mem>>)
    %dma_start3A_87 = arith.constant 5 : i32
    %dma_start3A_88 = arith.constant 640 : i32
    %dma_start3A_89 = tpu.memref_slice %arg11[%dma_start3A_88] : memref<5120xf32, #tpu.memory_space<vmem>> -> memref<128xf32, #tpu.memory_space<vmem>>
    %dma_start3A_90 = arith.constant 0 : i32
    %dma_start3A_91 = tpu.memref_slice %arg10[%dma_start3A_87, %dma_start3A_90] : memref<40x128xi32, #tpu.memory_space<vmem>> -> memref<1x128xi32, #tpu.memory_space<vmem>>
    %dma_start3A_92 = tpu.memref_squeeze %dma_start3A_91 : memref<1x128xi32, #tpu.memory_space<vmem>> -> memref<128xi32, #tpu.memory_space<vmem>>
    %dma_start3A_93 = arith.constant 0 : i32
    %dma_start3A_94 = tpu.memref_slice %arg9[%dma_start3A_93] : memref<320xf32, #tpu.memory_space<vmem_shared>> -> memref<320xf32, #tpu.memory_space<vmem_shared>>
    tpu.enqueue_indirect_dma source(%dma_start3A_94 : memref<320xf32, #tpu.memory_space<vmem_shared>>) target(%dma_start3A_89 : memref<128xf32, #tpu.memory_space<vmem>>) offsets(%dma_start3A_92 : memref<128xi32, #tpu.memory_space<vmem>>) semaphore(%arg16 : memref<!tpu.dma_semaphore, #tpu.memory_space<semaphore_mem>>)
    %dma_start3A_95 = arith.constant 6 : i32
    %dma_start3A_96 = arith.constant 768 : i32
    %dma_start3A_97 = tpu.memref_slice %arg11[%dma_start3A_96] : memref<5120xf32, #tpu.memory_space<vmem>> -> memref<128xf32, #tpu.memory_space<vmem>>
    %dma_start3A_98 = arith.constant 0 : i32
    %dma_start3A_99 = tpu.memref_slice %arg10[%dma_start3A_95, %dma_start3A_98] : memref<40x128xi32, #tpu.memory_space<vmem>> -> memref<1x128xi32, #tpu.memory_space<vmem>>
    %dma_start3A_100 = tpu.memref_squeeze %dma_start3A_99 : memref<1x128xi32, #tpu.memory_space<vmem>> -> memref<128xi32, #tpu.memory_space<vmem>>
    %dma_start3A_101 = arith.constant 0 : i32
    %dma_start3A_102 = tpu.memref_slice %arg9[%dma_start3A_101] : memref<320xf32, #tpu.memory_space<vmem_shared>> -> memref<320xf32, #tpu.memory_space<vmem_shared>>
    tpu.enqueue_indirect_dma source(%dma_start3A_102 : memref<320xf32, #tpu.memory_space<vmem_shared>>) target(%dma_start3A_97 : memref<128xf32, #tpu.memory_space<vmem>>) offsets(%dma_start3A_100 : memref<128xi32, #tpu.memory_space<vmem>>) semaphore(%arg16 : memref<!tpu.dma_semaphore, #tpu.memory_space<semaphore_mem>>)
    %dma_start3A_103 = arith.constant 7 : i32
    %dma_start3A_104 = arith.constant 896 : i32
    %dma_start3A_105 = tpu.memref_slice %arg11[%dma_start3A_104] : memref<5120xf32, #tpu.memory_space<vmem>> -> memref<128xf32, #tpu.memory_space<vmem>>
    %dma_start3A_106 = arith.constant 0 : i32
    %dma_start3A_107 = tpu.memref_slice %arg10[%dma_start3A_103, %dma_start3A_106] : memref<40x128xi32, #tpu.memory_space<vmem>> -> memref<1x128xi32, #tpu.memory_space<vmem>>
    %dma_start3A_108 = tpu.memref_squeeze %dma_start3A_107 : memref<1x128xi32, #tpu.memory_space<vmem>> -> memref<128xi32, #tpu.memory_space<vmem>>
    %dma_start3A_109 = arith.constant 0 : i32
    %dma_start3A_110 = tpu.memref_slice %arg9[%dma_start3A_109] : memref<320xf32, #tpu.memory_space<vmem_shared>> -> memref<320xf32, #tpu.memory_space<vmem_shared>>
    tpu.enqueue_indirect_dma source(%dma_start3A_110 : memref<320xf32, #tpu.memory_space<vmem_shared>>) target(%dma_start3A_105 : memref<128xf32, #tpu.memory_space<vmem>>) offsets(%dma_start3A_108 : memref<128xi32, #tpu.memory_space<vmem>>) semaphore(%arg16 : memref<!tpu.dma_semaphore, #tpu.memory_space<semaphore_mem>>)
    %dma_start3A_111 = arith.constant 8 : i32
    %dma_start3A_112 = arith.constant 1024 : i32
    %dma_start3A_113 = tpu.memref_slice %arg11[%dma_start3A_112] : memref<5120xf32, #tpu.memory_space<vmem>> -> memref<128xf32, #tpu.memory_space<vmem>>
    %dma_start3A_114 = arith.constant 0 : i32
    %dma_start3A_115 = tpu.memref_slice %arg10[%dma_start3A_111, %dma_start3A_114] : memref<40x128xi32, #tpu.memory_space<vmem>> -> memref<1x128xi32, #tpu.memory_space<vmem>>
    %dma_start3A_116 = tpu.memref_squeeze %dma_start3A_115 : memref<1x128xi32, #tpu.memory_space<vmem>> -> memref<128xi32, #tpu.memory_space<vmem>>
    %dma_start3A_117 = arith.constant 0 : i32
    %dma_start3A_118 = tpu.memref_slice %arg9[%dma_start3A_117] : memref<320xf32, #tpu.memory_space<vmem_shared>> -> memref<320xf32, #tpu.memory_space<vmem_shared>>
    tpu.enqueue_indirect_dma source(%dma_start3A_118 : memref<320xf32, #tpu.memory_space<vmem_shared>>) target(%dma_start3A_113 : memref<128xf32, #tpu.memory_space<vmem>>) offsets(%dma_start3A_116 : memref<128xi32, #tpu.memory_space<vmem>>) semaphore(%arg16 : memref<!tpu.dma_semaphore, #tpu.memory_space<semaphore_mem>>)
    %dma_start3A_119 = arith.constant 9 : i32
    %dma_start3A_120 = arith.constant 1152 : i32
    %dma_start3A_121 = tpu.memref_slice %arg11[%dma_start3A_120] : memref<5120xf32, #tpu.memory_space<vmem>> -> memref<128xf32, #tpu.memory_space<vmem>>
    %dma_start3A_122 = arith.constant 0 : i32
    %dma_start3A_123 = tpu.memref_slice %arg10[%dma_start3A_119, %dma_start3A_122] : memref<40x128xi32, #tpu.memory_space<vmem>> -> memref<1x128xi32, #tpu.memory_space<vmem>>
    %dma_start3A_124 = tpu.memref_squeeze %dma_start3A_123 : memref<1x128xi32, #tpu.memory_space<vmem>> -> memref<128xi32, #tpu.memory_space<vmem>>
    %dma_start3A_125 = arith.constant 0 : i32
    %dma_start3A_126 = tpu.memref_slice %arg9[%dma_start3A_125] : memref<320xf32, #tpu.memory_space<vmem_shared>> -> memref<320xf32, #tpu.memory_space<vmem_shared>>
    tpu.enqueue_indirect_dma source(%dma_start3A_126 : memref<320xf32, #tpu.memory_space<vmem_shared>>) target(%dma_start3A_121 : memref<128xf32, #tpu.memory_space<vmem>>) offsets(%dma_start3A_124 : memref<128xi32, #tpu.memory_space<vmem>>) semaphore(%arg16 : memref<!tpu.dma_semaphore, #tpu.memory_space<semaphore_mem>>)
    %dma_start3A_127 = arith.constant 10 : i32
    %dma_start3A_128 = arith.constant 1280 : i32
    %dma_start3A_129 = tpu.memref_slice %arg11[%dma_start3A_128] : memref<5120xf32, #tpu.memory_space<vmem>> -> memref<128xf32, #tpu.memory_space<vmem>>
    %dma_start3A_130 = arith.constant 0 : i32
    %dma_start3A_131 = tpu.memref_slice %arg10[%dma_start3A_127, %dma_start3A_130] : memref<40x128xi32, #tpu.memory_space<vmem>> -> memref<1x128xi32, #tpu.memory_space<vmem>>
    %dma_start3A_132 = tpu.memref_squeeze %dma_start3A_131 : memref<1x128xi32, #tpu.memory_space<vmem>> -> memref<128xi32, #tpu.memory_space<vmem>>
    %dma_start3A_133 = arith.constant 0 : i32
    %dma_start3A_134 = tpu.memref_slice %arg9[%dma_start3A_133] : memref<320xf32, #tpu.memory_space<vmem_shared>> -> memref<320xf32, #tpu.memory_space<vmem_shared>>
    tpu.enqueue_indirect_dma source(%dma_start3A_134 : memref<320xf32, #tpu.memory_space<vmem_shared>>) target(%dma_start3A_129 : memref<128xf32, #tpu.memory_space<vmem>>) offsets(%dma_start3A_132 : memref<128xi32, #tpu.memory_space<vmem>>) semaphore(%arg16 : memref<!tpu.dma_semaphore, #tpu.memory_space<semaphore_mem>>)
    %dma_start3A_135 = arith.constant 11 : i32
    %dma_start3A_136 = arith.constant 1408 : i32
    %dma_start3A_137 = tpu.memref_slice %arg11[%dma_start3A_136] : memref<5120xf32, #tpu.memory_space<vmem>> -> memref<128xf32, #tpu.memory_space<vmem>>
    %dma_start3A_138 = arith.constant 0 : i32
    %dma_start3A_139 = tpu.memref_slice %arg10[%dma_start3A_135, %dma_start3A_138] : memref<40x128xi32, #tpu.memory_space<vmem>> -> memref<1x128xi32, #tpu.memory_space<vmem>>
    %dma_start3A_140 = tpu.memref_squeeze %dma_start3A_139 : memref<1x128xi32, #tpu.memory_space<vmem>> -> memref<128xi32, #tpu.memory_space<vmem>>
    %dma_start3A_141 = arith.constant 0 : i32
    %dma_start3A_142 = tpu.memref_slice %arg9[%dma_start3A_141] : memref<320xf32, #tpu.memory_space<vmem_shared>> -> memref<320xf32, #tpu.memory_space<vmem_shared>>
    tpu.enqueue_indirect_dma source(%dma_start3A_142 : memref<320xf32, #tpu.memory_space<vmem_shared>>) target(%dma_start3A_137 : memref<128xf32, #tpu.memory_space<vmem>>) offsets(%dma_start3A_140 : memref<128xi32, #tpu.memory_space<vmem>>) semaphore(%arg16 : memref<!tpu.dma_semaphore, #tpu.memory_space<semaphore_mem>>)
    %dma_start3A_143 = arith.constant 12 : i32
    %dma_start3A_144 = arith.constant 1536 : i32
    %dma_start3A_145 = tpu.memref_slice %arg11[%dma_start3A_144] : memref<5120xf32, #tpu.memory_space<vmem>> -> memref<128xf32, #tpu.memory_space<vmem>>
    %dma_start3A_146 = arith.constant 0 : i32
    %dma_start3A_147 = tpu.memref_slice %arg10[%dma_start3A_143, %dma_start3A_146] : memref<40x128xi32, #tpu.memory_space<vmem>> -> memref<1x128xi32, #tpu.memory_space<vmem>>
    %dma_start3A_148 = tpu.memref_squeeze %dma_start3A_147 : memref<1x128xi32, #tpu.memory_space<vmem>> -> memref<128xi32, #tpu.memory_space<vmem>>
    %dma_start3A_149 = arith.constant 0 : i32
    %dma_start3A_150 = tpu.memref_slice %arg9[%dma_start3A_149] : memref<320xf32, #tpu.memory_space<vmem_shared>> -> memref<320xf32, #tpu.memory_space<vmem_shared>>
    tpu.enqueue_indirect_dma source(%dma_start3A_150 : memref<320xf32, #tpu.memory_space<vmem_shared>>) target(%dma_start3A_145 : memref<128xf32, #tpu.memory_space<vmem>>) offsets(%dma_start3A_148 : memref<128xi32, #tpu.memory_space<vmem>>) semaphore(%arg16 : memref<!tpu.dma_semaphore, #tpu.memory_space<semaphore_mem>>)
    %dma_start3A_151 = arith.constant 13 : i32
    %dma_start3A_152 = arith.constant 1664 : i32
    %dma_start3A_153 = tpu.memref_slice %arg11[%dma_start3A_152] : memref<5120xf32, #tpu.memory_space<vmem>> -> memref<128xf32, #tpu.memory_space<vmem>>
    %dma_start3A_154 = arith.constant 0 : i32
    %dma_start3A_155 = tpu.memref_slice %arg10[%dma_start3A_151, %dma_start3A_154] : memref<40x128xi32, #tpu.memory_space<vmem>> -> memref<1x128xi32, #tpu.memory_space<vmem>>
    %dma_start3A_156 = tpu.memref_squeeze %dma_start3A_155 : memref<1x128xi32, #tpu.memory_space<vmem>> -> memref<128xi32, #tpu.memory_space<vmem>>
    %dma_start3A_157 = arith.constant 0 : i32
    %dma_start3A_158 = tpu.memref_slice %arg9[%dma_start3A_157] : memref<320xf32, #tpu.memory_space<vmem_shared>> -> memref<320xf32, #tpu.memory_space<vmem_shared>>
    tpu.enqueue_indirect_dma source(%dma_start3A_158 : memref<320xf32, #tpu.memory_space<vmem_shared>>) target(%dma_start3A_153 : memref<128xf32, #tpu.memory_space<vmem>>) offsets(%dma_start3A_156 : memref<128xi32, #tpu.memory_space<vmem>>) semaphore(%arg16 : memref<!tpu.dma_semaphore, #tpu.memory_space<semaphore_mem>>)
    %dma_start3A_159 = arith.constant 14 : i32
    %dma_start3A_160 = arith.constant 1792 : i32
    %dma_start3A_161 = tpu.memref_slice %arg11[%dma_start3A_160] : memref<5120xf32, #tpu.memory_space<vmem>> -> memref<128xf32, #tpu.memory_space<vmem>>
    %dma_start3A_162 = arith.constant 0 : i32
    %dma_start3A_163 = tpu.memref_slice %arg10[%dma_start3A_159, %dma_start3A_162] : memref<40x128xi32, #tpu.memory_space<vmem>> -> memref<1x128xi32, #tpu.memory_space<vmem>>
    %dma_start3A_164 = tpu.memref_squeeze %dma_start3A_163 : memref<1x128xi32, #tpu.memory_space<vmem>> -> memref<128xi32, #tpu.memory_space<vmem>>
    %dma_start3A_165 = arith.constant 0 : i32
    %dma_start3A_166 = tpu.memref_slice %arg9[%dma_start3A_165] : memref<320xf32, #tpu.memory_space<vmem_shared>> -> memref<320xf32, #tpu.memory_space<vmem_shared>>
    tpu.enqueue_indirect_dma source(%dma_start3A_166 : memref<320xf32, #tpu.memory_space<vmem_shared>>) target(%dma_start3A_161 : memref<128xf32, #tpu.memory_space<vmem>>) offsets(%dma_start3A_164 : memref<128xi32, #tpu.memory_space<vmem>>) semaphore(%arg16 : memref<!tpu.dma_semaphore, #tpu.memory_space<semaphore_mem>>)
    %dma_start3A_167 = arith.constant 15 : i32
    %dma_start3A_168 = arith.constant 1920 : i32
    %dma_start3A_169 = tpu.memref_slice %arg11[%dma_start3A_168] : memref<5120xf32, #tpu.memory_space<vmem>> -> memref<128xf32, #tpu.memory_space<vmem>>
    %dma_start3A_170 = arith.constant 0 : i32
    %dma_start3A_171 = tpu.memref_slice %arg10[%dma_start3A_167, %dma_start3A_170] : memref<40x128xi32, #tpu.memory_space<vmem>> -> memref<1x128xi32, #tpu.memory_space<vmem>>
    %dma_start3A_172 = tpu.memref_squeeze %dma_start3A_171 : memref<1x128xi32, #tpu.memory_space<vmem>> -> memref<128xi32, #tpu.memory_space<vmem>>
    %dma_start3A_173 = arith.constant 0 : i32
    %dma_start3A_174 = tpu.memref_slice %arg9[%dma_start3A_173] : memref<320xf32, #tpu.memory_space<vmem_shared>> -> memref<320xf32, #tpu.memory_space<vmem_shared>>
    tpu.enqueue_indirect_dma source(%dma_start3A_174 : memref<320xf32, #tpu.memory_space<vmem_shared>>) target(%dma_start3A_169 : memref<128xf32, #tpu.memory_space<vmem>>) offsets(%dma_start3A_172 : memref<128xi32, #tpu.memory_space<vmem>>) semaphore(%arg16 : memref<!tpu.dma_semaphore, #tpu.memory_space<semaphore_mem>>)
    %dma_start3A_175 = arith.constant 16 : i32
    %dma_start3A_176 = arith.constant 2048 : i32
    %dma_start3A_177 = tpu.memref_slice %arg11[%dma_start3A_176] : memref<5120xf32, #tpu.memory_space<vmem>> -> memref<128xf32, #tpu.memory_space<vmem>>
    %dma_start3A_178 = arith.constant 0 : i32
    %dma_start3A_179 = tpu.memref_slice %arg10[%dma_start3A_175, %dma_start3A_178] : memref<40x128xi32, #tpu.memory_space<vmem>> -> memref<1x128xi32, #tpu.memory_space<vmem>>
    %dma_start3A_180 = tpu.memref_squeeze %dma_start3A_179 : memref<1x128xi32, #tpu.memory_space<vmem>> -> memref<128xi32, #tpu.memory_space<vmem>>
    %dma_start3A_181 = arith.constant 0 : i32
    %dma_start3A_182 = tpu.memref_slice %arg9[%dma_start3A_181] : memref<320xf32, #tpu.memory_space<vmem_shared>> -> memref<320xf32, #tpu.memory_space<vmem_shared>>
    tpu.enqueue_indirect_dma source(%dma_start3A_182 : memref<320xf32, #tpu.memory_space<vmem_shared>>) target(%dma_start3A_177 : memref<128xf32, #tpu.memory_space<vmem>>) offsets(%dma_start3A_180 : memref<128xi32, #tpu.memory_space<vmem>>) semaphore(%arg16 : memref<!tpu.dma_semaphore, #tpu.memory_space<semaphore_mem>>)
    %dma_start3A_183 = arith.constant 17 : i32
    %dma_start3A_184 = arith.constant 2176 : i32
    %dma_start3A_185 = tpu.memref_slice %arg11[%dma_start3A_184] : memref<5120xf32, #tpu.memory_space<vmem>> -> memref<128xf32, #tpu.memory_space<vmem>>
    %dma_start3A_186 = arith.constant 0 : i32
    %dma_start3A_187 = tpu.memref_slice %arg10[%dma_start3A_183, %dma_start3A_186] : memref<40x128xi32, #tpu.memory_space<vmem>> -> memref<1x128xi32, #tpu.memory_space<vmem>>
    %dma_start3A_188 = tpu.memref_squeeze %dma_start3A_187 : memref<1x128xi32, #tpu.memory_space<vmem>> -> memref<128xi32, #tpu.memory_space<vmem>>
    %dma_start3A_189 = arith.constant 0 : i32
    %dma_start3A_190 = tpu.memref_slice %arg9[%dma_start3A_189] : memref<320xf32, #tpu.memory_space<vmem_shared>> -> memref<320xf32, #tpu.memory_space<vmem_shared>>
    tpu.enqueue_indirect_dma source(%dma_start3A_190 : memref<320xf32, #tpu.memory_space<vmem_shared>>) target(%dma_start3A_185 : memref<128xf32, #tpu.memory_space<vmem>>) offsets(%dma_start3A_188 : memref<128xi32, #tpu.memory_space<vmem>>) semaphore(%arg16 : memref<!tpu.dma_semaphore, #tpu.memory_space<semaphore_mem>>)
    %dma_start3A_191 = arith.constant 18 : i32
    %dma_start3A_192 = arith.constant 2304 : i32
    %dma_start3A_193 = tpu.memref_slice %arg11[%dma_start3A_192] : memref<5120xf32, #tpu.memory_space<vmem>> -> memref<128xf32, #tpu.memory_space<vmem>>
    %dma_start3A_194 = arith.constant 0 : i32
    %dma_start3A_195 = tpu.memref_slice %arg10[%dma_start3A_191, %dma_start3A_194] : memref<40x128xi32, #tpu.memory_space<vmem>> -> memref<1x128xi32, #tpu.memory_space<vmem>>
    %dma_start3A_196 = tpu.memref_squeeze %dma_start3A_195 : memref<1x128xi32, #tpu.memory_space<vmem>> -> memref<128xi32, #tpu.memory_space<vmem>>
    %dma_start3A_197 = arith.constant 0 : i32
    %dma_start3A_198 = tpu.memref_slice %arg9[%dma_start3A_197] : memref<320xf32, #tpu.memory_space<vmem_shared>> -> memref<320xf32, #tpu.memory_space<vmem_shared>>
    tpu.enqueue_indirect_dma source(%dma_start3A_198 : memref<320xf32, #tpu.memory_space<vmem_shared>>) target(%dma_start3A_193 : memref<128xf32, #tpu.memory_space<vmem>>) offsets(%dma_start3A_196 : memref<128xi32, #tpu.memory_space<vmem>>) semaphore(%arg16 : memref<!tpu.dma_semaphore, #tpu.memory_space<semaphore_mem>>)
    %dma_start3A_199 = arith.constant 19 : i32
    %dma_start3A_200 = arith.constant 2432 : i32
    %dma_start3A_201 = tpu.memref_slice %arg11[%dma_start3A_200] : memref<5120xf32, #tpu.memory_space<vmem>> -> memref<128xf32, #tpu.memory_space<vmem>>
    %dma_start3A_202 = arith.constant 0 : i32
    %dma_start3A_203 = tpu.memref_slice %arg10[%dma_start3A_199, %dma_start3A_202] : memref<40x128xi32, #tpu.memory_space<vmem>> -> memref<1x128xi32, #tpu.memory_space<vmem>>
    %dma_start3A_204 = tpu.memref_squeeze %dma_start3A_203 : memref<1x128xi32, #tpu.memory_space<vmem>> -> memref<128xi32, #tpu.memory_space<vmem>>
    %dma_start3A_205 = arith.constant 0 : i32
    %dma_start3A_206 = tpu.memref_slice %arg9[%dma_start3A_205] : memref<320xf32, #tpu.memory_space<vmem_shared>> -> memref<320xf32, #tpu.memory_space<vmem_shared>>
    tpu.enqueue_indirect_dma source(%dma_start3A_206 : memref<320xf32, #tpu.memory_space<vmem_shared>>) target(%dma_start3A_201 : memref<128xf32, #tpu.memory_space<vmem>>) offsets(%dma_start3A_204 : memref<128xi32, #tpu.memory_space<vmem>>) semaphore(%arg16 : memref<!tpu.dma_semaphore, #tpu.memory_space<semaphore_mem>>)
    %dma_start3A_207 = arith.constant 20 : i32
    %dma_start3A_208 = arith.constant 2560 : i32
    %dma_start3A_209 = tpu.memref_slice %arg11[%dma_start3A_208] : memref<5120xf32, #tpu.memory_space<vmem>> -> memref<128xf32, #tpu.memory_space<vmem>>
    %dma_start3A_210 = arith.constant 0 : i32
    %dma_start3A_211 = tpu.memref_slice %arg10[%dma_start3A_207, %dma_start3A_210] : memref<40x128xi32, #tpu.memory_space<vmem>> -> memref<1x128xi32, #tpu.memory_space<vmem>>
    %dma_start3A_212 = tpu.memref_squeeze %dma_start3A_211 : memref<1x128xi32, #tpu.memory_space<vmem>> -> memref<128xi32, #tpu.memory_space<vmem>>
    %dma_start3A_213 = arith.constant 0 : i32
    %dma_start3A_214 = tpu.memref_slice %arg9[%dma_start3A_213] : memref<320xf32, #tpu.memory_space<vmem_shared>> -> memref<320xf32, #tpu.memory_space<vmem_shared>>
    tpu.enqueue_indirect_dma source(%dma_start3A_214 : memref<320xf32, #tpu.memory_space<vmem_shared>>) target(%dma_start3A_209 : memref<128xf32, #tpu.memory_space<vmem>>) offsets(%dma_start3A_212 : memref<128xi32, #tpu.memory_space<vmem>>) semaphore(%arg16 : memref<!tpu.dma_semaphore, #tpu.memory_space<semaphore_mem>>)
    %dma_start3A_215 = arith.constant 21 : i32
    %dma_start3A_216 = arith.constant 2688 : i32
    %dma_start3A_217 = tpu.memref_slice %arg11[%dma_start3A_216] : memref<5120xf32, #tpu.memory_space<vmem>> -> memref<128xf32, #tpu.memory_space<vmem>>
    %dma_start3A_218 = arith.constant 0 : i32
    %dma_start3A_219 = tpu.memref_slice %arg10[%dma_start3A_215, %dma_start3A_218] : memref<40x128xi32, #tpu.memory_space<vmem>> -> memref<1x128xi32, #tpu.memory_space<vmem>>
    %dma_start3A_220 = tpu.memref_squeeze %dma_start3A_219 : memref<1x128xi32, #tpu.memory_space<vmem>> -> memref<128xi32, #tpu.memory_space<vmem>>
    %dma_start3A_221 = arith.constant 0 : i32
    %dma_start3A_222 = tpu.memref_slice %arg9[%dma_start3A_221] : memref<320xf32, #tpu.memory_space<vmem_shared>> -> memref<320xf32, #tpu.memory_space<vmem_shared>>
    tpu.enqueue_indirect_dma source(%dma_start3A_222 : memref<320xf32, #tpu.memory_space<vmem_shared>>) target(%dma_start3A_217 : memref<128xf32, #tpu.memory_space<vmem>>) offsets(%dma_start3A_220 : memref<128xi32, #tpu.memory_space<vmem>>) semaphore(%arg16 : memref<!tpu.dma_semaphore, #tpu.memory_space<semaphore_mem>>)
    %dma_start3A_223 = arith.constant 22 : i32
    %dma_start3A_224 = arith.constant 2816 : i32
    %dma_start3A_225 = tpu.memref_slice %arg11[%dma_start3A_224] : memref<5120xf32, #tpu.memory_space<vmem>> -> memref<128xf32, #tpu.memory_space<vmem>>
    %dma_start3A_226 = arith.constant 0 : i32
    %dma_start3A_227 = tpu.memref_slice %arg10[%dma_start3A_223, %dma_start3A_226] : memref<40x128xi32, #tpu.memory_space<vmem>> -> memref<1x128xi32, #tpu.memory_space<vmem>>
    %dma_start3A_228 = tpu.memref_squeeze %dma_start3A_227 : memref<1x128xi32, #tpu.memory_space<vmem>> -> memref<128xi32, #tpu.memory_space<vmem>>
    %dma_start3A_229 = arith.constant 0 : i32
    %dma_start3A_230 = tpu.memref_slice %arg9[%dma_start3A_229] : memref<320xf32, #tpu.memory_space<vmem_shared>> -> memref<320xf32, #tpu.memory_space<vmem_shared>>
    tpu.enqueue_indirect_dma source(%dma_start3A_230 : memref<320xf32, #tpu.memory_space<vmem_shared>>) target(%dma_start3A_225 : memref<128xf32, #tpu.memory_space<vmem>>) offsets(%dma_start3A_228 : memref<128xi32, #tpu.memory_space<vmem>>) semaphore(%arg16 : memref<!tpu.dma_semaphore, #tpu.memory_space<semaphore_mem>>)
    %dma_start3A_231 = arith.constant 23 : i32
    %dma_start3A_232 = arith.constant 2944 : i32
    %dma_start3A_233 = tpu.memref_slice %arg11[%dma_start3A_232] : memref<5120xf32, #tpu.memory_space<vmem>> -> memref<128xf32, #tpu.memory_space<vmem>>
    %dma_start3A_234 = arith.constant 0 : i32
    %dma_start3A_235 = tpu.memref_slice %arg10[%dma_start3A_231, %dma_start3A_234] : memref<40x128xi32, #tpu.memory_space<vmem>> -> memref<1x128xi32, #tpu.memory_space<vmem>>
    %dma_start3A_236 = tpu.memref_squeeze %dma_start3A_235 : memref<1x128xi32, #tpu.memory_space<vmem>> -> memref<128xi32, #tpu.memory_space<vmem>>
    %dma_start3A_237 = arith.constant 0 : i32
    %dma_start3A_238 = tpu.memref_slice %arg9[%dma_start3A_237] : memref<320xf32, #tpu.memory_space<vmem_shared>> -> memref<320xf32, #tpu.memory_space<vmem_shared>>
    tpu.enqueue_indirect_dma source(%dma_start3A_238 : memref<320xf32, #tpu.memory_space<vmem_shared>>) target(%dma_start3A_233 : memref<128xf32, #tpu.memory_space<vmem>>) offsets(%dma_start3A_236 : memref<128xi32, #tpu.memory_space<vmem>>) semaphore(%arg16 : memref<!tpu.dma_semaphore, #tpu.memory_space<semaphore_mem>>)
    %dma_start3A_239 = arith.constant 24 : i32
    %dma_start3A_240 = arith.constant 3072 : i32
    %dma_start3A_241 = tpu.memref_slice %arg11[%dma_start3A_240] : memref<5120xf32, #tpu.memory_space<vmem>> -> memref<128xf32, #tpu.memory_space<vmem>>
    %dma_start3A_242 = arith.constant 0 : i32
    %dma_start3A_243 = tpu.memref_slice %arg10[%dma_start3A_239, %dma_start3A_242] : memref<40x128xi32, #tpu.memory_space<vmem>> -> memref<1x128xi32, #tpu.memory_space<vmem>>
    %dma_start3A_244 = tpu.memref_squeeze %dma_start3A_243 : memref<1x128xi32, #tpu.memory_space<vmem>> -> memref<128xi32, #tpu.memory_space<vmem>>
    %dma_start3A_245 = arith.constant 0 : i32
    %dma_start3A_246 = tpu.memref_slice %arg9[%dma_start3A_245] : memref<320xf32, #tpu.memory_space<vmem_shared>> -> memref<320xf32, #tpu.memory_space<vmem_shared>>
    tpu.enqueue_indirect_dma source(%dma_start3A_246 : memref<320xf32, #tpu.memory_space<vmem_shared>>) target(%dma_start3A_241 : memref<128xf32, #tpu.memory_space<vmem>>) offsets(%dma_start3A_244 : memref<128xi32, #tpu.memory_space<vmem>>) semaphore(%arg16 : memref<!tpu.dma_semaphore, #tpu.memory_space<semaphore_mem>>)
    %dma_start3A_247 = arith.constant 25 : i32
    %dma_start3A_248 = arith.constant 3200 : i32
    %dma_start3A_249 = tpu.memref_slice %arg11[%dma_start3A_248] : memref<5120xf32, #tpu.memory_space<vmem>> -> memref<128xf32, #tpu.memory_space<vmem>>
    %dma_start3A_250 = arith.constant 0 : i32
    %dma_start3A_251 = tpu.memref_slice %arg10[%dma_start3A_247, %dma_start3A_250] : memref<40x128xi32, #tpu.memory_space<vmem>> -> memref<1x128xi32, #tpu.memory_space<vmem>>
    %dma_start3A_252 = tpu.memref_squeeze %dma_start3A_251 : memref<1x128xi32, #tpu.memory_space<vmem>> -> memref<128xi32, #tpu.memory_space<vmem>>
    %dma_start3A_253 = arith.constant 0 : i32
    %dma_start3A_254 = tpu.memref_slice %arg9[%dma_start3A_253] : memref<320xf32, #tpu.memory_space<vmem_shared>> -> memref<320xf32, #tpu.memory_space<vmem_shared>>
    tpu.enqueue_indirect_dma source(%dma_start3A_254 : memref<320xf32, #tpu.memory_space<vmem_shared>>) target(%dma_start3A_249 : memref<128xf32, #tpu.memory_space<vmem>>) offsets(%dma_start3A_252 : memref<128xi32, #tpu.memory_space<vmem>>) semaphore(%arg16 : memref<!tpu.dma_semaphore, #tpu.memory_space<semaphore_mem>>)
    %dma_start3A_255 = arith.constant 26 : i32
    %dma_start3A_256 = arith.constant 3328 : i32
    %dma_start3A_257 = tpu.memref_slice %arg11[%dma_start3A_256] : memref<5120xf32, #tpu.memory_space<vmem>> -> memref<128xf32, #tpu.memory_space<vmem>>
    %dma_start3A_258 = arith.constant 0 : i32
    %dma_start3A_259 = tpu.memref_slice %arg10[%dma_start3A_255, %dma_start3A_258] : memref<40x128xi32, #tpu.memory_space<vmem>> -> memref<1x128xi32, #tpu.memory_space<vmem>>
    %dma_start3A_260 = tpu.memref_squeeze %dma_start3A_259 : memref<1x128xi32, #tpu.memory_space<vmem>> -> memref<128xi32, #tpu.memory_space<vmem>>
    %dma_start3A_261 = arith.constant 0 : i32
    %dma_start3A_262 = tpu.memref_slice %arg9[%dma_start3A_261] : memref<320xf32, #tpu.memory_space<vmem_shared>> -> memref<320xf32, #tpu.memory_space<vmem_shared>>
    tpu.enqueue_indirect_dma source(%dma_start3A_262 : memref<320xf32, #tpu.memory_space<vmem_shared>>) target(%dma_start3A_257 : memref<128xf32, #tpu.memory_space<vmem>>) offsets(%dma_start3A_260 : memref<128xi32, #tpu.memory_space<vmem>>) semaphore(%arg16 : memref<!tpu.dma_semaphore, #tpu.memory_space<semaphore_mem>>)
    %dma_start3A_263 = arith.constant 27 : i32
    %dma_start3A_264 = arith.constant 3456 : i32
    %dma_start3A_265 = tpu.memref_slice %arg11[%dma_start3A_264] : memref<5120xf32, #tpu.memory_space<vmem>> -> memref<128xf32, #tpu.memory_space<vmem>>
    %dma_start3A_266 = arith.constant 0 : i32
    %dma_start3A_267 = tpu.memref_slice %arg10[%dma_start3A_263, %dma_start3A_266] : memref<40x128xi32, #tpu.memory_space<vmem>> -> memref<1x128xi32, #tpu.memory_space<vmem>>
    %dma_start3A_268 = tpu.memref_squeeze %dma_start3A_267 : memref<1x128xi32, #tpu.memory_space<vmem>> -> memref<128xi32, #tpu.memory_space<vmem>>
    %dma_start3A_269 = arith.constant 0 : i32
    %dma_start3A_270 = tpu.memref_slice %arg9[%dma_start3A_269] : memref<320xf32, #tpu.memory_space<vmem_shared>> -> memref<320xf32, #tpu.memory_space<vmem_shared>>
    tpu.enqueue_indirect_dma source(%dma_start3A_270 : memref<320xf32, #tpu.memory_space<vmem_shared>>) target(%dma_start3A_265 : memref<128xf32, #tpu.memory_space<vmem>>) offsets(%dma_start3A_268 : memref<128xi32, #tpu.memory_space<vmem>>) semaphore(%arg16 : memref<!tpu.dma_semaphore, #tpu.memory_space<semaphore_mem>>)
    %dma_start3A_271 = arith.constant 28 : i32
    %dma_start3A_272 = arith.constant 3584 : i32
    %dma_start3A_273 = tpu.memref_slice %arg11[%dma_start3A_272] : memref<5120xf32, #tpu.memory_space<vmem>> -> memref<128xf32, #tpu.memory_space<vmem>>
    %dma_start3A_274 = arith.constant 0 : i32
    %dma_start3A_275 = tpu.memref_slice %arg10[%dma_start3A_271, %dma_start3A_274] : memref<40x128xi32, #tpu.memory_space<vmem>> -> memref<1x128xi32, #tpu.memory_space<vmem>>
    %dma_start3A_276 = tpu.memref_squeeze %dma_start3A_275 : memref<1x128xi32, #tpu.memory_space<vmem>> -> memref<128xi32, #tpu.memory_space<vmem>>
    %dma_start3A_277 = arith.constant 0 : i32
    %dma_start3A_278 = tpu.memref_slice %arg9[%dma_start3A_277] : memref<320xf32, #tpu.memory_space<vmem_shared>> -> memref<320xf32, #tpu.memory_space<vmem_shared>>
    tpu.enqueue_indirect_dma source(%dma_start3A_278 : memref<320xf32, #tpu.memory_space<vmem_shared>>) target(%dma_start3A_273 : memref<128xf32, #tpu.memory_space<vmem>>) offsets(%dma_start3A_276 : memref<128xi32, #tpu.memory_space<vmem>>) semaphore(%arg16 : memref<!tpu.dma_semaphore, #tpu.memory_space<semaphore_mem>>)
    %dma_start3A_279 = arith.constant 29 : i32
    %dma_start3A_280 = arith.constant 3712 : i32
    %dma_start3A_281 = tpu.memref_slice %arg11[%dma_start3A_280] : memref<5120xf32, #tpu.memory_space<vmem>> -> memref<128xf32, #tpu.memory_space<vmem>>
    %dma_start3A_282 = arith.constant 0 : i32
    %dma_start3A_283 = tpu.memref_slice %arg10[%dma_start3A_279, %dma_start3A_282] : memref<40x128xi32, #tpu.memory_space<vmem>> -> memref<1x128xi32, #tpu.memory_space<vmem>>
    %dma_start3A_284 = tpu.memref_squeeze %dma_start3A_283 : memref<1x128xi32, #tpu.memory_space<vmem>> -> memref<128xi32, #tpu.memory_space<vmem>>
    %dma_start3A_285 = arith.constant 0 : i32
    %dma_start3A_286 = tpu.memref_slice %arg9[%dma_start3A_285] : memref<320xf32, #tpu.memory_space<vmem_shared>> -> memref<320xf32, #tpu.memory_space<vmem_shared>>
    tpu.enqueue_indirect_dma source(%dma_start3A_286 : memref<320xf32, #tpu.memory_space<vmem_shared>>) target(%dma_start3A_281 : memref<128xf32, #tpu.memory_space<vmem>>) offsets(%dma_start3A_284 : memref<128xi32, #tpu.memory_space<vmem>>) semaphore(%arg16 : memref<!tpu.dma_semaphore, #tpu.memory_space<semaphore_mem>>)
    %dma_start3A_287 = arith.constant 30 : i32
    %dma_start3A_288 = arith.constant 3840 : i32
    %dma_start3A_289 = tpu.memref_slice %arg11[%dma_start3A_288] : memref<5120xf32, #tpu.memory_space<vmem>> -> memref<128xf32, #tpu.memory_space<vmem>>
    %dma_start3A_290 = arith.constant 0 : i32
    %dma_start3A_291 = tpu.memref_slice %arg10[%dma_start3A_287, %dma_start3A_290] : memref<40x128xi32, #tpu.memory_space<vmem>> -> memref<1x128xi32, #tpu.memory_space<vmem>>
    %dma_start3A_292 = tpu.memref_squeeze %dma_start3A_291 : memref<1x128xi32, #tpu.memory_space<vmem>> -> memref<128xi32, #tpu.memory_space<vmem>>
    %dma_start3A_293 = arith.constant 0 : i32
    %dma_start3A_294 = tpu.memref_slice %arg9[%dma_start3A_293] : memref<320xf32, #tpu.memory_space<vmem_shared>> -> memref<320xf32, #tpu.memory_space<vmem_shared>>
    tpu.enqueue_indirect_dma source(%dma_start3A_294 : memref<320xf32, #tpu.memory_space<vmem_shared>>) target(%dma_start3A_289 : memref<128xf32, #tpu.memory_space<vmem>>) offsets(%dma_start3A_292 : memref<128xi32, #tpu.memory_space<vmem>>) semaphore(%arg16 : memref<!tpu.dma_semaphore, #tpu.memory_space<semaphore_mem>>)
    %dma_start3A_295 = arith.constant 31 : i32
    %dma_start3A_296 = arith.constant 3968 : i32
    %dma_start3A_297 = tpu.memref_slice %arg11[%dma_start3A_296] : memref<5120xf32, #tpu.memory_space<vmem>> -> memref<128xf32, #tpu.memory_space<vmem>>
    %dma_start3A_298 = arith.constant 0 : i32
    %dma_start3A_299 = tpu.memref_slice %arg10[%dma_start3A_295, %dma_start3A_298] : memref<40x128xi32, #tpu.memory_space<vmem>> -> memref<1x128xi32, #tpu.memory_space<vmem>>
    %dma_start3A_300 = tpu.memref_squeeze %dma_start3A_299 : memref<1x128xi32, #tpu.memory_space<vmem>> -> memref<128xi32, #tpu.memory_space<vmem>>
    %dma_start3A_301 = arith.constant 0 : i32
    %dma_start3A_302 = tpu.memref_slice %arg9[%dma_start3A_301] : memref<320xf32, #tpu.memory_space<vmem_shared>> -> memref<320xf32, #tpu.memory_space<vmem_shared>>
    tpu.enqueue_indirect_dma source(%dma_start3A_302 : memref<320xf32, #tpu.memory_space<vmem_shared>>) target(%dma_start3A_297 : memref<128xf32, #tpu.memory_space<vmem>>) offsets(%dma_start3A_300 : memref<128xi32, #tpu.memory_space<vmem>>) semaphore(%arg16 : memref<!tpu.dma_semaphore, #tpu.memory_space<semaphore_mem>>)
    %dma_start3A_303 = arith.constant 32 : i32
    %dma_start3A_304 = arith.constant 4096 : i32
    %dma_start3A_305 = tpu.memref_slice %arg11[%dma_start3A_304] : memref<5120xf32, #tpu.memory_space<vmem>> -> memref<128xf32, #tpu.memory_space<vmem>>
    %dma_start3A_306 = arith.constant 0 : i32
    %dma_start3A_307 = tpu.memref_slice %arg10[%dma_start3A_303, %dma_start3A_306] : memref<40x128xi32, #tpu.memory_space<vmem>> -> memref<1x128xi32, #tpu.memory_space<vmem>>
    %dma_start3A_308 = tpu.memref_squeeze %dma_start3A_307 : memref<1x128xi32, #tpu.memory_space<vmem>> -> memref<128xi32, #tpu.memory_space<vmem>>
    %dma_start3A_309 = arith.constant 0 : i32
    %dma_start3A_310 = tpu.memref_slice %arg9[%dma_start3A_309] : memref<320xf32, #tpu.memory_space<vmem_shared>> -> memref<320xf32, #tpu.memory_space<vmem_shared>>
    tpu.enqueue_indirect_dma source(%dma_start3A_310 : memref<320xf32, #tpu.memory_space<vmem_shared>>) target(%dma_start3A_305 : memref<128xf32, #tpu.memory_space<vmem>>) offsets(%dma_start3A_308 : memref<128xi32, #tpu.memory_space<vmem>>) semaphore(%arg16 : memref<!tpu.dma_semaphore, #tpu.memory_space<semaphore_mem>>)
    %dma_start3A_311 = arith.constant 33 : i32
    %dma_start3A_312 = arith.constant 4224 : i32
    %dma_start3A_313 = tpu.memref_slice %arg11[%dma_start3A_312] : memref<5120xf32, #tpu.memory_space<vmem>> -> memref<128xf32, #tpu.memory_space<vmem>>
    %dma_start3A_314 = arith.constant 0 : i32
    %dma_start3A_315 = tpu.memref_slice %arg10[%dma_start3A_311, %dma_start3A_314] : memref<40x128xi32, #tpu.memory_space<vmem>> -> memref<1x128xi32, #tpu.memory_space<vmem>>
    %dma_start3A_316 = tpu.memref_squeeze %dma_start3A_315 : memref<1x128xi32, #tpu.memory_space<vmem>> -> memref<128xi32, #tpu.memory_space<vmem>>
    %dma_start3A_317 = arith.constant 0 : i32
    %dma_start3A_318 = tpu.memref_slice %arg9[%dma_start3A_317] : memref<320xf32, #tpu.memory_space<vmem_shared>> -> memref<320xf32, #tpu.memory_space<vmem_shared>>
    tpu.enqueue_indirect_dma source(%dma_start3A_318 : memref<320xf32, #tpu.memory_space<vmem_shared>>) target(%dma_start3A_313 : memref<128xf32, #tpu.memory_space<vmem>>) offsets(%dma_start3A_316 : memref<128xi32, #tpu.memory_space<vmem>>) semaphore(%arg16 : memref<!tpu.dma_semaphore, #tpu.memory_space<semaphore_mem>>)
    %dma_start3A_319 = arith.constant 34 : i32
    %dma_start3A_320 = arith.constant 4352 : i32
    %dma_start3A_321 = tpu.memref_slice %arg11[%dma_start3A_320] : memref<5120xf32, #tpu.memory_space<vmem>> -> memref<128xf32, #tpu.memory_space<vmem>>
    %dma_start3A_322 = arith.constant 0 : i32
    %dma_start3A_323 = tpu.memref_slice %arg10[%dma_start3A_319, %dma_start3A_322] : memref<40x128xi32, #tpu.memory_space<vmem>> -> memref<1x128xi32, #tpu.memory_space<vmem>>
    %dma_start3A_324 = tpu.memref_squeeze %dma_start3A_323 : memref<1x128xi32, #tpu.memory_space<vmem>> -> memref<128xi32, #tpu.memory_space<vmem>>
    %dma_start3A_325 = arith.constant 0 : i32
    %dma_start3A_326 = tpu.memref_slice %arg9[%dma_start3A_325] : memref<320xf32, #tpu.memory_space<vmem_shared>> -> memref<320xf32, #tpu.memory_space<vmem_shared>>
    tpu.enqueue_indirect_dma source(%dma_start3A_326 : memref<320xf32, #tpu.memory_space<vmem_shared>>) target(%dma_start3A_321 : memref<128xf32, #tpu.memory_space<vmem>>) offsets(%dma_start3A_324 : memref<128xi32, #tpu.memory_space<vmem>>) semaphore(%arg16 : memref<!tpu.dma_semaphore, #tpu.memory_space<semaphore_mem>>)
    %dma_start3A_327 = arith.constant 35 : i32
    %dma_start3A_328 = arith.constant 4480 : i32
    %dma_start3A_329 = tpu.memref_slice %arg11[%dma_start3A_328] : memref<5120xf32, #tpu.memory_space<vmem>> -> memref<128xf32, #tpu.memory_space<vmem>>
    %dma_start3A_330 = arith.constant 0 : i32
    %dma_start3A_331 = tpu.memref_slice %arg10[%dma_start3A_327, %dma_start3A_330] : memref<40x128xi32, #tpu.memory_space<vmem>> -> memref<1x128xi32, #tpu.memory_space<vmem>>
    %dma_start3A_332 = tpu.memref_squeeze %dma_start3A_331 : memref<1x128xi32, #tpu.memory_space<vmem>> -> memref<128xi32, #tpu.memory_space<vmem>>
    %dma_start3A_333 = arith.constant 0 : i32
    %dma_start3A_334 = tpu.memref_slice %arg9[%dma_start3A_333] : memref<320xf32, #tpu.memory_space<vmem_shared>> -> memref<320xf32, #tpu.memory_space<vmem_shared>>
    tpu.enqueue_indirect_dma source(%dma_start3A_334 : memref<320xf32, #tpu.memory_space<vmem_shared>>) target(%dma_start3A_329 : memref<128xf32, #tpu.memory_space<vmem>>) offsets(%dma_start3A_332 : memref<128xi32, #tpu.memory_space<vmem>>) semaphore(%arg16 : memref<!tpu.dma_semaphore, #tpu.memory_space<semaphore_mem>>)
    %dma_start3A_335 = arith.constant 36 : i32
    %dma_start3A_336 = arith.constant 4608 : i32
    %dma_start3A_337 = tpu.memref_slice %arg11[%dma_start3A_336] : memref<5120xf32, #tpu.memory_space<vmem>> -> memref<128xf32, #tpu.memory_space<vmem>>
    %dma_start3A_338 = arith.constant 0 : i32
    %dma_start3A_339 = tpu.memref_slice %arg10[%dma_start3A_335, %dma_start3A_338] : memref<40x128xi32, #tpu.memory_space<vmem>> -> memref<1x128xi32, #tpu.memory_space<vmem>>
    %dma_start3A_340 = tpu.memref_squeeze %dma_start3A_339 : memref<1x128xi32, #tpu.memory_space<vmem>> -> memref<128xi32, #tpu.memory_space<vmem>>
    %dma_start3A_341 = arith.constant 0 : i32
    %dma_start3A_342 = tpu.memref_slice %arg9[%dma_start3A_341] : memref<320xf32, #tpu.memory_space<vmem_shared>> -> memref<320xf32, #tpu.memory_space<vmem_shared>>
    tpu.enqueue_indirect_dma source(%dma_start3A_342 : memref<320xf32, #tpu.memory_space<vmem_shared>>) target(%dma_start3A_337 : memref<128xf32, #tpu.memory_space<vmem>>) offsets(%dma_start3A_340 : memref<128xi32, #tpu.memory_space<vmem>>) semaphore(%arg16 : memref<!tpu.dma_semaphore, #tpu.memory_space<semaphore_mem>>)
    %dma_start3A_343 = arith.constant 37 : i32
    %dma_start3A_344 = arith.constant 4736 : i32
    %dma_start3A_345 = tpu.memref_slice %arg11[%dma_start3A_344] : memref<5120xf32, #tpu.memory_space<vmem>> -> memref<128xf32, #tpu.memory_space<vmem>>
    %dma_start3A_346 = arith.constant 0 : i32
    %dma_start3A_347 = tpu.memref_slice %arg10[%dma_start3A_343, %dma_start3A_346] : memref<40x128xi32, #tpu.memory_space<vmem>> -> memref<1x128xi32, #tpu.memory_space<vmem>>
    %dma_start3A_348 = tpu.memref_squeeze %dma_start3A_347 : memref<1x128xi32, #tpu.memory_space<vmem>> -> memref<128xi32, #tpu.memory_space<vmem>>
    %dma_start3A_349 = arith.constant 0 : i32
    %dma_start3A_350 = tpu.memref_slice %arg9[%dma_start3A_349] : memref<320xf32, #tpu.memory_space<vmem_shared>> -> memref<320xf32, #tpu.memory_space<vmem_shared>>
    tpu.enqueue_indirect_dma source(%dma_start3A_350 : memref<320xf32, #tpu.memory_space<vmem_shared>>) target(%dma_start3A_345 : memref<128xf32, #tpu.memory_space<vmem>>) offsets(%dma_start3A_348 : memref<128xi32, #tpu.memory_space<vmem>>) semaphore(%arg16 : memref<!tpu.dma_semaphore, #tpu.memory_space<semaphore_mem>>)
    %dma_start3A_351 = arith.constant 38 : i32
    %dma_start3A_352 = arith.constant 4864 : i32
    %dma_start3A_353 = tpu.memref_slice %arg11[%dma_start3A_352] : memref<5120xf32, #tpu.memory_space<vmem>> -> memref<128xf32, #tpu.memory_space<vmem>>
    %dma_start3A_354 = arith.constant 0 : i32
    %dma_start3A_355 = tpu.memref_slice %arg10[%dma_start3A_351, %dma_start3A_354] : memref<40x128xi32, #tpu.memory_space<vmem>> -> memref<1x128xi32, #tpu.memory_space<vmem>>
    %dma_start3A_356 = tpu.memref_squeeze %dma_start3A_355 : memref<1x128xi32, #tpu.memory_space<vmem>> -> memref<128xi32, #tpu.memory_space<vmem>>
    %dma_start3A_357 = arith.constant 0 : i32
    %dma_start3A_358 = tpu.memref_slice %arg9[%dma_start3A_357] : memref<320xf32, #tpu.memory_space<vmem_shared>> -> memref<320xf32, #tpu.memory_space<vmem_shared>>
    tpu.enqueue_indirect_dma source(%dma_start3A_358 : memref<320xf32, #tpu.memory_space<vmem_shared>>) target(%dma_start3A_353 : memref<128xf32, #tpu.memory_space<vmem>>) offsets(%dma_start3A_356 : memref<128xi32, #tpu.memory_space<vmem>>) semaphore(%arg16 : memref<!tpu.dma_semaphore, #tpu.memory_space<semaphore_mem>>)
    %dma_start3A_359 = arith.constant 39 : i32
    %dma_start3A_360 = arith.constant 4992 : i32
    %dma_start3A_361 = tpu.memref_slice %arg11[%dma_start3A_360] : memref<5120xf32, #tpu.memory_space<vmem>> -> memref<128xf32, #tpu.memory_space<vmem>>
    %dma_start3A_362 = arith.constant 0 : i32
    %dma_start3A_363 = tpu.memref_slice %arg10[%dma_start3A_359, %dma_start3A_362] : memref<40x128xi32, #tpu.memory_space<vmem>> -> memref<1x128xi32, #tpu.memory_space<vmem>>
    %dma_start3A_364 = tpu.memref_squeeze %dma_start3A_363 : memref<1x128xi32, #tpu.memory_space<vmem>> -> memref<128xi32, #tpu.memory_space<vmem>>
    %dma_start3A_365 = arith.constant 0 : i32
    %dma_start3A_366 = tpu.memref_slice %arg9[%dma_start3A_365] : memref<320xf32, #tpu.memory_space<vmem_shared>> -> memref<320xf32, #tpu.memory_space<vmem_shared>>
    tpu.enqueue_indirect_dma source(%dma_start3A_366 : memref<320xf32, #tpu.memory_space<vmem_shared>>) target(%dma_start3A_361 : memref<128xf32, #tpu.memory_space<vmem>>) offsets(%dma_start3A_364 : memref<128xi32, #tpu.memory_space<vmem>>) semaphore(%arg16 : memref<!tpu.dma_semaphore, #tpu.memory_space<semaphore_mem>>)
    %dma_wait3A = arith.constant 0 : i32
    %dma_wait3A_367 = arith.constant 0 : i32
    %dma_wait3A_368 = tpu.memref_slice %arg11[%dma_wait3A_367] : memref<5120xf32, #tpu.memory_space<vmem>> -> memref<128xf32, #tpu.memory_space<vmem>>
    %dma_wait3A_369 = arith.constant 0 : i32
    %dma_wait3A_370 = tpu.memref_slice %arg10[%dma_wait3A, %dma_wait3A_369] : memref<40x128xi32, #tpu.memory_space<vmem>> -> memref<1x128xi32, #tpu.memory_space<vmem>>
    %dma_wait3A_371 = tpu.memref_squeeze %dma_wait3A_370 : memref<1x128xi32, #tpu.memory_space<vmem>> -> memref<128xi32, #tpu.memory_space<vmem>>
    %dma_wait3A_372 = arith.constant 0 : i32
    %dma_wait3A_373 = tpu.memref_slice %arg9[%dma_wait3A_372] : memref<320xf32, #tpu.memory_space<vmem_shared>> -> memref<320xf32, #tpu.memory_space<vmem_shared>>
    tpu.wait_indirect_dma semaphore(%arg16 : memref<!tpu.dma_semaphore, #tpu.memory_space<semaphore_mem>>) src(%dma_wait3A_373 : memref<320xf32, #tpu.memory_space<vmem_shared>>) dst(%dma_wait3A_368 : memref<128xf32, #tpu.memory_space<vmem>>)
    %dma_wait3A_374 = arith.constant 1 : i32
    %dma_wait3A_375 = arith.constant 128 : i32
    %dma_wait3A_376 = tpu.memref_slice %arg11[%dma_wait3A_375] : memref<5120xf32, #tpu.memory_space<vmem>> -> memref<128xf32, #tpu.memory_space<vmem>>
    %dma_wait3A_377 = arith.constant 0 : i32
    %dma_wait3A_378 = tpu.memref_slice %arg10[%dma_wait3A_374, %dma_wait3A_377] : memref<40x128xi32, #tpu.memory_space<vmem>> -> memref<1x128xi32, #tpu.memory_space<vmem>>
    %dma_wait3A_379 = tpu.memref_squeeze %dma_wait3A_378 : memref<1x128xi32, #tpu.memory_space<vmem>> -> memref<128xi32, #tpu.memory_space<vmem>>
    %dma_wait3A_380 = arith.constant 0 : i32
    %dma_wait3A_381 = tpu.memref_slice %arg9[%dma_wait3A_380] : memref<320xf32, #tpu.memory_space<vmem_shared>> -> memref<320xf32, #tpu.memory_space<vmem_shared>>
    tpu.wait_indirect_dma semaphore(%arg16 : memref<!tpu.dma_semaphore, #tpu.memory_space<semaphore_mem>>) src(%dma_wait3A_381 : memref<320xf32, #tpu.memory_space<vmem_shared>>) dst(%dma_wait3A_376 : memref<128xf32, #tpu.memory_space<vmem>>)
    %dma_wait3A_382 = arith.constant 2 : i32
    %dma_wait3A_383 = arith.constant 256 : i32
    %dma_wait3A_384 = tpu.memref_slice %arg11[%dma_wait3A_383] : memref<5120xf32, #tpu.memory_space<vmem>> -> memref<128xf32, #tpu.memory_space<vmem>>
    %dma_wait3A_385 = arith.constant 0 : i32
    %dma_wait3A_386 = tpu.memref_slice %arg10[%dma_wait3A_382, %dma_wait3A_385] : memref<40x128xi32, #tpu.memory_space<vmem>> -> memref<1x128xi32, #tpu.memory_space<vmem>>
    %dma_wait3A_387 = tpu.memref_squeeze %dma_wait3A_386 : memref<1x128xi32, #tpu.memory_space<vmem>> -> memref<128xi32, #tpu.memory_space<vmem>>
    %dma_wait3A_388 = arith.constant 0 : i32
    %dma_wait3A_389 = tpu.memref_slice %arg9[%dma_wait3A_388] : memref<320xf32, #tpu.memory_space<vmem_shared>> -> memref<320xf32, #tpu.memory_space<vmem_shared>>
    tpu.wait_indirect_dma semaphore(%arg16 : memref<!tpu.dma_semaphore, #tpu.memory_space<semaphore_mem>>) src(%dma_wait3A_389 : memref<320xf32, #tpu.memory_space<vmem_shared>>) dst(%dma_wait3A_384 : memref<128xf32, #tpu.memory_space<vmem>>)
    %dma_wait3A_390 = arith.constant 3 : i32
    %dma_wait3A_391 = arith.constant 384 : i32
    %dma_wait3A_392 = tpu.memref_slice %arg11[%dma_wait3A_391] : memref<5120xf32, #tpu.memory_space<vmem>> -> memref<128xf32, #tpu.memory_space<vmem>>
    %dma_wait3A_393 = arith.constant 0 : i32
    %dma_wait3A_394 = tpu.memref_slice %arg10[%dma_wait3A_390, %dma_wait3A_393] : memref<40x128xi32, #tpu.memory_space<vmem>> -> memref<1x128xi32, #tpu.memory_space<vmem>>
    %dma_wait3A_395 = tpu.memref_squeeze %dma_wait3A_394 : memref<1x128xi32, #tpu.memory_space<vmem>> -> memref<128xi32, #tpu.memory_space<vmem>>
    %dma_wait3A_396 = arith.constant 0 : i32
    %dma_wait3A_397 = tpu.memref_slice %arg9[%dma_wait3A_396] : memref<320xf32, #tpu.memory_space<vmem_shared>> -> memref<320xf32, #tpu.memory_space<vmem_shared>>
    tpu.wait_indirect_dma semaphore(%arg16 : memref<!tpu.dma_semaphore, #tpu.memory_space<semaphore_mem>>) src(%dma_wait3A_397 : memref<320xf32, #tpu.memory_space<vmem_shared>>) dst(%dma_wait3A_392 : memref<128xf32, #tpu.memory_space<vmem>>)
    %dma_wait3A_398 = arith.constant 4 : i32
    %dma_wait3A_399 = arith.constant 512 : i32
    %dma_wait3A_400 = tpu.memref_slice %arg11[%dma_wait3A_399] : memref<5120xf32, #tpu.memory_space<vmem>> -> memref<128xf32, #tpu.memory_space<vmem>>
    %dma_wait3A_401 = arith.constant 0 : i32
    %dma_wait3A_402 = tpu.memref_slice %arg10[%dma_wait3A_398, %dma_wait3A_401] : memref<40x128xi32, #tpu.memory_space<vmem>> -> memref<1x128xi32, #tpu.memory_space<vmem>>
    %dma_wait3A_403 = tpu.memref_squeeze %dma_wait3A_402 : memref<1x128xi32, #tpu.memory_space<vmem>> -> memref<128xi32, #tpu.memory_space<vmem>>
    %dma_wait3A_404 = arith.constant 0 : i32
    %dma_wait3A_405 = tpu.memref_slice %arg9[%dma_wait3A_404] : memref<320xf32, #tpu.memory_space<vmem_shared>> -> memref<320xf32, #tpu.memory_space<vmem_shared>>
    tpu.wait_indirect_dma semaphore(%arg16 : memref<!tpu.dma_semaphore, #tpu.memory_space<semaphore_mem>>) src(%dma_wait3A_405 : memref<320xf32, #tpu.memory_space<vmem_shared>>) dst(%dma_wait3A_400 : memref<128xf32, #tpu.memory_space<vmem>>)
    %dma_wait3A_406 = arith.constant 5 : i32
    %dma_wait3A_407 = arith.constant 640 : i32
    %dma_wait3A_408 = tpu.memref_slice %arg11[%dma_wait3A_407] : memref<5120xf32, #tpu.memory_space<vmem>> -> memref<128xf32, #tpu.memory_space<vmem>>
    %dma_wait3A_409 = arith.constant 0 : i32
    %dma_wait3A_410 = tpu.memref_slice %arg10[%dma_wait3A_406, %dma_wait3A_409] : memref<40x128xi32, #tpu.memory_space<vmem>> -> memref<1x128xi32, #tpu.memory_space<vmem>>
    %dma_wait3A_411 = tpu.memref_squeeze %dma_wait3A_410 : memref<1x128xi32, #tpu.memory_space<vmem>> -> memref<128xi32, #tpu.memory_space<vmem>>
    %dma_wait3A_412 = arith.constant 0 : i32
    %dma_wait3A_413 = tpu.memref_slice %arg9[%dma_wait3A_412] : memref<320xf32, #tpu.memory_space<vmem_shared>> -> memref<320xf32, #tpu.memory_space<vmem_shared>>
    tpu.wait_indirect_dma semaphore(%arg16 : memref<!tpu.dma_semaphore, #tpu.memory_space<semaphore_mem>>) src(%dma_wait3A_413 : memref<320xf32, #tpu.memory_space<vmem_shared>>) dst(%dma_wait3A_408 : memref<128xf32, #tpu.memory_space<vmem>>)
    %dma_wait3A_414 = arith.constant 6 : i32
    %dma_wait3A_415 = arith.constant 768 : i32
    %dma_wait3A_416 = tpu.memref_slice %arg11[%dma_wait3A_415] : memref<5120xf32, #tpu.memory_space<vmem>> -> memref<128xf32, #tpu.memory_space<vmem>>
    %dma_wait3A_417 = arith.constant 0 : i32
    %dma_wait3A_418 = tpu.memref_slice %arg10[%dma_wait3A_414, %dma_wait3A_417] : memref<40x128xi32, #tpu.memory_space<vmem>> -> memref<1x128xi32, #tpu.memory_space<vmem>>
    %dma_wait3A_419 = tpu.memref_squeeze %dma_wait3A_418 : memref<1x128xi32, #tpu.memory_space<vmem>> -> memref<128xi32, #tpu.memory_space<vmem>>
    %dma_wait3A_420 = arith.constant 0 : i32
    %dma_wait3A_421 = tpu.memref_slice %arg9[%dma_wait3A_420] : memref<320xf32, #tpu.memory_space<vmem_shared>> -> memref<320xf32, #tpu.memory_space<vmem_shared>>
    tpu.wait_indirect_dma semaphore(%arg16 : memref<!tpu.dma_semaphore, #tpu.memory_space<semaphore_mem>>) src(%dma_wait3A_421 : memref<320xf32, #tpu.memory_space<vmem_shared>>) dst(%dma_wait3A_416 : memref<128xf32, #tpu.memory_space<vmem>>)
    %dma_wait3A_422 = arith.constant 7 : i32
    %dma_wait3A_423 = arith.constant 896 : i32
    %dma_wait3A_424 = tpu.memref_slice %arg11[%dma_wait3A_423] : memref<5120xf32, #tpu.memory_space<vmem>> -> memref<128xf32, #tpu.memory_space<vmem>>
    %dma_wait3A_425 = arith.constant 0 : i32
    %dma_wait3A_426 = tpu.memref_slice %arg10[%dma_wait3A_422, %dma_wait3A_425] : memref<40x128xi32, #tpu.memory_space<vmem>> -> memref<1x128xi32, #tpu.memory_space<vmem>>
    %dma_wait3A_427 = tpu.memref_squeeze %dma_wait3A_426 : memref<1x128xi32, #tpu.memory_space<vmem>> -> memref<128xi32, #tpu.memory_space<vmem>>
    %dma_wait3A_428 = arith.constant 0 : i32
    %dma_wait3A_429 = tpu.memref_slice %arg9[%dma_wait3A_428] : memref<320xf32, #tpu.memory_space<vmem_shared>> -> memref<320xf32, #tpu.memory_space<vmem_shared>>
    tpu.wait_indirect_dma semaphore(%arg16 : memref<!tpu.dma_semaphore, #tpu.memory_space<semaphore_mem>>) src(%dma_wait3A_429 : memref<320xf32, #tpu.memory_space<vmem_shared>>) dst(%dma_wait3A_424 : memref<128xf32, #tpu.memory_space<vmem>>)
    %dma_wait3A_430 = arith.constant 8 : i32
    %dma_wait3A_431 = arith.constant 1024 : i32
    %dma_wait3A_432 = tpu.memref_slice %arg11[%dma_wait3A_431] : memref<5120xf32, #tpu.memory_space<vmem>> -> memref<128xf32, #tpu.memory_space<vmem>>
    %dma_wait3A_433 = arith.constant 0 : i32
    %dma_wait3A_434 = tpu.memref_slice %arg10[%dma_wait3A_430, %dma_wait3A_433] : memref<40x128xi32, #tpu.memory_space<vmem>> -> memref<1x128xi32, #tpu.memory_space<vmem>>
    %dma_wait3A_435 = tpu.memref_squeeze %dma_wait3A_434 : memref<1x128xi32, #tpu.memory_space<vmem>> -> memref<128xi32, #tpu.memory_space<vmem>>
    %dma_wait3A_436 = arith.constant 0 : i32
    %dma_wait3A_437 = tpu.memref_slice %arg9[%dma_wait3A_436] : memref<320xf32, #tpu.memory_space<vmem_shared>> -> memref<320xf32, #tpu.memory_space<vmem_shared>>
    tpu.wait_indirect_dma semaphore(%arg16 : memref<!tpu.dma_semaphore, #tpu.memory_space<semaphore_mem>>) src(%dma_wait3A_437 : memref<320xf32, #tpu.memory_space<vmem_shared>>) dst(%dma_wait3A_432 : memref<128xf32, #tpu.memory_space<vmem>>)
    %dma_wait3A_438 = arith.constant 9 : i32
    %dma_wait3A_439 = arith.constant 1152 : i32
    %dma_wait3A_440 = tpu.memref_slice %arg11[%dma_wait3A_439] : memref<5120xf32, #tpu.memory_space<vmem>> -> memref<128xf32, #tpu.memory_space<vmem>>
    %dma_wait3A_441 = arith.constant 0 : i32
    %dma_wait3A_442 = tpu.memref_slice %arg10[%dma_wait3A_438, %dma_wait3A_441] : memref<40x128xi32, #tpu.memory_space<vmem>> -> memref<1x128xi32, #tpu.memory_space<vmem>>
    %dma_wait3A_443 = tpu.memref_squeeze %dma_wait3A_442 : memref<1x128xi32, #tpu.memory_space<vmem>> -> memref<128xi32, #tpu.memory_space<vmem>>
    %dma_wait3A_444 = arith.constant 0 : i32
    %dma_wait3A_445 = tpu.memref_slice %arg9[%dma_wait3A_444] : memref<320xf32, #tpu.memory_space<vmem_shared>> -> memref<320xf32, #tpu.memory_space<vmem_shared>>
    tpu.wait_indirect_dma semaphore(%arg16 : memref<!tpu.dma_semaphore, #tpu.memory_space<semaphore_mem>>) src(%dma_wait3A_445 : memref<320xf32, #tpu.memory_space<vmem_shared>>) dst(%dma_wait3A_440 : memref<128xf32, #tpu.memory_space<vmem>>)
    %dma_wait3A_446 = arith.constant 10 : i32
    %dma_wait3A_447 = arith.constant 1280 : i32
    %dma_wait3A_448 = tpu.memref_slice %arg11[%dma_wait3A_447] : memref<5120xf32, #tpu.memory_space<vmem>> -> memref<128xf32, #tpu.memory_space<vmem>>
    %dma_wait3A_449 = arith.constant 0 : i32
    %dma_wait3A_450 = tpu.memref_slice %arg10[%dma_wait3A_446, %dma_wait3A_449] : memref<40x128xi32, #tpu.memory_space<vmem>> -> memref<1x128xi32, #tpu.memory_space<vmem>>
    %dma_wait3A_451 = tpu.memref_squeeze %dma_wait3A_450 : memref<1x128xi32, #tpu.memory_space<vmem>> -> memref<128xi32, #tpu.memory_space<vmem>>
    %dma_wait3A_452 = arith.constant 0 : i32
    %dma_wait3A_453 = tpu.memref_slice %arg9[%dma_wait3A_452] : memref<320xf32, #tpu.memory_space<vmem_shared>> -> memref<320xf32, #tpu.memory_space<vmem_shared>>
    tpu.wait_indirect_dma semaphore(%arg16 : memref<!tpu.dma_semaphore, #tpu.memory_space<semaphore_mem>>) src(%dma_wait3A_453 : memref<320xf32, #tpu.memory_space<vmem_shared>>) dst(%dma_wait3A_448 : memref<128xf32, #tpu.memory_space<vmem>>)
    %dma_wait3A_454 = arith.constant 11 : i32
    %dma_wait3A_455 = arith.constant 1408 : i32
    %dma_wait3A_456 = tpu.memref_slice %arg11[%dma_wait3A_455] : memref<5120xf32, #tpu.memory_space<vmem>> -> memref<128xf32, #tpu.memory_space<vmem>>
    %dma_wait3A_457 = arith.constant 0 : i32
    %dma_wait3A_458 = tpu.memref_slice %arg10[%dma_wait3A_454, %dma_wait3A_457] : memref<40x128xi32, #tpu.memory_space<vmem>> -> memref<1x128xi32, #tpu.memory_space<vmem>>
    %dma_wait3A_459 = tpu.memref_squeeze %dma_wait3A_458 : memref<1x128xi32, #tpu.memory_space<vmem>> -> memref<128xi32, #tpu.memory_space<vmem>>
    %dma_wait3A_460 = arith.constant 0 : i32
    %dma_wait3A_461 = tpu.memref_slice %arg9[%dma_wait3A_460] : memref<320xf32, #tpu.memory_space<vmem_shared>> -> memref<320xf32, #tpu.memory_space<vmem_shared>>
    tpu.wait_indirect_dma semaphore(%arg16 : memref<!tpu.dma_semaphore, #tpu.memory_space<semaphore_mem>>) src(%dma_wait3A_461 : memref<320xf32, #tpu.memory_space<vmem_shared>>) dst(%dma_wait3A_456 : memref<128xf32, #tpu.memory_space<vmem>>)
    %dma_wait3A_462 = arith.constant 12 : i32
    %dma_wait3A_463 = arith.constant 1536 : i32
    %dma_wait3A_464 = tpu.memref_slice %arg11[%dma_wait3A_463] : memref<5120xf32, #tpu.memory_space<vmem>> -> memref<128xf32, #tpu.memory_space<vmem>>
    %dma_wait3A_465 = arith.constant 0 : i32
    %dma_wait3A_466 = tpu.memref_slice %arg10[%dma_wait3A_462, %dma_wait3A_465] : memref<40x128xi32, #tpu.memory_space<vmem>> -> memref<1x128xi32, #tpu.memory_space<vmem>>
    %dma_wait3A_467 = tpu.memref_squeeze %dma_wait3A_466 : memref<1x128xi32, #tpu.memory_space<vmem>> -> memref<128xi32, #tpu.memory_space<vmem>>
    %dma_wait3A_468 = arith.constant 0 : i32
    %dma_wait3A_469 = tpu.memref_slice %arg9[%dma_wait3A_468] : memref<320xf32, #tpu.memory_space<vmem_shared>> -> memref<320xf32, #tpu.memory_space<vmem_shared>>
    tpu.wait_indirect_dma semaphore(%arg16 : memref<!tpu.dma_semaphore, #tpu.memory_space<semaphore_mem>>) src(%dma_wait3A_469 : memref<320xf32, #tpu.memory_space<vmem_shared>>) dst(%dma_wait3A_464 : memref<128xf32, #tpu.memory_space<vmem>>)
    %dma_wait3A_470 = arith.constant 13 : i32
    %dma_wait3A_471 = arith.constant 1664 : i32
    %dma_wait3A_472 = tpu.memref_slice %arg11[%dma_wait3A_471] : memref<5120xf32, #tpu.memory_space<vmem>> -> memref<128xf32, #tpu.memory_space<vmem>>
    %dma_wait3A_473 = arith.constant 0 : i32
    %dma_wait3A_474 = tpu.memref_slice %arg10[%dma_wait3A_470, %dma_wait3A_473] : memref<40x128xi32, #tpu.memory_space<vmem>> -> memref<1x128xi32, #tpu.memory_space<vmem>>
    %dma_wait3A_475 = tpu.memref_squeeze %dma_wait3A_474 : memref<1x128xi32, #tpu.memory_space<vmem>> -> memref<128xi32, #tpu.memory_space<vmem>>
    %dma_wait3A_476 = arith.constant 0 : i32
    %dma_wait3A_477 = tpu.memref_slice %arg9[%dma_wait3A_476] : memref<320xf32, #tpu.memory_space<vmem_shared>> -> memref<320xf32, #tpu.memory_space<vmem_shared>>
    tpu.wait_indirect_dma semaphore(%arg16 : memref<!tpu.dma_semaphore, #tpu.memory_space<semaphore_mem>>) src(%dma_wait3A_477 : memref<320xf32, #tpu.memory_space<vmem_shared>>) dst(%dma_wait3A_472 : memref<128xf32, #tpu.memory_space<vmem>>)
    %dma_wait3A_478 = arith.constant 14 : i32
    %dma_wait3A_479 = arith.constant 1792 : i32
    %dma_wait3A_480 = tpu.memref_slice %arg11[%dma_wait3A_479] : memref<5120xf32, #tpu.memory_space<vmem>> -> memref<128xf32, #tpu.memory_space<vmem>>
    %dma_wait3A_481 = arith.constant 0 : i32
    %dma_wait3A_482 = tpu.memref_slice %arg10[%dma_wait3A_478, %dma_wait3A_481] : memref<40x128xi32, #tpu.memory_space<vmem>> -> memref<1x128xi32, #tpu.memory_space<vmem>>
    %dma_wait3A_483 = tpu.memref_squeeze %dma_wait3A_482 : memref<1x128xi32, #tpu.memory_space<vmem>> -> memref<128xi32, #tpu.memory_space<vmem>>
    %dma_wait3A_484 = arith.constant 0 : i32
    %dma_wait3A_485 = tpu.memref_slice %arg9[%dma_wait3A_484] : memref<320xf32, #tpu.memory_space<vmem_shared>> -> memref<320xf32, #tpu.memory_space<vmem_shared>>
    tpu.wait_indirect_dma semaphore(%arg16 : memref<!tpu.dma_semaphore, #tpu.memory_space<semaphore_mem>>) src(%dma_wait3A_485 : memref<320xf32, #tpu.memory_space<vmem_shared>>) dst(%dma_wait3A_480 : memref<128xf32, #tpu.memory_space<vmem>>)
    %dma_wait3A_486 = arith.constant 15 : i32
    %dma_wait3A_487 = arith.constant 1920 : i32
    %dma_wait3A_488 = tpu.memref_slice %arg11[%dma_wait3A_487] : memref<5120xf32, #tpu.memory_space<vmem>> -> memref<128xf32, #tpu.memory_space<vmem>>
    %dma_wait3A_489 = arith.constant 0 : i32
    %dma_wait3A_490 = tpu.memref_slice %arg10[%dma_wait3A_486, %dma_wait3A_489] : memref<40x128xi32, #tpu.memory_space<vmem>> -> memref<1x128xi32, #tpu.memory_space<vmem>>
    %dma_wait3A_491 = tpu.memref_squeeze %dma_wait3A_490 : memref<1x128xi32, #tpu.memory_space<vmem>> -> memref<128xi32, #tpu.memory_space<vmem>>
    %dma_wait3A_492 = arith.constant 0 : i32
    %dma_wait3A_493 = tpu.memref_slice %arg9[%dma_wait3A_492] : memref<320xf32, #tpu.memory_space<vmem_shared>> -> memref<320xf32, #tpu.memory_space<vmem_shared>>
    tpu.wait_indirect_dma semaphore(%arg16 : memref<!tpu.dma_semaphore, #tpu.memory_space<semaphore_mem>>) src(%dma_wait3A_493 : memref<320xf32, #tpu.memory_space<vmem_shared>>) dst(%dma_wait3A_488 : memref<128xf32, #tpu.memory_space<vmem>>)
    %dma_wait3A_494 = arith.constant 16 : i32
    %dma_wait3A_495 = arith.constant 2048 : i32
    %dma_wait3A_496 = tpu.memref_slice %arg11[%dma_wait3A_495] : memref<5120xf32, #tpu.memory_space<vmem>> -> memref<128xf32, #tpu.memory_space<vmem>>
    %dma_wait3A_497 = arith.constant 0 : i32
    %dma_wait3A_498 = tpu.memref_slice %arg10[%dma_wait3A_494, %dma_wait3A_497] : memref<40x128xi32, #tpu.memory_space<vmem>> -> memref<1x128xi32, #tpu.memory_space<vmem>>
    %dma_wait3A_499 = tpu.memref_squeeze %dma_wait3A_498 : memref<1x128xi32, #tpu.memory_space<vmem>> -> memref<128xi32, #tpu.memory_space<vmem>>
    %dma_wait3A_500 = arith.constant 0 : i32
    %dma_wait3A_501 = tpu.memref_slice %arg9[%dma_wait3A_500] : memref<320xf32, #tpu.memory_space<vmem_shared>> -> memref<320xf32, #tpu.memory_space<vmem_shared>>
    tpu.wait_indirect_dma semaphore(%arg16 : memref<!tpu.dma_semaphore, #tpu.memory_space<semaphore_mem>>) src(%dma_wait3A_501 : memref<320xf32, #tpu.memory_space<vmem_shared>>) dst(%dma_wait3A_496 : memref<128xf32, #tpu.memory_space<vmem>>)
    %dma_wait3A_502 = arith.constant 17 : i32
    %dma_wait3A_503 = arith.constant 2176 : i32
    %dma_wait3A_504 = tpu.memref_slice %arg11[%dma_wait3A_503] : memref<5120xf32, #tpu.memory_space<vmem>> -> memref<128xf32, #tpu.memory_space<vmem>>
    %dma_wait3A_505 = arith.constant 0 : i32
    %dma_wait3A_506 = tpu.memref_slice %arg10[%dma_wait3A_502, %dma_wait3A_505] : memref<40x128xi32, #tpu.memory_space<vmem>> -> memref<1x128xi32, #tpu.memory_space<vmem>>
    %dma_wait3A_507 = tpu.memref_squeeze %dma_wait3A_506 : memref<1x128xi32, #tpu.memory_space<vmem>> -> memref<128xi32, #tpu.memory_space<vmem>>
    %dma_wait3A_508 = arith.constant 0 : i32
    %dma_wait3A_509 = tpu.memref_slice %arg9[%dma_wait3A_508] : memref<320xf32, #tpu.memory_space<vmem_shared>> -> memref<320xf32, #tpu.memory_space<vmem_shared>>
    tpu.wait_indirect_dma semaphore(%arg16 : memref<!tpu.dma_semaphore, #tpu.memory_space<semaphore_mem>>) src(%dma_wait3A_509 : memref<320xf32, #tpu.memory_space<vmem_shared>>) dst(%dma_wait3A_504 : memref<128xf32, #tpu.memory_space<vmem>>)
    %dma_wait3A_510 = arith.constant 18 : i32
    %dma_wait3A_511 = arith.constant 2304 : i32
    %dma_wait3A_512 = tpu.memref_slice %arg11[%dma_wait3A_511] : memref<5120xf32, #tpu.memory_space<vmem>> -> memref<128xf32, #tpu.memory_space<vmem>>
    %dma_wait3A_513 = arith.constant 0 : i32
    %dma_wait3A_514 = tpu.memref_slice %arg10[%dma_wait3A_510, %dma_wait3A_513] : memref<40x128xi32, #tpu.memory_space<vmem>> -> memref<1x128xi32, #tpu.memory_space<vmem>>
    %dma_wait3A_515 = tpu.memref_squeeze %dma_wait3A_514 : memref<1x128xi32, #tpu.memory_space<vmem>> -> memref<128xi32, #tpu.memory_space<vmem>>
    %dma_wait3A_516 = arith.constant 0 : i32
    %dma_wait3A_517 = tpu.memref_slice %arg9[%dma_wait3A_516] : memref<320xf32, #tpu.memory_space<vmem_shared>> -> memref<320xf32, #tpu.memory_space<vmem_shared>>
    tpu.wait_indirect_dma semaphore(%arg16 : memref<!tpu.dma_semaphore, #tpu.memory_space<semaphore_mem>>) src(%dma_wait3A_517 : memref<320xf32, #tpu.memory_space<vmem_shared>>) dst(%dma_wait3A_512 : memref<128xf32, #tpu.memory_space<vmem>>)
    %dma_wait3A_518 = arith.constant 19 : i32
    %dma_wait3A_519 = arith.constant 2432 : i32
    %dma_wait3A_520 = tpu.memref_slice %arg11[%dma_wait3A_519] : memref<5120xf32, #tpu.memory_space<vmem>> -> memref<128xf32, #tpu.memory_space<vmem>>
    %dma_wait3A_521 = arith.constant 0 : i32
    %dma_wait3A_522 = tpu.memref_slice %arg10[%dma_wait3A_518, %dma_wait3A_521] : memref<40x128xi32, #tpu.memory_space<vmem>> -> memref<1x128xi32, #tpu.memory_space<vmem>>
    %dma_wait3A_523 = tpu.memref_squeeze %dma_wait3A_522 : memref<1x128xi32, #tpu.memory_space<vmem>> -> memref<128xi32, #tpu.memory_space<vmem>>
    %dma_wait3A_524 = arith.constant 0 : i32
    %dma_wait3A_525 = tpu.memref_slice %arg9[%dma_wait3A_524] : memref<320xf32, #tpu.memory_space<vmem_shared>> -> memref<320xf32, #tpu.memory_space<vmem_shared>>
    tpu.wait_indirect_dma semaphore(%arg16 : memref<!tpu.dma_semaphore, #tpu.memory_space<semaphore_mem>>) src(%dma_wait3A_525 : memref<320xf32, #tpu.memory_space<vmem_shared>>) dst(%dma_wait3A_520 : memref<128xf32, #tpu.memory_space<vmem>>)
    %dma_wait3A_526 = arith.constant 20 : i32
    %dma_wait3A_527 = arith.constant 2560 : i32
    %dma_wait3A_528 = tpu.memref_slice %arg11[%dma_wait3A_527] : memref<5120xf32, #tpu.memory_space<vmem>> -> memref<128xf32, #tpu.memory_space<vmem>>
    %dma_wait3A_529 = arith.constant 0 : i32
    %dma_wait3A_530 = tpu.memref_slice %arg10[%dma_wait3A_526, %dma_wait3A_529] : memref<40x128xi32, #tpu.memory_space<vmem>> -> memref<1x128xi32, #tpu.memory_space<vmem>>
    %dma_wait3A_531 = tpu.memref_squeeze %dma_wait3A_530 : memref<1x128xi32, #tpu.memory_space<vmem>> -> memref<128xi32, #tpu.memory_space<vmem>>
    %dma_wait3A_532 = arith.constant 0 : i32
    %dma_wait3A_533 = tpu.memref_slice %arg9[%dma_wait3A_532] : memref<320xf32, #tpu.memory_space<vmem_shared>> -> memref<320xf32, #tpu.memory_space<vmem_shared>>
    tpu.wait_indirect_dma semaphore(%arg16 : memref<!tpu.dma_semaphore, #tpu.memory_space<semaphore_mem>>) src(%dma_wait3A_533 : memref<320xf32, #tpu.memory_space<vmem_shared>>) dst(%dma_wait3A_528 : memref<128xf32, #tpu.memory_space<vmem>>)
    %dma_wait3A_534 = arith.constant 21 : i32
    %dma_wait3A_535 = arith.constant 2688 : i32
    %dma_wait3A_536 = tpu.memref_slice %arg11[%dma_wait3A_535] : memref<5120xf32, #tpu.memory_space<vmem>> -> memref<128xf32, #tpu.memory_space<vmem>>
    %dma_wait3A_537 = arith.constant 0 : i32
    %dma_wait3A_538 = tpu.memref_slice %arg10[%dma_wait3A_534, %dma_wait3A_537] : memref<40x128xi32, #tpu.memory_space<vmem>> -> memref<1x128xi32, #tpu.memory_space<vmem>>
    %dma_wait3A_539 = tpu.memref_squeeze %dma_wait3A_538 : memref<1x128xi32, #tpu.memory_space<vmem>> -> memref<128xi32, #tpu.memory_space<vmem>>
    %dma_wait3A_540 = arith.constant 0 : i32
    %dma_wait3A_541 = tpu.memref_slice %arg9[%dma_wait3A_540] : memref<320xf32, #tpu.memory_space<vmem_shared>> -> memref<320xf32, #tpu.memory_space<vmem_shared>>
    tpu.wait_indirect_dma semaphore(%arg16 : memref<!tpu.dma_semaphore, #tpu.memory_space<semaphore_mem>>) src(%dma_wait3A_541 : memref<320xf32, #tpu.memory_space<vmem_shared>>) dst(%dma_wait3A_536 : memref<128xf32, #tpu.memory_space<vmem>>)
    %dma_wait3A_542 = arith.constant 22 : i32
    %dma_wait3A_543 = arith.constant 2816 : i32
    %dma_wait3A_544 = tpu.memref_slice %arg11[%dma_wait3A_543] : memref<5120xf32, #tpu.memory_space<vmem>> -> memref<128xf32, #tpu.memory_space<vmem>>
    %dma_wait3A_545 = arith.constant 0 : i32
    %dma_wait3A_546 = tpu.memref_slice %arg10[%dma_wait3A_542, %dma_wait3A_545] : memref<40x128xi32, #tpu.memory_space<vmem>> -> memref<1x128xi32, #tpu.memory_space<vmem>>
    %dma_wait3A_547 = tpu.memref_squeeze %dma_wait3A_546 : memref<1x128xi32, #tpu.memory_space<vmem>> -> memref<128xi32, #tpu.memory_space<vmem>>
    %dma_wait3A_548 = arith.constant 0 : i32
    %dma_wait3A_549 = tpu.memref_slice %arg9[%dma_wait3A_548] : memref<320xf32, #tpu.memory_space<vmem_shared>> -> memref<320xf32, #tpu.memory_space<vmem_shared>>
    tpu.wait_indirect_dma semaphore(%arg16 : memref<!tpu.dma_semaphore, #tpu.memory_space<semaphore_mem>>) src(%dma_wait3A_549 : memref<320xf32, #tpu.memory_space<vmem_shared>>) dst(%dma_wait3A_544 : memref<128xf32, #tpu.memory_space<vmem>>)
    %dma_wait3A_550 = arith.constant 23 : i32
    %dma_wait3A_551 = arith.constant 2944 : i32
    %dma_wait3A_552 = tpu.memref_slice %arg11[%dma_wait3A_551] : memref<5120xf32, #tpu.memory_space<vmem>> -> memref<128xf32, #tpu.memory_space<vmem>>
    %dma_wait3A_553 = arith.constant 0 : i32
    %dma_wait3A_554 = tpu.memref_slice %arg10[%dma_wait3A_550, %dma_wait3A_553] : memref<40x128xi32, #tpu.memory_space<vmem>> -> memref<1x128xi32, #tpu.memory_space<vmem>>
    %dma_wait3A_555 = tpu.memref_squeeze %dma_wait3A_554 : memref<1x128xi32, #tpu.memory_space<vmem>> -> memref<128xi32, #tpu.memory_space<vmem>>
    %dma_wait3A_556 = arith.constant 0 : i32
    %dma_wait3A_557 = tpu.memref_slice %arg9[%dma_wait3A_556] : memref<320xf32, #tpu.memory_space<vmem_shared>> -> memref<320xf32, #tpu.memory_space<vmem_shared>>
    tpu.wait_indirect_dma semaphore(%arg16 : memref<!tpu.dma_semaphore, #tpu.memory_space<semaphore_mem>>) src(%dma_wait3A_557 : memref<320xf32, #tpu.memory_space<vmem_shared>>) dst(%dma_wait3A_552 : memref<128xf32, #tpu.memory_space<vmem>>)
    %dma_wait3A_558 = arith.constant 24 : i32
    %dma_wait3A_559 = arith.constant 3072 : i32
    %dma_wait3A_560 = tpu.memref_slice %arg11[%dma_wait3A_559] : memref<5120xf32, #tpu.memory_space<vmem>> -> memref<128xf32, #tpu.memory_space<vmem>>
    %dma_wait3A_561 = arith.constant 0 : i32
    %dma_wait3A_562 = tpu.memref_slice %arg10[%dma_wait3A_558, %dma_wait3A_561] : memref<40x128xi32, #tpu.memory_space<vmem>> -> memref<1x128xi32, #tpu.memory_space<vmem>>
    %dma_wait3A_563 = tpu.memref_squeeze %dma_wait3A_562 : memref<1x128xi32, #tpu.memory_space<vmem>> -> memref<128xi32, #tpu.memory_space<vmem>>
    %dma_wait3A_564 = arith.constant 0 : i32
    %dma_wait3A_565 = tpu.memref_slice %arg9[%dma_wait3A_564] : memref<320xf32, #tpu.memory_space<vmem_shared>> -> memref<320xf32, #tpu.memory_space<vmem_shared>>
    tpu.wait_indirect_dma semaphore(%arg16 : memref<!tpu.dma_semaphore, #tpu.memory_space<semaphore_mem>>) src(%dma_wait3A_565 : memref<320xf32, #tpu.memory_space<vmem_shared>>) dst(%dma_wait3A_560 : memref<128xf32, #tpu.memory_space<vmem>>)
    %dma_wait3A_566 = arith.constant 25 : i32
    %dma_wait3A_567 = arith.constant 3200 : i32
    %dma_wait3A_568 = tpu.memref_slice %arg11[%dma_wait3A_567] : memref<5120xf32, #tpu.memory_space<vmem>> -> memref<128xf32, #tpu.memory_space<vmem>>
    %dma_wait3A_569 = arith.constant 0 : i32
    %dma_wait3A_570 = tpu.memref_slice %arg10[%dma_wait3A_566, %dma_wait3A_569] : memref<40x128xi32, #tpu.memory_space<vmem>> -> memref<1x128xi32, #tpu.memory_space<vmem>>
    %dma_wait3A_571 = tpu.memref_squeeze %dma_wait3A_570 : memref<1x128xi32, #tpu.memory_space<vmem>> -> memref<128xi32, #tpu.memory_space<vmem>>
    %dma_wait3A_572 = arith.constant 0 : i32
    %dma_wait3A_573 = tpu.memref_slice %arg9[%dma_wait3A_572] : memref<320xf32, #tpu.memory_space<vmem_shared>> -> memref<320xf32, #tpu.memory_space<vmem_shared>>
    tpu.wait_indirect_dma semaphore(%arg16 : memref<!tpu.dma_semaphore, #tpu.memory_space<semaphore_mem>>) src(%dma_wait3A_573 : memref<320xf32, #tpu.memory_space<vmem_shared>>) dst(%dma_wait3A_568 : memref<128xf32, #tpu.memory_space<vmem>>)
    %dma_wait3A_574 = arith.constant 26 : i32
    %dma_wait3A_575 = arith.constant 3328 : i32
    %dma_wait3A_576 = tpu.memref_slice %arg11[%dma_wait3A_575] : memref<5120xf32, #tpu.memory_space<vmem>> -> memref<128xf32, #tpu.memory_space<vmem>>
    %dma_wait3A_577 = arith.constant 0 : i32
    %dma_wait3A_578 = tpu.memref_slice %arg10[%dma_wait3A_574, %dma_wait3A_577] : memref<40x128xi32, #tpu.memory_space<vmem>> -> memref<1x128xi32, #tpu.memory_space<vmem>>
    %dma_wait3A_579 = tpu.memref_squeeze %dma_wait3A_578 : memref<1x128xi32, #tpu.memory_space<vmem>> -> memref<128xi32, #tpu.memory_space<vmem>>
    %dma_wait3A_580 = arith.constant 0 : i32
    %dma_wait3A_581 = tpu.memref_slice %arg9[%dma_wait3A_580] : memref<320xf32, #tpu.memory_space<vmem_shared>> -> memref<320xf32, #tpu.memory_space<vmem_shared>>
    tpu.wait_indirect_dma semaphore(%arg16 : memref<!tpu.dma_semaphore, #tpu.memory_space<semaphore_mem>>) src(%dma_wait3A_581 : memref<320xf32, #tpu.memory_space<vmem_shared>>) dst(%dma_wait3A_576 : memref<128xf32, #tpu.memory_space<vmem>>)
    %dma_wait3A_582 = arith.constant 27 : i32
    %dma_wait3A_583 = arith.constant 3456 : i32
    %dma_wait3A_584 = tpu.memref_slice %arg11[%dma_wait3A_583] : memref<5120xf32, #tpu.memory_space<vmem>> -> memref<128xf32, #tpu.memory_space<vmem>>
    %dma_wait3A_585 = arith.constant 0 : i32
    %dma_wait3A_586 = tpu.memref_slice %arg10[%dma_wait3A_582, %dma_wait3A_585] : memref<40x128xi32, #tpu.memory_space<vmem>> -> memref<1x128xi32, #tpu.memory_space<vmem>>
    %dma_wait3A_587 = tpu.memref_squeeze %dma_wait3A_586 : memref<1x128xi32, #tpu.memory_space<vmem>> -> memref<128xi32, #tpu.memory_space<vmem>>
    %dma_wait3A_588 = arith.constant 0 : i32
    %dma_wait3A_589 = tpu.memref_slice %arg9[%dma_wait3A_588] : memref<320xf32, #tpu.memory_space<vmem_shared>> -> memref<320xf32, #tpu.memory_space<vmem_shared>>
    tpu.wait_indirect_dma semaphore(%arg16 : memref<!tpu.dma_semaphore, #tpu.memory_space<semaphore_mem>>) src(%dma_wait3A_589 : memref<320xf32, #tpu.memory_space<vmem_shared>>) dst(%dma_wait3A_584 : memref<128xf32, #tpu.memory_space<vmem>>)
    %dma_wait3A_590 = arith.constant 28 : i32
    %dma_wait3A_591 = arith.constant 3584 : i32
    %dma_wait3A_592 = tpu.memref_slice %arg11[%dma_wait3A_591] : memref<5120xf32, #tpu.memory_space<vmem>> -> memref<128xf32, #tpu.memory_space<vmem>>
    %dma_wait3A_593 = arith.constant 0 : i32
    %dma_wait3A_594 = tpu.memref_slice %arg10[%dma_wait3A_590, %dma_wait3A_593] : memref<40x128xi32, #tpu.memory_space<vmem>> -> memref<1x128xi32, #tpu.memory_space<vmem>>
    %dma_wait3A_595 = tpu.memref_squeeze %dma_wait3A_594 : memref<1x128xi32, #tpu.memory_space<vmem>> -> memref<128xi32, #tpu.memory_space<vmem>>
    %dma_wait3A_596 = arith.constant 0 : i32
    %dma_wait3A_597 = tpu.memref_slice %arg9[%dma_wait3A_596] : memref<320xf32, #tpu.memory_space<vmem_shared>> -> memref<320xf32, #tpu.memory_space<vmem_shared>>
    tpu.wait_indirect_dma semaphore(%arg16 : memref<!tpu.dma_semaphore, #tpu.memory_space<semaphore_mem>>) src(%dma_wait3A_597 : memref<320xf32, #tpu.memory_space<vmem_shared>>) dst(%dma_wait3A_592 : memref<128xf32, #tpu.memory_space<vmem>>)
    %dma_wait3A_598 = arith.constant 29 : i32
    %dma_wait3A_599 = arith.constant 3712 : i32
    %dma_wait3A_600 = tpu.memref_slice %arg11[%dma_wait3A_599] : memref<5120xf32, #tpu.memory_space<vmem>> -> memref<128xf32, #tpu.memory_space<vmem>>
    %dma_wait3A_601 = arith.constant 0 : i32
    %dma_wait3A_602 = tpu.memref_slice %arg10[%dma_wait3A_598, %dma_wait3A_601] : memref<40x128xi32, #tpu.memory_space<vmem>> -> memref<1x128xi32, #tpu.memory_space<vmem>>
    %dma_wait3A_603 = tpu.memref_squeeze %dma_wait3A_602 : memref<1x128xi32, #tpu.memory_space<vmem>> -> memref<128xi32, #tpu.memory_space<vmem>>
    %dma_wait3A_604 = arith.constant 0 : i32
    %dma_wait3A_605 = tpu.memref_slice %arg9[%dma_wait3A_604] : memref<320xf32, #tpu.memory_space<vmem_shared>> -> memref<320xf32, #tpu.memory_space<vmem_shared>>
    tpu.wait_indirect_dma semaphore(%arg16 : memref<!tpu.dma_semaphore, #tpu.memory_space<semaphore_mem>>) src(%dma_wait3A_605 : memref<320xf32, #tpu.memory_space<vmem_shared>>) dst(%dma_wait3A_600 : memref<128xf32, #tpu.memory_space<vmem>>)
    %dma_wait3A_606 = arith.constant 30 : i32
    %dma_wait3A_607 = arith.constant 3840 : i32
    %dma_wait3A_608 = tpu.memref_slice %arg11[%dma_wait3A_607] : memref<5120xf32, #tpu.memory_space<vmem>> -> memref<128xf32, #tpu.memory_space<vmem>>
    %dma_wait3A_609 = arith.constant 0 : i32
    %dma_wait3A_610 = tpu.memref_slice %arg10[%dma_wait3A_606, %dma_wait3A_609] : memref<40x128xi32, #tpu.memory_space<vmem>> -> memref<1x128xi32, #tpu.memory_space<vmem>>
    %dma_wait3A_611 = tpu.memref_squeeze %dma_wait3A_610 : memref<1x128xi32, #tpu.memory_space<vmem>> -> memref<128xi32, #tpu.memory_space<vmem>>
    %dma_wait3A_612 = arith.constant 0 : i32
    %dma_wait3A_613 = tpu.memref_slice %arg9[%dma_wait3A_612] : memref<320xf32, #tpu.memory_space<vmem_shared>> -> memref<320xf32, #tpu.memory_space<vmem_shared>>
    tpu.wait_indirect_dma semaphore(%arg16 : memref<!tpu.dma_semaphore, #tpu.memory_space<semaphore_mem>>) src(%dma_wait3A_613 : memref<320xf32, #tpu.memory_space<vmem_shared>>) dst(%dma_wait3A_608 : memref<128xf32, #tpu.memory_space<vmem>>)
    %dma_wait3A_614 = arith.constant 31 : i32
    %dma_wait3A_615 = arith.constant 3968 : i32
    %dma_wait3A_616 = tpu.memref_slice %arg11[%dma_wait3A_615] : memref<5120xf32, #tpu.memory_space<vmem>> -> memref<128xf32, #tpu.memory_space<vmem>>
    %dma_wait3A_617 = arith.constant 0 : i32
    %dma_wait3A_618 = tpu.memref_slice %arg10[%dma_wait3A_614, %dma_wait3A_617] : memref<40x128xi32, #tpu.memory_space<vmem>> -> memref<1x128xi32, #tpu.memory_space<vmem>>
    %dma_wait3A_619 = tpu.memref_squeeze %dma_wait3A_618 : memref<1x128xi32, #tpu.memory_space<vmem>> -> memref<128xi32, #tpu.memory_space<vmem>>
    %dma_wait3A_620 = arith.constant 0 : i32
    %dma_wait3A_621 = tpu.memref_slice %arg9[%dma_wait3A_620] : memref<320xf32, #tpu.memory_space<vmem_shared>> -> memref<320xf32, #tpu.memory_space<vmem_shared>>
    tpu.wait_indirect_dma semaphore(%arg16 : memref<!tpu.dma_semaphore, #tpu.memory_space<semaphore_mem>>) src(%dma_wait3A_621 : memref<320xf32, #tpu.memory_space<vmem_shared>>) dst(%dma_wait3A_616 : memref<128xf32, #tpu.memory_space<vmem>>)
    %dma_wait3A_622 = arith.constant 32 : i32
    %dma_wait3A_623 = arith.constant 4096 : i32
    %dma_wait3A_624 = tpu.memref_slice %arg11[%dma_wait3A_623] : memref<5120xf32, #tpu.memory_space<vmem>> -> memref<128xf32, #tpu.memory_space<vmem>>
    %dma_wait3A_625 = arith.constant 0 : i32
    %dma_wait3A_626 = tpu.memref_slice %arg10[%dma_wait3A_622, %dma_wait3A_625] : memref<40x128xi32, #tpu.memory_space<vmem>> -> memref<1x128xi32, #tpu.memory_space<vmem>>
    %dma_wait3A_627 = tpu.memref_squeeze %dma_wait3A_626 : memref<1x128xi32, #tpu.memory_space<vmem>> -> memref<128xi32, #tpu.memory_space<vmem>>
    %dma_wait3A_628 = arith.constant 0 : i32
    %dma_wait3A_629 = tpu.memref_slice %arg9[%dma_wait3A_628] : memref<320xf32, #tpu.memory_space<vmem_shared>> -> memref<320xf32, #tpu.memory_space<vmem_shared>>
    tpu.wait_indirect_dma semaphore(%arg16 : memref<!tpu.dma_semaphore, #tpu.memory_space<semaphore_mem>>) src(%dma_wait3A_629 : memref<320xf32, #tpu.memory_space<vmem_shared>>) dst(%dma_wait3A_624 : memref<128xf32, #tpu.memory_space<vmem>>)
    %dma_wait3A_630 = arith.constant 33 : i32
    %dma_wait3A_631 = arith.constant 4224 : i32
    %dma_wait3A_632 = tpu.memref_slice %arg11[%dma_wait3A_631] : memref<5120xf32, #tpu.memory_space<vmem>> -> memref<128xf32, #tpu.memory_space<vmem>>
    %dma_wait3A_633 = arith.constant 0 : i32
    %dma_wait3A_634 = tpu.memref_slice %arg10[%dma_wait3A_630, %dma_wait3A_633] : memref<40x128xi32, #tpu.memory_space<vmem>> -> memref<1x128xi32, #tpu.memory_space<vmem>>
    %dma_wait3A_635 = tpu.memref_squeeze %dma_wait3A_634 : memref<1x128xi32, #tpu.memory_space<vmem>> -> memref<128xi32, #tpu.memory_space<vmem>>
    %dma_wait3A_636 = arith.constant 0 : i32
    %dma_wait3A_637 = tpu.memref_slice %arg9[%dma_wait3A_636] : memref<320xf32, #tpu.memory_space<vmem_shared>> -> memref<320xf32, #tpu.memory_space<vmem_shared>>
    tpu.wait_indirect_dma semaphore(%arg16 : memref<!tpu.dma_semaphore, #tpu.memory_space<semaphore_mem>>) src(%dma_wait3A_637 : memref<320xf32, #tpu.memory_space<vmem_shared>>) dst(%dma_wait3A_632 : memref<128xf32, #tpu.memory_space<vmem>>)
    %dma_wait3A_638 = arith.constant 34 : i32
    %dma_wait3A_639 = arith.constant 4352 : i32
    %dma_wait3A_640 = tpu.memref_slice %arg11[%dma_wait3A_639] : memref<5120xf32, #tpu.memory_space<vmem>> -> memref<128xf32, #tpu.memory_space<vmem>>
    %dma_wait3A_641 = arith.constant 0 : i32
    %dma_wait3A_642 = tpu.memref_slice %arg10[%dma_wait3A_638, %dma_wait3A_641] : memref<40x128xi32, #tpu.memory_space<vmem>> -> memref<1x128xi32, #tpu.memory_space<vmem>>
    %dma_wait3A_643 = tpu.memref_squeeze %dma_wait3A_642 : memref<1x128xi32, #tpu.memory_space<vmem>> -> memref<128xi32, #tpu.memory_space<vmem>>
    %dma_wait3A_644 = arith.constant 0 : i32
    %dma_wait3A_645 = tpu.memref_slice %arg9[%dma_wait3A_644] : memref<320xf32, #tpu.memory_space<vmem_shared>> -> memref<320xf32, #tpu.memory_space<vmem_shared>>
    tpu.wait_indirect_dma semaphore(%arg16 : memref<!tpu.dma_semaphore, #tpu.memory_space<semaphore_mem>>) src(%dma_wait3A_645 : memref<320xf32, #tpu.memory_space<vmem_shared>>) dst(%dma_wait3A_640 : memref<128xf32, #tpu.memory_space<vmem>>)
    %dma_wait3A_646 = arith.constant 35 : i32
    %dma_wait3A_647 = arith.constant 4480 : i32
    %dma_wait3A_648 = tpu.memref_slice %arg11[%dma_wait3A_647] : memref<5120xf32, #tpu.memory_space<vmem>> -> memref<128xf32, #tpu.memory_space<vmem>>
    %dma_wait3A_649 = arith.constant 0 : i32
    %dma_wait3A_650 = tpu.memref_slice %arg10[%dma_wait3A_646, %dma_wait3A_649] : memref<40x128xi32, #tpu.memory_space<vmem>> -> memref<1x128xi32, #tpu.memory_space<vmem>>
    %dma_wait3A_651 = tpu.memref_squeeze %dma_wait3A_650 : memref<1x128xi32, #tpu.memory_space<vmem>> -> memref<128xi32, #tpu.memory_space<vmem>>
    %dma_wait3A_652 = arith.constant 0 : i32
    %dma_wait3A_653 = tpu.memref_slice %arg9[%dma_wait3A_652] : memref<320xf32, #tpu.memory_space<vmem_shared>> -> memref<320xf32, #tpu.memory_space<vmem_shared>>
    tpu.wait_indirect_dma semaphore(%arg16 : memref<!tpu.dma_semaphore, #tpu.memory_space<semaphore_mem>>) src(%dma_wait3A_653 : memref<320xf32, #tpu.memory_space<vmem_shared>>) dst(%dma_wait3A_648 : memref<128xf32, #tpu.memory_space<vmem>>)
    %dma_wait3A_654 = arith.constant 36 : i32
    %dma_wait3A_655 = arith.constant 4608 : i32
    %dma_wait3A_656 = tpu.memref_slice %arg11[%dma_wait3A_655] : memref<5120xf32, #tpu.memory_space<vmem>> -> memref<128xf32, #tpu.memory_space<vmem>>
    %dma_wait3A_657 = arith.constant 0 : i32
    %dma_wait3A_658 = tpu.memref_slice %arg10[%dma_wait3A_654, %dma_wait3A_657] : memref<40x128xi32, #tpu.memory_space<vmem>> -> memref<1x128xi32, #tpu.memory_space<vmem>>
    %dma_wait3A_659 = tpu.memref_squeeze %dma_wait3A_658 : memref<1x128xi32, #tpu.memory_space<vmem>> -> memref<128xi32, #tpu.memory_space<vmem>>
    %dma_wait3A_660 = arith.constant 0 : i32
    %dma_wait3A_661 = tpu.memref_slice %arg9[%dma_wait3A_660] : memref<320xf32, #tpu.memory_space<vmem_shared>> -> memref<320xf32, #tpu.memory_space<vmem_shared>>
    tpu.wait_indirect_dma semaphore(%arg16 : memref<!tpu.dma_semaphore, #tpu.memory_space<semaphore_mem>>) src(%dma_wait3A_661 : memref<320xf32, #tpu.memory_space<vmem_shared>>) dst(%dma_wait3A_656 : memref<128xf32, #tpu.memory_space<vmem>>)
    %dma_wait3A_662 = arith.constant 37 : i32
    %dma_wait3A_663 = arith.constant 4736 : i32
    %dma_wait3A_664 = tpu.memref_slice %arg11[%dma_wait3A_663] : memref<5120xf32, #tpu.memory_space<vmem>> -> memref<128xf32, #tpu.memory_space<vmem>>
    %dma_wait3A_665 = arith.constant 0 : i32
    %dma_wait3A_666 = tpu.memref_slice %arg10[%dma_wait3A_662, %dma_wait3A_665] : memref<40x128xi32, #tpu.memory_space<vmem>> -> memref<1x128xi32, #tpu.memory_space<vmem>>
    %dma_wait3A_667 = tpu.memref_squeeze %dma_wait3A_666 : memref<1x128xi32, #tpu.memory_space<vmem>> -> memref<128xi32, #tpu.memory_space<vmem>>
    %dma_wait3A_668 = arith.constant 0 : i32
    %dma_wait3A_669 = tpu.memref_slice %arg9[%dma_wait3A_668] : memref<320xf32, #tpu.memory_space<vmem_shared>> -> memref<320xf32, #tpu.memory_space<vmem_shared>>
    tpu.wait_indirect_dma semaphore(%arg16 : memref<!tpu.dma_semaphore, #tpu.memory_space<semaphore_mem>>) src(%dma_wait3A_669 : memref<320xf32, #tpu.memory_space<vmem_shared>>) dst(%dma_wait3A_664 : memref<128xf32, #tpu.memory_space<vmem>>)
    %dma_wait3A_670 = arith.constant 38 : i32
    %dma_wait3A_671 = arith.constant 4864 : i32
    %dma_wait3A_672 = tpu.memref_slice %arg11[%dma_wait3A_671] : memref<5120xf32, #tpu.memory_space<vmem>> -> memref<128xf32, #tpu.memory_space<vmem>>
    %dma_wait3A_673 = arith.constant 0 : i32
    %dma_wait3A_674 = tpu.memref_slice %arg10[%dma_wait3A_670, %dma_wait3A_673] : memref<40x128xi32, #tpu.memory_space<vmem>> -> memref<1x128xi32, #tpu.memory_space<vmem>>
    %dma_wait3A_675 = tpu.memref_squeeze %dma_wait3A_674 : memref<1x128xi32, #tpu.memory_space<vmem>> -> memref<128xi32, #tpu.memory_space<vmem>>
    %dma_wait3A_676 = arith.constant 0 : i32
    %dma_wait3A_677 = tpu.memref_slice %arg9[%dma_wait3A_676] : memref<320xf32, #tpu.memory_space<vmem_shared>> -> memref<320xf32, #tpu.memory_space<vmem_shared>>
    tpu.wait_indirect_dma semaphore(%arg16 : memref<!tpu.dma_semaphore, #tpu.memory_space<semaphore_mem>>) src(%dma_wait3A_677 : memref<320xf32, #tpu.memory_space<vmem_shared>>) dst(%dma_wait3A_672 : memref<128xf32, #tpu.memory_space<vmem>>)
    %dma_wait3A_678 = arith.constant 39 : i32
    %dma_wait3A_679 = arith.constant 4992 : i32
    %dma_wait3A_680 = tpu.memref_slice %arg11[%dma_wait3A_679] : memref<5120xf32, #tpu.memory_space<vmem>> -> memref<128xf32, #tpu.memory_space<vmem>>
    %dma_wait3A_681 = arith.constant 0 : i32
    %dma_wait3A_682 = tpu.memref_slice %arg10[%dma_wait3A_678, %dma_wait3A_681] : memref<40x128xi32, #tpu.memory_space<vmem>> -> memref<1x128xi32, #tpu.memory_space<vmem>>
    %dma_wait3A_683 = tpu.memref_squeeze %dma_wait3A_682 : memref<1x128xi32, #tpu.memory_space<vmem>> -> memref<128xi32, #tpu.memory_space<vmem>>
    %dma_wait3A_684 = arith.constant 0 : i32
    %dma_wait3A_685 = tpu.memref_slice %arg9[%dma_wait3A_684] : memref<320xf32, #tpu.memory_space<vmem_shared>> -> memref<320xf32, #tpu.memory_space<vmem_shared>>
    tpu.wait_indirect_dma semaphore(%arg16 : memref<!tpu.dma_semaphore, #tpu.memory_space<semaphore_mem>>) src(%dma_wait3A_685 : memref<320xf32, #tpu.memory_space<vmem_shared>>) dst(%dma_wait3A_680 : memref<128xf32, #tpu.memory_space<vmem>>)
    %scan3A_686 = arith.constant 0 : i32
    %scan3A_687 = arith.constant 0 : i32
    %scan3A_688 = arith.constant 25 : i32
    %scan3A_689 = arith.addi %scan3A_687, %scan3A_688 : i32
    %scan3A_690 = arith.constant 1 : i32
    scf.for %scan3A_710 = %scan3A_687 to %scan3A_689 step %scan3A_690  : i32 {
      %mul3A_711 = arith.constant 2 : i32
      %mul3A_712 = arith.muli %scan3A_710, %mul3A_711 : i32
      %add3A_713 = arith.constant 0 : i32
      %add3A_714 = arith.addi %mul3A_712, %add3A_713 : i32
      %mul3A_715 = arith.constant 50 : i32
      %mul3A_716 = arith.muli %add3A, %mul3A_715 : i32
      %add3A_717 = arith.addi %mul3A_716, %add3A_714 : i32
      %add3A_718 = arith.constant 1 : i32
      %add3A_719 = arith.addi %add3A_714, %add3A_718 : i32
      %lt3A_720 = arith.constant 50 : i32
      %lt3A_721 = arith.cmpi slt, %add3A_719, %lt3A_720 : i32
      %convert_element_type3A_722 = arith.extui %lt3A_721 : i1 to i32
      %cond3A_723 = arith.constant 0 : i32
      %cond3A_724 = arith.cmpi ne, %convert_element_type3A_722, %cond3A_723 : i32
      scf.if %cond3A_724 {
        %add3A_857 = arith.constant 1 : i32
        %add3A_858 = arith.addi %add3A_717, %add3A_857 : i32
        %jit3A_859 = arith.constant 32 : i32
        %div3A_860 = arith.divsi %add3A_858, %jit3A_859 : i32
        %sign3A_861 = arith.constant 0 : i32
        %sign3A_862 = arith.cmpi sgt, %add3A_858, %sign3A_861 : i32
        %sign3A_863 = arith.extui %sign3A_862 : i1 to i32
        %sign3A_864 = arith.constant 0 : i32
        %sign3A_865 = arith.cmpi slt, %add3A_858, %sign3A_864 : i32
        %sign3A_866 = arith.extui %sign3A_865 : i1 to i32
        %sign3A_867 = arith.subi %sign3A_863, %sign3A_866 : i32
        %sign3A_868 = arith.constant 0 : i32
        %sign3A_869 = arith.cmpi sgt, %jit3A_859, %sign3A_868 : i32
        %sign3A_870 = arith.extui %sign3A_869 : i1 to i32
        %sign3A_871 = arith.constant 0 : i32
        %sign3A_872 = arith.cmpi slt, %jit3A_859, %sign3A_871 : i32
        %sign3A_873 = arith.extui %sign3A_872 : i1 to i32
        %sign3A_874 = arith.subi %sign3A_870, %sign3A_873 : i32
        %ne3A_875 = arith.cmpi ne, %sign3A_867, %sign3A_874 : i32
        %rem3A_876 = arith.remsi %add3A_858, %jit3A_859 : i32
        %ne3A_877 = arith.constant 0 : i32
        %ne3A_878 = arith.cmpi ne, %rem3A_876, %ne3A_877 : i32
        %and3A_879 = arith.andi %ne3A_875, %ne3A_878 : i1
        %sub3A_880 = arith.constant 1 : i32
        %sub3A_881 = arith.subi %div3A_860, %sub3A_880 : i32
        %select_n3A_882 = arith.select %and3A_879, %sub3A_881, %div3A_860 : i32
        %jit3A_883 = arith.constant 32 : i32
        %eq3A_884 = arith.constant 0 : i32
        %eq3A_885 = arith.cmpi eq, %jit3A_883, %eq3A_884 : i32
        %jit3A_886 = arith.constant 1 : i32
        %select_n3A_887 = arith.select %eq3A_885, %jit3A_886, %jit3A_883 : i32
        %rem3A_888 = arith.remsi %add3A_858, %select_n3A_887 : i32
        %ne3A_889 = arith.constant 0 : i32
        %ne3A_890 = arith.cmpi ne, %rem3A_888, %ne3A_889 : i32
        %lt3A_891 = arith.constant 0 : i32
        %lt3A_892 = arith.cmpi slt, %rem3A_888, %lt3A_891 : i32
        %lt3A_893 = arith.constant 0 : i32
        %lt3A_894 = arith.cmpi slt, %select_n3A_887, %lt3A_893 : i32
        %ne3A_895 = arith.xori %lt3A_892, %lt3A_894 : i1
        %and3A_896 = arith.andi %ne3A_895, %ne3A_890 : i1
        %add3A_897 = arith.addi %rem3A_888, %select_n3A_887 : i32
        %select_n3A_898 = arith.select %and3A_896, %add3A_897, %rem3A_888 : i32
        %mul3A_899 = arith.constant 512 : i32
        %mul3A_900 = arith.muli %select_n3A_898, %mul3A_899 : i32
        %mul3A_901 = arith.constant 16384 : i32
        %mul3A_902 = arith.muli %select_n3A_882, %mul3A_901 : i32
        %add3A_903 = arith.addi %mul3A_902, %mul3A_900 : i32
        %dma_start3A_904 = tpu.memref_slice %arg4[%add3A_903] : memref<819200xi32, #tpu.memory_space<hbm>> -> memref<512xi32, #tpu.memory_space<hbm>>
        %dma_start3A_905 = tpu.memref_slice %arg4[%add3A_903] : memref<819200xi32, #tpu.memory_space<hbm>> -> memref<512xi32, #tpu.memory_space<hbm>>
        tpu.enqueue_dma source(%dma_start3A_905 : memref<512xi32, #tpu.memory_space<hbm>>) target(%arg13 : memref<512xi32, #tpu.memory_space<vmem>>) target_semaphore(%arg18 : memref<!tpu.dma_semaphore, #tpu.memory_space<semaphore_mem>>)
      } else {
      }
      %ge3A = arith.constant 2 : i32
      %ge3A_725 = arith.cmpi sge, %add3A_714, %ge3A : i32
      %convert_element_type3A_726 = arith.extui %ge3A_725 : i1 to i32
      %cond3A_727 = arith.constant 0 : i32
      %cond3A_728 = arith.cmpi ne, %convert_element_type3A_726, %cond3A_727 : i32
      scf.if %cond3A_728 {
        %dma_wait3A_857 = arith.constant 0 : i32
        %dma_wait3A_858 = arith.constant 0 : i32
        %dma_wait3A_859 = arith.constant 0 : i32
        %dma_wait3A_860 = tpu.memref_slice %arg5[%dma_wait3A_857, %dma_wait3A_858, %dma_wait3A_859] : memref<50x64x16384xf32, #tpu.memory_space<hbm>> -> memref<1x64x512xf32, #tpu.memory_space<hbm>>
        %dma_wait3A_861 = tpu.memref_squeeze %dma_wait3A_860 : memref<1x64x512xf32, #tpu.memory_space<hbm>> -> memref<64x512xf32, #tpu.memory_space<hbm>>
        %dma_wait3A_862 = arith.constant 0 : i32
        %dma_wait3A_863 = arith.constant 0 : i32
        %dma_wait3A_864 = tpu.memref_slice %arg5[%dma_wait3A_857, %dma_wait3A_862, %dma_wait3A_863] : memref<50x64x16384xf32, #tpu.memory_space<hbm>> -> memref<1x64x512xf32, #tpu.memory_space<hbm>>
        %dma_wait3A_865 = tpu.memref_squeeze %dma_wait3A_864 : memref<1x64x512xf32, #tpu.memory_space<hbm>> -> memref<64x512xf32, #tpu.memory_space<hbm>>
        tpu.wait_dma2 semaphore(%arg19 : memref<!tpu.dma_semaphore, #tpu.memory_space<semaphore_mem>>) src(%arg14 : memref<64x512xf32, #tpu.memory_space<vmem>>) dst(%dma_wait3A_865 : memref<64x512xf32, #tpu.memory_space<hbm>>)
      } else {
      }
      %dma_wait3A_729 = arith.constant 0 : i32
      %dma_wait3A_730 = tpu.memref_slice %arg4[%dma_wait3A_729] : memref<819200xi32, #tpu.memory_space<hbm>> -> memref<512xi32, #tpu.memory_space<hbm>>
      %dma_wait3A_731 = arith.constant 0 : i32
      %dma_wait3A_732 = tpu.memref_slice %arg4[%dma_wait3A_731] : memref<819200xi32, #tpu.memory_space<hbm>> -> memref<512xi32, #tpu.memory_space<hbm>>
      tpu.wait_dma2 semaphore(%arg17 : memref<!tpu.dma_semaphore, #tpu.memory_space<semaphore_mem>>) src(%dma_wait3A_732 : memref<512xi32, #tpu.memory_space<hbm>>) dst(%arg12 : memref<512xi32, #tpu.memory_space<vmem>>)
      %parallel_loop3A = arith.constant 0 : i32
      %parallel_loop3A_733 = arith.constant 8 : i32
      %parallel_loop3A_734 = arith.constant 1 : i32
      scf.for %parallel_loop3A_857 = %parallel_loop3A to %parallel_loop3A_733 step %parallel_loop3A_734  : i32 {
        %parallel_loop3A_858 = arith.constant 8 : i32
        %parallel_loop3A_859 = arith.muli %parallel_loop3A_857, %parallel_loop3A_858 : i32
        %parallel_loop3A_860 = arith.constant 0 : i32
        %parallel_loop3A_861 = arith.addi %parallel_loop3A_860, %parallel_loop3A_859 : i32
        %parallel_loop3A_862 = arith.constant 0 : i32
        %parallel_loop3A_863 = arith.addi %parallel_loop3A_861, %parallel_loop3A_862 : i32
        %parallel_loop3A_864 = arith.constant 16 : i32
        %parallel_loop3A_865 = arith.muli %parallel_loop3A_863, %parallel_loop3A_864 : i32
        %parallel_loop3A_866 = arith.index_cast %parallel_loop3A_865 : i32 to index
        %parallel_loop3A_867 = tpu.vector_load %arg11[%parallel_loop3A_866] {strides = array<i32>} : memref<5120xf32, #tpu.memory_space<vmem>>, vector<16xf32>,
        %parallel_loop3A_868 = vector.shape_cast %parallel_loop3A_867 : vector<16xf32> to vector<16xf32>
        %parallel_loop3A_869 = arith.constant 64 : i32
        %parallel_loop3A_870 = arith.addi %parallel_loop3A_869, %parallel_loop3A_859 : i32
        %parallel_loop3A_871 = arith.constant 0 : i32
        %parallel_loop3A_872 = arith.addi %parallel_loop3A_870, %parallel_loop3A_871 : i32
        %parallel_loop3A_873 = arith.constant 16 : i32
        %parallel_loop3A_874 = arith.muli %parallel_loop3A_872, %parallel_loop3A_873 : i32
        %parallel_loop3A_875 = arith.index_cast %parallel_loop3A_874 : i32 to index
        %parallel_loop3A_876 = tpu.vector_load %arg11[%parallel_loop3A_875] {strides = array<i32>} : memref<5120xf32, #tpu.memory_space<vmem>>, vector<16xf32>,
        %parallel_loop3A_877 = vector.shape_cast %parallel_loop3A_876 : vector<16xf32> to vector<16xf32>
        %parallel_loop3A_878 = arith.constant 128 : i32
        %parallel_loop3A_879 = arith.addi %parallel_loop3A_878, %parallel_loop3A_859 : i32
        %parallel_loop3A_880 = arith.constant 0 : i32
        %parallel_loop3A_881 = arith.addi %parallel_loop3A_879, %parallel_loop3A_880 : i32
        %parallel_loop3A_882 = arith.constant 16 : i32
        %parallel_loop3A_883 = arith.muli %parallel_loop3A_881, %parallel_loop3A_882 : i32
        %parallel_loop3A_884 = arith.index_cast %parallel_loop3A_883 : i32 to index
        %parallel_loop3A_885 = tpu.vector_load %arg11[%parallel_loop3A_884] {strides = array<i32>} : memref<5120xf32, #tpu.memory_space<vmem>>, vector<16xf32>,
        %parallel_loop3A_886 = vector.shape_cast %parallel_loop3A_885 : vector<16xf32> to vector<16xf32>
        %parallel_loop3A_887 = arith.constant 192 : i32
        %parallel_loop3A_888 = arith.addi %parallel_loop3A_887, %parallel_loop3A_859 : i32
        %parallel_loop3A_889 = arith.constant 0 : i32
        %parallel_loop3A_890 = arith.addi %parallel_loop3A_888, %parallel_loop3A_889 : i32
        %parallel_loop3A_891 = arith.constant 16 : i32
        %parallel_loop3A_892 = arith.muli %parallel_loop3A_890, %parallel_loop3A_891 : i32
        %parallel_loop3A_893 = arith.index_cast %parallel_loop3A_892 : i32 to index
        %parallel_loop3A_894 = tpu.vector_load %arg11[%parallel_loop3A_893] {strides = array<i32>} : memref<5120xf32, #tpu.memory_space<vmem>>, vector<16xf32>,
        %parallel_loop3A_895 = vector.shape_cast %parallel_loop3A_894 : vector<16xf32> to vector<16xf32>
        %parallel_loop3A_896 = arith.constant 256 : i32
        %parallel_loop3A_897 = arith.addi %parallel_loop3A_896, %parallel_loop3A_859 : i32
        %parallel_loop3A_898 = arith.constant 0 : i32
        %parallel_loop3A_899 = arith.addi %parallel_loop3A_897, %parallel_loop3A_898 : i32
        %parallel_loop3A_900 = arith.constant 16 : i32
        %parallel_loop3A_901 = arith.muli %parallel_loop3A_899, %parallel_loop3A_900 : i32
        %parallel_loop3A_902 = arith.index_cast %parallel_loop3A_901 : i32 to index
        %parallel_loop3A_903 = tpu.vector_load %arg11[%parallel_loop3A_902] {strides = array<i32>} : memref<5120xf32, #tpu.memory_space<vmem>>, vector<16xf32>,
        %parallel_loop3A_904 = vector.shape_cast %parallel_loop3A_903 : vector<16xf32> to vector<16xf32>
        %parallel_loop3A_905 = arith.constant 0 : i32
        %parallel_loop3A_906 = arith.addi %parallel_loop3A_905, %parallel_loop3A_859 : i32
        %parallel_loop3A_907 = arith.constant 1 : i32
        %parallel_loop3A_908 = arith.addi %parallel_loop3A_906, %parallel_loop3A_907 : i32
        %parallel_loop3A_909 = arith.constant 16 : i32
        %parallel_loop3A_910 = arith.muli %parallel_loop3A_908, %parallel_loop3A_909 : i32
        %parallel_loop3A_911 = arith.index_cast %parallel_loop3A_910 : i32 to index
        %parallel_loop3A_912 = tpu.vector_load %arg11[%parallel_loop3A_911] {strides = array<i32>} : memref<5120xf32, #tpu.memory_space<vmem>>, vector<16xf32>,
        %parallel_loop3A_913 = vector.shape_cast %parallel_loop3A_912 : vector<16xf32> to vector<16xf32>
        %parallel_loop3A_914 = arith.constant 64 : i32
        %parallel_loop3A_915 = arith.addi %parallel_loop3A_914, %parallel_loop3A_859 : i32
        %parallel_loop3A_916 = arith.constant 1 : i32
        %parallel_loop3A_917 = arith.addi %parallel_loop3A_915, %parallel_loop3A_916 : i32
        %parallel_loop3A_918 = arith.constant 16 : i32
        %parallel_loop3A_919 = arith.muli %parallel_loop3A_917, %parallel_loop3A_918 : i32
        %parallel_loop3A_920 = arith.index_cast %parallel_loop3A_919 : i32 to index
        %parallel_loop3A_921 = tpu.vector_load %arg11[%parallel_loop3A_920] {strides = array<i32>} : memref<5120xf32, #tpu.memory_space<vmem>>, vector<16xf32>,
        %parallel_loop3A_922 = vector.shape_cast %parallel_loop3A_921 : vector<16xf32> to vector<16xf32>
        %parallel_loop3A_923 = arith.constant 128 : i32
        %parallel_loop3A_924 = arith.addi %parallel_loop3A_923, %parallel_loop3A_859 : i32
        %parallel_loop3A_925 = arith.constant 1 : i32
        %parallel_loop3A_926 = arith.addi %parallel_loop3A_924, %parallel_loop3A_925 : i32
        %parallel_loop3A_927 = arith.constant 16 : i32
        %parallel_loop3A_928 = arith.muli %parallel_loop3A_926, %parallel_loop3A_927 : i32
        %parallel_loop3A_929 = arith.index_cast %parallel_loop3A_928 : i32 to index
        %parallel_loop3A_930 = tpu.vector_load %arg11[%parallel_loop3A_929] {strides = array<i32>} : memref<5120xf32, #tpu.memory_space<vmem>>, vector<16xf32>,
        %parallel_loop3A_931 = vector.shape_cast %parallel_loop3A_930 : vector<16xf32> to vector<16xf32>
        %parallel_loop3A_932 = arith.constant 192 : i32
        %parallel_loop3A_933 = arith.addi %parallel_loop3A_932, %parallel_loop3A_859 : i32
        %parallel_loop3A_934 = arith.constant 1 : i32
        %parallel_loop3A_935 = arith.addi %parallel_loop3A_933, %parallel_loop3A_934 : i32
        %parallel_loop3A_936 = arith.constant 16 : i32
        %parallel_loop3A_937 = arith.muli %parallel_loop3A_935, %parallel_loop3A_936 : i32
        %parallel_loop3A_938 = arith.index_cast %parallel_loop3A_937 : i32 to index
        %parallel_loop3A_939 = tpu.vector_load %arg11[%parallel_loop3A_938] {strides = array<i32>} : memref<5120xf32, #tpu.memory_space<vmem>>, vector<16xf32>,
        %parallel_loop3A_940 = vector.shape_cast %parallel_loop3A_939 : vector<16xf32> to vector<16xf32>
        %parallel_loop3A_941 = arith.constant 256 : i32
        %parallel_loop3A_942 = arith.addi %parallel_loop3A_941, %parallel_loop3A_859 : i32
        %parallel_loop3A_943 = arith.constant 1 : i32
        %parallel_loop3A_944 = arith.addi %parallel_loop3A_942, %parallel_loop3A_943 : i32
        %parallel_loop3A_945 = arith.constant 16 : i32
        %parallel_loop3A_946 = arith.muli %parallel_loop3A_944, %parallel_loop3A_945 : i32
        %parallel_loop3A_947 = arith.index_cast %parallel_loop3A_946 : i32 to index
        %parallel_loop3A_948 = tpu.vector_load %arg11[%parallel_loop3A_947] {strides = array<i32>} : memref<5120xf32, #tpu.memory_space<vmem>>, vector<16xf32>,
        %parallel_loop3A_949 = vector.shape_cast %parallel_loop3A_948 : vector<16xf32> to vector<16xf32>
        %parallel_loop3A_950 = arith.constant 0 : i32
        %parallel_loop3A_951 = arith.addi %parallel_loop3A_950, %parallel_loop3A_859 : i32
        %parallel_loop3A_952 = arith.constant 2 : i32
        %parallel_loop3A_953 = arith.addi %parallel_loop3A_951, %parallel_loop3A_952 : i32
        %parallel_loop3A_954 = arith.constant 16 : i32
        %parallel_loop3A_955 = arith.muli %parallel_loop3A_953, %parallel_loop3A_954 : i32
        %parallel_loop3A_956 = arith.index_cast %parallel_loop3A_955 : i32 to index
        %parallel_loop3A_957 = tpu.vector_load %arg11[%parallel_loop3A_956] {strides = array<i32>} : memref<5120xf32, #tpu.memory_space<vmem>>, vector<16xf32>,
        %parallel_loop3A_958 = vector.shape_cast %parallel_loop3A_957 : vector<16xf32> to vector<16xf32>
        %parallel_loop3A_959 = arith.constant 64 : i32
        %parallel_loop3A_960 = arith.addi %parallel_loop3A_959, %parallel_loop3A_859 : i32
        %parallel_loop3A_961 = arith.constant 2 : i32
        %parallel_loop3A_962 = arith.addi %parallel_loop3A_960, %parallel_loop3A_961 : i32
        %parallel_loop3A_963 = arith.constant 16 : i32
        %parallel_loop3A_964 = arith.muli %parallel_loop3A_962, %parallel_loop3A_963 : i32
        %parallel_loop3A_965 = arith.index_cast %parallel_loop3A_964 : i32 to index
        %parallel_loop3A_966 = tpu.vector_load %arg11[%parallel_loop3A_965] {strides = array<i32>} : memref<5120xf32, #tpu.memory_space<vmem>>, vector<16xf32>,
        %parallel_loop3A_967 = vector.shape_cast %parallel_loop3A_966 : vector<16xf32> to vector<16xf32>
        %parallel_loop3A_968 = arith.constant 128 : i32
        %parallel_loop3A_969 = arith.addi %parallel_loop3A_968, %parallel_loop3A_859 : i32
        %parallel_loop3A_970 = arith.constant 2 : i32
        %parallel_loop3A_971 = arith.addi %parallel_loop3A_969, %parallel_loop3A_970 : i32
        %parallel_loop3A_972 = arith.constant 16 : i32
        %parallel_loop3A_973 = arith.muli %parallel_loop3A_971, %parallel_loop3A_972 : i32
        %parallel_loop3A_974 = arith.index_cast %parallel_loop3A_973 : i32 to index
        %parallel_loop3A_975 = tpu.vector_load %arg11[%parallel_loop3A_974] {strides = array<i32>} : memref<5120xf32, #tpu.memory_space<vmem>>, vector<16xf32>,
        %parallel_loop3A_976 = vector.shape_cast %parallel_loop3A_975 : vector<16xf32> to vector<16xf32>
        %parallel_loop3A_977 = arith.constant 192 : i32
        %parallel_loop3A_978 = arith.addi %parallel_loop3A_977, %parallel_loop3A_859 : i32
        %parallel_loop3A_979 = arith.constant 2 : i32
        %parallel_loop3A_980 = arith.addi %parallel_loop3A_978, %parallel_loop3A_979 : i32
        %parallel_loop3A_981 = arith.constant 16 : i32
        %parallel_loop3A_982 = arith.muli %parallel_loop3A_980, %parallel_loop3A_981 : i32
        %parallel_loop3A_983 = arith.index_cast %parallel_loop3A_982 : i32 to index
        %parallel_loop3A_984 = tpu.vector_load %arg11[%parallel_loop3A_983] {strides = array<i32>} : memref<5120xf32, #tpu.memory_space<vmem>>, vector<16xf32>,
        %parallel_loop3A_985 = vector.shape_cast %parallel_loop3A_984 : vector<16xf32> to vector<16xf32>
        %parallel_loop3A_986 = arith.constant 256 : i32
        %parallel_loop3A_987 = arith.addi %parallel_loop3A_986, %parallel_loop3A_859 : i32
        %parallel_loop3A_988 = arith.constant 2 : i32
        %parallel_loop3A_989 = arith.addi %parallel_loop3A_987, %parallel_loop3A_988 : i32
        %parallel_loop3A_990 = arith.constant 16 : i32
        %parallel_loop3A_991 = arith.muli %parallel_loop3A_989, %parallel_loop3A_990 : i32
        %parallel_loop3A_992 = arith.index_cast %parallel_loop3A_991 : i32 to index
        %parallel_loop3A_993 = tpu.vector_load %arg11[%parallel_loop3A_992] {strides = array<i32>} : memref<5120xf32, #tpu.memory_space<vmem>>, vector<16xf32>,
        %parallel_loop3A_994 = vector.shape_cast %parallel_loop3A_993 : vector<16xf32> to vector<16xf32>
        %parallel_loop3A_995 = arith.constant 0 : i32
        %parallel_loop3A_996 = arith.addi %parallel_loop3A_995, %parallel_loop3A_859 : i32
        %parallel_loop3A_997 = arith.constant 3 : i32
        %parallel_loop3A_998 = arith.addi %parallel_loop3A_996, %parallel_loop3A_997 : i32
        %parallel_loop3A_999 = arith.constant 16 : i32
        %parallel_loop3A_1000 = arith.muli %parallel_loop3A_998, %parallel_loop3A_999 : i32
        %parallel_loop3A_1001 = arith.index_cast %parallel_loop3A_1000 : i32 to index
        %parallel_loop3A_1002 = tpu.vector_load %arg11[%parallel_loop3A_1001] {strides = array<i32>} : memref<5120xf32, #tpu.memory_space<vmem>>, vector<16xf32>,
        %parallel_loop3A_1003 = vector.shape_cast %parallel_loop3A_1002 : vector<16xf32> to vector<16xf32>
        %parallel_loop3A_1004 = arith.constant 64 : i32
        %parallel_loop3A_1005 = arith.addi %parallel_loop3A_1004, %parallel_loop3A_859 : i32
        %parallel_loop3A_1006 = arith.constant 3 : i32
        %parallel_loop3A_1007 = arith.addi %parallel_loop3A_1005, %parallel_loop3A_1006 : i32
        %parallel_loop3A_1008 = arith.constant 16 : i32
        %parallel_loop3A_1009 = arith.muli %parallel_loop3A_1007, %parallel_loop3A_1008 : i32
        %parallel_loop3A_1010 = arith.index_cast %parallel_loop3A_1009 : i32 to index
        %parallel_loop3A_1011 = tpu.vector_load %arg11[%parallel_loop3A_1010] {strides = array<i32>} : memref<5120xf32, #tpu.memory_space<vmem>>, vector<16xf32>,
        %parallel_loop3A_1012 = vector.shape_cast %parallel_loop3A_1011 : vector<16xf32> to vector<16xf32>
        %parallel_loop3A_1013 = arith.constant 128 : i32
        %parallel_loop3A_1014 = arith.addi %parallel_loop3A_1013, %parallel_loop3A_859 : i32
        %parallel_loop3A_1015 = arith.constant 3 : i32
        %parallel_loop3A_1016 = arith.addi %parallel_loop3A_1014, %parallel_loop3A_1015 : i32
        %parallel_loop3A_1017 = arith.constant 16 : i32
        %parallel_loop3A_1018 = arith.muli %parallel_loop3A_1016, %parallel_loop3A_1017 : i32
        %parallel_loop3A_1019 = arith.index_cast %parallel_loop3A_1018 : i32 to index
        %parallel_loop3A_1020 = tpu.vector_load %arg11[%parallel_loop3A_1019] {strides = array<i32>} : memref<5120xf32, #tpu.memory_space<vmem>>, vector<16xf32>,
        %parallel_loop3A_1021 = vector.shape_cast %parallel_loop3A_1020 : vector<16xf32> to vector<16xf32>
        %parallel_loop3A_1022 = arith.constant 192 : i32
        %parallel_loop3A_1023 = arith.addi %parallel_loop3A_1022, %parallel_loop3A_859 : i32
        %parallel_loop3A_1024 = arith.constant 3 : i32
        %parallel_loop3A_1025 = arith.addi %parallel_loop3A_1023, %parallel_loop3A_1024 : i32
        %parallel_loop3A_1026 = arith.constant 16 : i32
        %parallel_loop3A_1027 = arith.muli %parallel_loop3A_1025, %parallel_loop3A_1026 : i32
        %parallel_loop3A_1028 = arith.index_cast %parallel_loop3A_1027 : i32 to index
        %parallel_loop3A_1029 = tpu.vector_load %arg11[%parallel_loop3A_1028] {strides = array<i32>} : memref<5120xf32, #tpu.memory_space<vmem>>, vector<16xf32>,
        %parallel_loop3A_1030 = vector.shape_cast %parallel_loop3A_1029 : vector<16xf32> to vector<16xf32>
        %parallel_loop3A_1031 = arith.constant 256 : i32
        %parallel_loop3A_1032 = arith.addi %parallel_loop3A_1031, %parallel_loop3A_859 : i32
        %parallel_loop3A_1033 = arith.constant 3 : i32
        %parallel_loop3A_1034 = arith.addi %parallel_loop3A_1032, %parallel_loop3A_1033 : i32
        %parallel_loop3A_1035 = arith.constant 16 : i32
        %parallel_loop3A_1036 = arith.muli %parallel_loop3A_1034, %parallel_loop3A_1035 : i32
        %parallel_loop3A_1037 = arith.index_cast %parallel_loop3A_1036 : i32 to index
        %parallel_loop3A_1038 = tpu.vector_load %arg11[%parallel_loop3A_1037] {strides = array<i32>} : memref<5120xf32, #tpu.memory_space<vmem>>, vector<16xf32>,
        %parallel_loop3A_1039 = vector.shape_cast %parallel_loop3A_1038 : vector<16xf32> to vector<16xf32>
        %parallel_loop3A_1040 = arith.constant 0 : i32
        %parallel_loop3A_1041 = arith.addi %parallel_loop3A_1040, %parallel_loop3A_859 : i32
        %parallel_loop3A_1042 = arith.constant 4 : i32
        %parallel_loop3A_1043 = arith.addi %parallel_loop3A_1041, %parallel_loop3A_1042 : i32
        %parallel_loop3A_1044 = arith.constant 16 : i32
        %parallel_loop3A_1045 = arith.muli %parallel_loop3A_1043, %parallel_loop3A_1044 : i32
        %parallel_loop3A_1046 = arith.index_cast %parallel_loop3A_1045 : i32 to index
        %parallel_loop3A_1047 = tpu.vector_load %arg11[%parallel_loop3A_1046] {strides = array<i32>} : memref<5120xf32, #tpu.memory_space<vmem>>, vector<16xf32>,
        %parallel_loop3A_1048 = vector.shape_cast %parallel_loop3A_1047 : vector<16xf32> to vector<16xf32>
        %parallel_loop3A_1049 = arith.constant 64 : i32
        %parallel_loop3A_1050 = arith.addi %parallel_loop3A_1049, %parallel_loop3A_859 : i32
        %parallel_loop3A_1051 = arith.constant 4 : i32
        %parallel_loop3A_1052 = arith.addi %parallel_loop3A_1050, %parallel_loop3A_1051 : i32
        %parallel_loop3A_1053 = arith.constant 16 : i32
        %parallel_loop3A_1054 = arith.muli %parallel_loop3A_1052, %parallel_loop3A_1053 : i32
        %parallel_loop3A_1055 = arith.index_cast %parallel_loop3A_1054 : i32 to index
        %parallel_loop3A_1056 = tpu.vector_load %arg11[%parallel_loop3A_1055] {strides = array<i32>} : memref<5120xf32, #tpu.memory_space<vmem>>, vector<16xf32>,
        %parallel_loop3A_1057 = vector.shape_cast %parallel_loop3A_1056 : vector<16xf32> to vector<16xf32>
        %parallel_loop3A_1058 = arith.constant 128 : i32
        %parallel_loop3A_1059 = arith.addi %parallel_loop3A_1058, %parallel_loop3A_859 : i32
        %parallel_loop3A_1060 = arith.constant 4 : i32
        %parallel_loop3A_1061 = arith.addi %parallel_loop3A_1059, %parallel_loop3A_1060 : i32
        %parallel_loop3A_1062 = arith.constant 16 : i32
        %parallel_loop3A_1063 = arith.muli %parallel_loop3A_1061, %parallel_loop3A_1062 : i32
        %parallel_loop3A_1064 = arith.index_cast %parallel_loop3A_1063 : i32 to index
        %parallel_loop3A_1065 = tpu.vector_load %arg11[%parallel_loop3A_1064] {strides = array<i32>} : memref<5120xf32, #tpu.memory_space<vmem>>, vector<16xf32>,
        %parallel_loop3A_1066 = vector.shape_cast %parallel_loop3A_1065 : vector<16xf32> to vector<16xf32>
        %parallel_loop3A_1067 = arith.constant 192 : i32
        %parallel_loop3A_1068 = arith.addi %parallel_loop3A_1067, %parallel_loop3A_859 : i32
        %parallel_loop3A_1069 = arith.constant 4 : i32
        %parallel_loop3A_1070 = arith.addi %parallel_loop3A_1068, %parallel_loop3A_1069 : i32
        %parallel_loop3A_1071 = arith.constant 16 : i32
        %parallel_loop3A_1072 = arith.muli %parallel_loop3A_1070, %parallel_loop3A_1071 : i32
        %parallel_loop3A_1073 = arith.index_cast %parallel_loop3A_1072 : i32 to index
        %parallel_loop3A_1074 = tpu.vector_load %arg11[%parallel_loop3A_1073] {strides = array<i32>} : memref<5120xf32, #tpu.memory_space<vmem>>, vector<16xf32>,
        %parallel_loop3A_1075 = vector.shape_cast %parallel_loop3A_1074 : vector<16xf32> to vector<16xf32>
        %parallel_loop3A_1076 = arith.constant 256 : i32
        %parallel_loop3A_1077 = arith.addi %parallel_loop3A_1076, %parallel_loop3A_859 : i32
        %parallel_loop3A_1078 = arith.constant 4 : i32
        %parallel_loop3A_1079 = arith.addi %parallel_loop3A_1077, %parallel_loop3A_1078 : i32
        %parallel_loop3A_1080 = arith.constant 16 : i32
        %parallel_loop3A_1081 = arith.muli %parallel_loop3A_1079, %parallel_loop3A_1080 : i32
        %parallel_loop3A_1082 = arith.index_cast %parallel_loop3A_1081 : i32 to index
        %parallel_loop3A_1083 = tpu.vector_load %arg11[%parallel_loop3A_1082] {strides = array<i32>} : memref<5120xf32, #tpu.memory_space<vmem>>, vector<16xf32>,
        %parallel_loop3A_1084 = vector.shape_cast %parallel_loop3A_1083 : vector<16xf32> to vector<16xf32>
        %parallel_loop3A_1085 = arith.constant 0 : i32
        %parallel_loop3A_1086 = arith.addi %parallel_loop3A_1085, %parallel_loop3A_859 : i32
        %parallel_loop3A_1087 = arith.constant 5 : i32
        %parallel_loop3A_1088 = arith.addi %parallel_loop3A_1086, %parallel_loop3A_1087 : i32
        %parallel_loop3A_1089 = arith.constant 16 : i32
        %parallel_loop3A_1090 = arith.muli %parallel_loop3A_1088, %parallel_loop3A_1089 : i32
        %parallel_loop3A_1091 = arith.index_cast %parallel_loop3A_1090 : i32 to index
        %parallel_loop3A_1092 = tpu.vector_load %arg11[%parallel_loop3A_1091] {strides = array<i32>} : memref<5120xf32, #tpu.memory_space<vmem>>, vector<16xf32>,
        %parallel_loop3A_1093 = vector.shape_cast %parallel_loop3A_1092 : vector<16xf32> to vector<16xf32>
        %parallel_loop3A_1094 = arith.constant 64 : i32
        %parallel_loop3A_1095 = arith.addi %parallel_loop3A_1094, %parallel_loop3A_859 : i32
        %parallel_loop3A_1096 = arith.constant 5 : i32
        %parallel_loop3A_1097 = arith.addi %parallel_loop3A_1095, %parallel_loop3A_1096 : i32
        %parallel_loop3A_1098 = arith.constant 16 : i32
        %parallel_loop3A_1099 = arith.muli %parallel_loop3A_1097, %parallel_loop3A_1098 : i32
        %parallel_loop3A_1100 = arith.index_cast %parallel_loop3A_1099 : i32 to index
        %parallel_loop3A_1101 = tpu.vector_load %arg11[%parallel_loop3A_1100] {strides = array<i32>} : memref<5120xf32, #tpu.memory_space<vmem>>, vector<16xf32>,
        %parallel_loop3A_1102 = vector.shape_cast %parallel_loop3A_1101 : vector<16xf32> to vector<16xf32>
        %parallel_loop3A_1103 = arith.constant 128 : i32
        %parallel_loop3A_1104 = arith.addi %parallel_loop3A_1103, %parallel_loop3A_859 : i32
        %parallel_loop3A_1105 = arith.constant 5 : i32
        %parallel_loop3A_1106 = arith.addi %parallel_loop3A_1104, %parallel_loop3A_1105 : i32
        %parallel_loop3A_1107 = arith.constant 16 : i32
        %parallel_loop3A_1108 = arith.muli %parallel_loop3A_1106, %parallel_loop3A_1107 : i32
        %parallel_loop3A_1109 = arith.index_cast %parallel_loop3A_1108 : i32 to index
        %parallel_loop3A_1110 = tpu.vector_load %arg11[%parallel_loop3A_1109] {strides = array<i32>} : memref<5120xf32, #tpu.memory_space<vmem>>, vector<16xf32>,
        %parallel_loop3A_1111 = vector.shape_cast %parallel_loop3A_1110 : vector<16xf32> to vector<16xf32>
        %parallel_loop3A_1112 = arith.constant 192 : i32
        %parallel_loop3A_1113 = arith.addi %parallel_loop3A_1112, %parallel_loop3A_859 : i32
        %parallel_loop3A_1114 = arith.constant 5 : i32
        %parallel_loop3A_1115 = arith.addi %parallel_loop3A_1113, %parallel_loop3A_1114 : i32
        %parallel_loop3A_1116 = arith.constant 16 : i32
        %parallel_loop3A_1117 = arith.muli %parallel_loop3A_1115, %parallel_loop3A_1116 : i32
        %parallel_loop3A_1118 = arith.index_cast %parallel_loop3A_1117 : i32 to index
        %parallel_loop3A_1119 = tpu.vector_load %arg11[%parallel_loop3A_1118] {strides = array<i32>} : memref<5120xf32, #tpu.memory_space<vmem>>, vector<16xf32>,
        %parallel_loop3A_1120 = vector.shape_cast %parallel_loop3A_1119 : vector<16xf32> to vector<16xf32>
        %parallel_loop3A_1121 = arith.constant 256 : i32
        %parallel_loop3A_1122 = arith.addi %parallel_loop3A_1121, %parallel_loop3A_859 : i32
        %parallel_loop3A_1123 = arith.constant 5 : i32
        %parallel_loop3A_1124 = arith.addi %parallel_loop3A_1122, %parallel_loop3A_1123 : i32
        %parallel_loop3A_1125 = arith.constant 16 : i32
        %parallel_loop3A_1126 = arith.muli %parallel_loop3A_1124, %parallel_loop3A_1125 : i32
        %parallel_loop3A_1127 = arith.index_cast %parallel_loop3A_1126 : i32 to index
        %parallel_loop3A_1128 = tpu.vector_load %arg11[%parallel_loop3A_1127] {strides = array<i32>} : memref<5120xf32, #tpu.memory_space<vmem>>, vector<16xf32>,
        %parallel_loop3A_1129 = vector.shape_cast %parallel_loop3A_1128 : vector<16xf32> to vector<16xf32>
        %parallel_loop3A_1130 = arith.constant 0 : i32
        %parallel_loop3A_1131 = arith.addi %parallel_loop3A_1130, %parallel_loop3A_859 : i32
        %parallel_loop3A_1132 = arith.constant 6 : i32
        %parallel_loop3A_1133 = arith.addi %parallel_loop3A_1131, %parallel_loop3A_1132 : i32
        %parallel_loop3A_1134 = arith.constant 16 : i32
        %parallel_loop3A_1135 = arith.muli %parallel_loop3A_1133, %parallel_loop3A_1134 : i32
        %parallel_loop3A_1136 = arith.index_cast %parallel_loop3A_1135 : i32 to index
        %parallel_loop3A_1137 = tpu.vector_load %arg11[%parallel_loop3A_1136] {strides = array<i32>} : memref<5120xf32, #tpu.memory_space<vmem>>, vector<16xf32>,
        %parallel_loop3A_1138 = vector.shape_cast %parallel_loop3A_1137 : vector<16xf32> to vector<16xf32>
        %parallel_loop3A_1139 = arith.constant 64 : i32
        %parallel_loop3A_1140 = arith.addi %parallel_loop3A_1139, %parallel_loop3A_859 : i32
        %parallel_loop3A_1141 = arith.constant 6 : i32
        %parallel_loop3A_1142 = arith.addi %parallel_loop3A_1140, %parallel_loop3A_1141 : i32
        %parallel_loop3A_1143 = arith.constant 16 : i32
        %parallel_loop3A_1144 = arith.muli %parallel_loop3A_1142, %parallel_loop3A_1143 : i32
        %parallel_loop3A_1145 = arith.index_cast %parallel_loop3A_1144 : i32 to index
        %parallel_loop3A_1146 = tpu.vector_load %arg11[%parallel_loop3A_1145] {strides = array<i32>} : memref<5120xf32, #tpu.memory_space<vmem>>, vector<16xf32>,
        %parallel_loop3A_1147 = vector.shape_cast %parallel_loop3A_1146 : vector<16xf32> to vector<16xf32>
        %parallel_loop3A_1148 = arith.constant 128 : i32
        %parallel_loop3A_1149 = arith.addi %parallel_loop3A_1148, %parallel_loop3A_859 : i32
        %parallel_loop3A_1150 = arith.constant 6 : i32
        %parallel_loop3A_1151 = arith.addi %parallel_loop3A_1149, %parallel_loop3A_1150 : i32
        %parallel_loop3A_1152 = arith.constant 16 : i32
        %parallel_loop3A_1153 = arith.muli %parallel_loop3A_1151, %parallel_loop3A_1152 : i32
        %parallel_loop3A_1154 = arith.index_cast %parallel_loop3A_1153 : i32 to index
        %parallel_loop3A_1155 = tpu.vector_load %arg11[%parallel_loop3A_1154] {strides = array<i32>} : memref<5120xf32, #tpu.memory_space<vmem>>, vector<16xf32>,
        %parallel_loop3A_1156 = vector.shape_cast %parallel_loop3A_1155 : vector<16xf32> to vector<16xf32>
        %parallel_loop3A_1157 = arith.constant 192 : i32
        %parallel_loop3A_1158 = arith.addi %parallel_loop3A_1157, %parallel_loop3A_859 : i32
        %parallel_loop3A_1159 = arith.constant 6 : i32
        %parallel_loop3A_1160 = arith.addi %parallel_loop3A_1158, %parallel_loop3A_1159 : i32
        %parallel_loop3A_1161 = arith.constant 16 : i32
        %parallel_loop3A_1162 = arith.muli %parallel_loop3A_1160, %parallel_loop3A_1161 : i32
        %parallel_loop3A_1163 = arith.index_cast %parallel_loop3A_1162 : i32 to index
        %parallel_loop3A_1164 = tpu.vector_load %arg11[%parallel_loop3A_1163] {strides = array<i32>} : memref<5120xf32, #tpu.memory_space<vmem>>, vector<16xf32>,
        %parallel_loop3A_1165 = vector.shape_cast %parallel_loop3A_1164 : vector<16xf32> to vector<16xf32>
        %parallel_loop3A_1166 = arith.constant 256 : i32
        %parallel_loop3A_1167 = arith.addi %parallel_loop3A_1166, %parallel_loop3A_859 : i32
        %parallel_loop3A_1168 = arith.constant 6 : i32
        %parallel_loop3A_1169 = arith.addi %parallel_loop3A_1167, %parallel_loop3A_1168 : i32
        %parallel_loop3A_1170 = arith.constant 16 : i32
        %parallel_loop3A_1171 = arith.muli %parallel_loop3A_1169, %parallel_loop3A_1170 : i32
        %parallel_loop3A_1172 = arith.index_cast %parallel_loop3A_1171 : i32 to index
        %parallel_loop3A_1173 = tpu.vector_load %arg11[%parallel_loop3A_1172] {strides = array<i32>} : memref<5120xf32, #tpu.memory_space<vmem>>, vector<16xf32>,
        %parallel_loop3A_1174 = vector.shape_cast %parallel_loop3A_1173 : vector<16xf32> to vector<16xf32>
        %parallel_loop3A_1175 = arith.constant 0 : i32
        %parallel_loop3A_1176 = arith.addi %parallel_loop3A_1175, %parallel_loop3A_859 : i32
        %parallel_loop3A_1177 = arith.constant 7 : i32
        %parallel_loop3A_1178 = arith.addi %parallel_loop3A_1176, %parallel_loop3A_1177 : i32
        %parallel_loop3A_1179 = arith.constant 16 : i32
        %parallel_loop3A_1180 = arith.muli %parallel_loop3A_1178, %parallel_loop3A_1179 : i32
        %parallel_loop3A_1181 = arith.index_cast %parallel_loop3A_1180 : i32 to index
        %parallel_loop3A_1182 = tpu.vector_load %arg11[%parallel_loop3A_1181] {strides = array<i32>} : memref<5120xf32, #tpu.memory_space<vmem>>, vector<16xf32>,
        %parallel_loop3A_1183 = vector.shape_cast %parallel_loop3A_1182 : vector<16xf32> to vector<16xf32>
        %parallel_loop3A_1184 = arith.constant 64 : i32
        %parallel_loop3A_1185 = arith.addi %parallel_loop3A_1184, %parallel_loop3A_859 : i32
        %parallel_loop3A_1186 = arith.constant 7 : i32
        %parallel_loop3A_1187 = arith.addi %parallel_loop3A_1185, %parallel_loop3A_1186 : i32
        %parallel_loop3A_1188 = arith.constant 16 : i32
        %parallel_loop3A_1189 = arith.muli %parallel_loop3A_1187, %parallel_loop3A_1188 : i32
        %parallel_loop3A_1190 = arith.index_cast %parallel_loop3A_1189 : i32 to index
        %parallel_loop3A_1191 = tpu.vector_load %arg11[%parallel_loop3A_1190] {strides = array<i32>} : memref<5120xf32, #tpu.memory_space<vmem>>, vector<16xf32>,
        %parallel_loop3A_1192 = vector.shape_cast %parallel_loop3A_1191 : vector<16xf32> to vector<16xf32>
        %parallel_loop3A_1193 = arith.constant 128 : i32
        %parallel_loop3A_1194 = arith.addi %parallel_loop3A_1193, %parallel_loop3A_859 : i32
        %parallel_loop3A_1195 = arith.constant 7 : i32
        %parallel_loop3A_1196 = arith.addi %parallel_loop3A_1194, %parallel_loop3A_1195 : i32
        %parallel_loop3A_1197 = arith.constant 16 : i32
        %parallel_loop3A_1198 = arith.muli %parallel_loop3A_1196, %parallel_loop3A_1197 : i32
        %parallel_loop3A_1199 = arith.index_cast %parallel_loop3A_1198 : i32 to index
        %parallel_loop3A_1200 = tpu.vector_load %arg11[%parallel_loop3A_1199] {strides = array<i32>} : memref<5120xf32, #tpu.memory_space<vmem>>, vector<16xf32>,
        %parallel_loop3A_1201 = vector.shape_cast %parallel_loop3A_1200 : vector<16xf32> to vector<16xf32>
        %parallel_loop3A_1202 = arith.constant 192 : i32
        %parallel_loop3A_1203 = arith.addi %parallel_loop3A_1202, %parallel_loop3A_859 : i32
        %parallel_loop3A_1204 = arith.constant 7 : i32
        %parallel_loop3A_1205 = arith.addi %parallel_loop3A_1203, %parallel_loop3A_1204 : i32
        %parallel_loop3A_1206 = arith.constant 16 : i32
        %parallel_loop3A_1207 = arith.muli %parallel_loop3A_1205, %parallel_loop3A_1206 : i32
        %parallel_loop3A_1208 = arith.index_cast %parallel_loop3A_1207 : i32 to index
        %parallel_loop3A_1209 = tpu.vector_load %arg11[%parallel_loop3A_1208] {strides = array<i32>} : memref<5120xf32, #tpu.memory_space<vmem>>, vector<16xf32>,
        %parallel_loop3A_1210 = vector.shape_cast %parallel_loop3A_1209 : vector<16xf32> to vector<16xf32>
        %parallel_loop3A_1211 = arith.constant 256 : i32
        %parallel_loop3A_1212 = arith.addi %parallel_loop3A_1211, %parallel_loop3A_859 : i32
        %parallel_loop3A_1213 = arith.constant 7 : i32
        %parallel_loop3A_1214 = arith.addi %parallel_loop3A_1212, %parallel_loop3A_1213 : i32
        %parallel_loop3A_1215 = arith.constant 16 : i32
        %parallel_loop3A_1216 = arith.muli %parallel_loop3A_1214, %parallel_loop3A_1215 : i32
        %parallel_loop3A_1217 = arith.index_cast %parallel_loop3A_1216 : i32 to index
        %parallel_loop3A_1218 = tpu.vector_load %arg11[%parallel_loop3A_1217] {strides = array<i32>} : memref<5120xf32, #tpu.memory_space<vmem>>, vector<16xf32>,
        %parallel_loop3A_1219 = vector.shape_cast %parallel_loop3A_1218 : vector<16xf32> to vector<16xf32>
        %parallel_loop3A_1220 = arith.constant 0 : i32
        %parallel_loop3A_1221 = arith.constant 32 : i32
        %parallel_loop3A_1222 = arith.constant 1 : i32
        scf.for %parallel_loop3A_1223 = %parallel_loop3A_1220 to %parallel_loop3A_1221 step %parallel_loop3A_1222  : i32 {
          %parallel_loop3A_1224 = arith.constant 16 : i32
          %parallel_loop3A_1225 = arith.muli %parallel_loop3A_1223, %parallel_loop3A_1224 : i32
          %parallel_loop3A_1226 = arith.index_cast %parallel_loop3A_1225 : i32 to index
          %parallel_loop3A_1227 = tpu.vector_load %arg12[%parallel_loop3A_1226] {strides = array<i32>} : memref<512xi32, #tpu.memory_space<vmem>>, vector<16xi32>,
          %parallel_loop3A_1228 = vector.shape_cast %parallel_loop3A_1227 : vector<16xi32> to vector<16xi32>
          %parallel_loop3A_1229 = arith.constant 1 : i32
          %parallel_loop3A_1230 = vector.broadcast %parallel_loop3A_1229 : i32 to vector<16xi32>
          %parallel_loop3A_1231 = arith.cmpi eq, %parallel_loop3A_1228, %parallel_loop3A_1230 : vector<16xi32>
          %parallel_loop3A_1232 = arith.constant 2 : i32
          %parallel_loop3A_1233 = vector.broadcast %parallel_loop3A_1232 : i32 to vector<16xi32>
          %parallel_loop3A_1234 = arith.cmpi eq, %parallel_loop3A_1228, %parallel_loop3A_1233 : vector<16xi32>
          %parallel_loop3A_1235 = arith.constant 3 : i32
          %parallel_loop3A_1236 = vector.broadcast %parallel_loop3A_1235 : i32 to vector<16xi32>
          %parallel_loop3A_1237 = arith.cmpi eq, %parallel_loop3A_1228, %parallel_loop3A_1236 : vector<16xi32>
          %parallel_loop3A_1238 = arith.constant 4 : i32
          %parallel_loop3A_1239 = vector.broadcast %parallel_loop3A_1238 : i32 to vector<16xi32>
          %parallel_loop3A_1240 = arith.cmpi eq, %parallel_loop3A_1228, %parallel_loop3A_1239 : vector<16xi32>
          %parallel_loop3A_1241 = arith.select %parallel_loop3A_1231, %parallel_loop3A_877, %parallel_loop3A_868 : vector<16xi1>, vector<16xf32>
          %parallel_loop3A_1242 = arith.select %parallel_loop3A_1234, %parallel_loop3A_886, %parallel_loop3A_1241 : vector<16xi1>, vector<16xf32>
          %parallel_loop3A_1243 = arith.select %parallel_loop3A_1237, %parallel_loop3A_895, %parallel_loop3A_1242 : vector<16xi1>, vector<16xf32>
          %parallel_loop3A_1244 = arith.select %parallel_loop3A_1240, %parallel_loop3A_904, %parallel_loop3A_1243 : vector<16xi1>, vector<16xf32>
          %parallel_loop3A_1245 = arith.constant 0 : i32
          %parallel_loop3A_1246 = arith.addi %parallel_loop3A_859, %parallel_loop3A_1245 : i32
          %parallel_loop3A_1247 = arith.constant 16 : i32
          %parallel_loop3A_1248 = arith.muli %parallel_loop3A_1223, %parallel_loop3A_1247 : i32
          %parallel_loop3A_1249 = arith.index_cast %parallel_loop3A_1246 : i32 to index
          %parallel_loop3A_1250 = arith.index_cast %parallel_loop3A_1248 : i32 to index
          %parallel_loop3A_1251 = tpu.vector_load %arg14[%parallel_loop3A_1249, %parallel_loop3A_1250] {strides = array<i32>} : memref<64x512xf32, #tpu.memory_space<vmem>>, vector<1x16xf32>,
          %parallel_loop3A_1252 = vector.shape_cast %parallel_loop3A_1251 : vector<1x16xf32> to vector<16xf32>
          %parallel_loop3A_1253 = vector.shape_cast %parallel_loop3A_1244 : vector<16xf32> to vector<1x16xf32>
          tpu.vector_store %arg14[%parallel_loop3A_1249, %parallel_loop3A_1250], %parallel_loop3A_1253 {strides = array<i32>} : memref<64x512xf32, #tpu.memory_space<vmem>>, vector<1x16xf32>,
          %parallel_loop3A_1254 = arith.select %parallel_loop3A_1231, %parallel_loop3A_922, %parallel_loop3A_913 : vector<16xi1>, vector<16xf32>
          %parallel_loop3A_1255 = arith.select %parallel_loop3A_1234, %parallel_loop3A_931, %parallel_loop3A_1254 : vector<16xi1>, vector<16xf32>
          %parallel_loop3A_1256 = arith.select %parallel_loop3A_1237, %parallel_loop3A_940, %parallel_loop3A_1255 : vector<16xi1>, vector<16xf32>
          %parallel_loop3A_1257 = arith.select %parallel_loop3A_1240, %parallel_loop3A_949, %parallel_loop3A_1256 : vector<16xi1>, vector<16xf32>
          %parallel_loop3A_1258 = arith.constant 1 : i32
          %parallel_loop3A_1259 = arith.addi %parallel_loop3A_859, %parallel_loop3A_1258 : i32
          %parallel_loop3A_1260 = arith.constant 16 : i32
          %parallel_loop3A_1261 = arith.muli %parallel_loop3A_1223, %parallel_loop3A_1260 : i32
          %parallel_loop3A_1262 = arith.index_cast %parallel_loop3A_1259 : i32 to index
          %parallel_loop3A_1263 = arith.index_cast %parallel_loop3A_1261 : i32 to index
          %parallel_loop3A_1264 = tpu.vector_load %arg14[%parallel_loop3A_1262, %parallel_loop3A_1263] {strides = array<i32>} : memref<64x512xf32, #tpu.memory_space<vmem>>, vector<1x16xf32>,
          %parallel_loop3A_1265 = vector.shape_cast %parallel_loop3A_1264 : vector<1x16xf32> to vector<16xf32>
          %parallel_loop3A_1266 = vector.shape_cast %parallel_loop3A_1257 : vector<16xf32> to vector<1x16xf32>
          tpu.vector_store %arg14[%parallel_loop3A_1262, %parallel_loop3A_1263], %parallel_loop3A_1266 {strides = array<i32>} : memref<64x512xf32, #tpu.memory_space<vmem>>, vector<1x16xf32>,
          %parallel_loop3A_1267 = arith.select %parallel_loop3A_1231, %parallel_loop3A_967, %parallel_loop3A_958 : vector<16xi1>, vector<16xf32>
          %parallel_loop3A_1268 = arith.select %parallel_loop3A_1234, %parallel_loop3A_976, %parallel_loop3A_1267 : vector<16xi1>, vector<16xf32>
          %parallel_loop3A_1269 = arith.select %parallel_loop3A_1237, %parallel_loop3A_985, %parallel_loop3A_1268 : vector<16xi1>, vector<16xf32>
          %parallel_loop3A_1270 = arith.select %parallel_loop3A_1240, %parallel_loop3A_994, %parallel_loop3A_1269 : vector<16xi1>, vector<16xf32>
          %parallel_loop3A_1271 = arith.constant 2 : i32
          %parallel_loop3A_1272 = arith.addi %parallel_loop3A_859, %parallel_loop3A_1271 : i32
          %parallel_loop3A_1273 = arith.constant 16 : i32
          %parallel_loop3A_1274 = arith.muli %parallel_loop3A_1223, %parallel_loop3A_1273 : i32
          %parallel_loop3A_1275 = arith.index_cast %parallel_loop3A_1272 : i32 to index
          %parallel_loop3A_1276 = arith.index_cast %parallel_loop3A_1274 : i32 to index
          %parallel_loop3A_1277 = tpu.vector_load %arg14[%parallel_loop3A_1275, %parallel_loop3A_1276] {strides = array<i32>} : memref<64x512xf32, #tpu.memory_space<vmem>>, vector<1x16xf32>,
          %parallel_loop3A_1278 = vector.shape_cast %parallel_loop3A_1277 : vector<1x16xf32> to vector<16xf32>
          %parallel_loop3A_1279 = vector.shape_cast %parallel_loop3A_1270 : vector<16xf32> to vector<1x16xf32>
          tpu.vector_store %arg14[%parallel_loop3A_1275, %parallel_loop3A_1276], %parallel_loop3A_1279 {strides = array<i32>} : memref<64x512xf32, #tpu.memory_space<vmem>>, vector<1x16xf32>,
          %parallel_loop3A_1280 = arith.select %parallel_loop3A_1231, %parallel_loop3A_1012, %parallel_loop3A_1003 : vector<16xi1>, vector<16xf32>
          %parallel_loop3A_1281 = arith.select %parallel_loop3A_1234, %parallel_loop3A_1021, %parallel_loop3A_1280 : vector<16xi1>, vector<16xf32>
          %parallel_loop3A_1282 = arith.select %parallel_loop3A_1237, %parallel_loop3A_1030, %parallel_loop3A_1281 : vector<16xi1>, vector<16xf32>
          %parallel_loop3A_1283 = arith.select %parallel_loop3A_1240, %parallel_loop3A_1039, %parallel_loop3A_1282 : vector<16xi1>, vector<16xf32>
          %parallel_loop3A_1284 = arith.constant 3 : i32
          %parallel_loop3A_1285 = arith.addi %parallel_loop3A_859, %parallel_loop3A_1284 : i32
          %parallel_loop3A_1286 = arith.constant 16 : i32
          %parallel_loop3A_1287 = arith.muli %parallel_loop3A_1223, %parallel_loop3A_1286 : i32
          %parallel_loop3A_1288 = arith.index_cast %parallel_loop3A_1285 : i32 to index
          %parallel_loop3A_1289 = arith.index_cast %parallel_loop3A_1287 : i32 to index
          %parallel_loop3A_1290 = tpu.vector_load %arg14[%parallel_loop3A_1288, %parallel_loop3A_1289] {strides = array<i32>} : memref<64x512xf32, #tpu.memory_space<vmem>>, vector<1x16xf32>,
          %parallel_loop3A_1291 = vector.shape_cast %parallel_loop3A_1290 : vector<1x16xf32> to vector<16xf32>
          %parallel_loop3A_1292 = vector.shape_cast %parallel_loop3A_1283 : vector<16xf32> to vector<1x16xf32>
          tpu.vector_store %arg14[%parallel_loop3A_1288, %parallel_loop3A_1289], %parallel_loop3A_1292 {strides = array<i32>} : memref<64x512xf32, #tpu.memory_space<vmem>>, vector<1x16xf32>,
          %parallel_loop3A_1293 = arith.select %parallel_loop3A_1231, %parallel_loop3A_1057, %parallel_loop3A_1048 : vector<16xi1>, vector<16xf32>
          %parallel_loop3A_1294 = arith.select %parallel_loop3A_1234, %parallel_loop3A_1066, %parallel_loop3A_1293 : vector<16xi1>, vector<16xf32>
          %parallel_loop3A_1295 = arith.select %parallel_loop3A_1237, %parallel_loop3A_1075, %parallel_loop3A_1294 : vector<16xi1>, vector<16xf32>
          %parallel_loop3A_1296 = arith.select %parallel_loop3A_1240, %parallel_loop3A_1084, %parallel_loop3A_1295 : vector<16xi1>, vector<16xf32>
          %parallel_loop3A_1297 = arith.constant 4 : i32
          %parallel_loop3A_1298 = arith.addi %parallel_loop3A_859, %parallel_loop3A_1297 : i32
          %parallel_loop3A_1299 = arith.constant 16 : i32
          %parallel_loop3A_1300 = arith.muli %parallel_loop3A_1223, %parallel_loop3A_1299 : i32
          %parallel_loop3A_1301 = arith.index_cast %parallel_loop3A_1298 : i32 to index
          %parallel_loop3A_1302 = arith.index_cast %parallel_loop3A_1300 : i32 to index
          %parallel_loop3A_1303 = tpu.vector_load %arg14[%parallel_loop3A_1301, %parallel_loop3A_1302] {strides = array<i32>} : memref<64x512xf32, #tpu.memory_space<vmem>>, vector<1x16xf32>,
          %parallel_loop3A_1304 = vector.shape_cast %parallel_loop3A_1303 : vector<1x16xf32> to vector<16xf32>
          %parallel_loop3A_1305 = vector.shape_cast %parallel_loop3A_1296 : vector<16xf32> to vector<1x16xf32>
          tpu.vector_store %arg14[%parallel_loop3A_1301, %parallel_loop3A_1302], %parallel_loop3A_1305 {strides = array<i32>} : memref<64x512xf32, #tpu.memory_space<vmem>>, vector<1x16xf32>,
          %parallel_loop3A_1306 = arith.select %parallel_loop3A_1231, %parallel_loop3A_1102, %parallel_loop3A_1093 : vector<16xi1>, vector<16xf32>
          %parallel_loop3A_1307 = arith.select %parallel_loop3A_1234, %parallel_loop3A_1111, %parallel_loop3A_1306 : vector<16xi1>, vector<16xf32>
          %parallel_loop3A_1308 = arith.select %parallel_loop3A_1237, %parallel_loop3A_1120, %parallel_loop3A_1307 : vector<16xi1>, vector<16xf32>
          %parallel_loop3A_1309 = arith.select %parallel_loop3A_1240, %parallel_loop3A_1129, %parallel_loop3A_1308 : vector<16xi1>, vector<16xf32>
          %parallel_loop3A_1310 = arith.constant 5 : i32
          %parallel_loop3A_1311 = arith.addi %parallel_loop3A_859, %parallel_loop3A_1310 : i32
          %parallel_loop3A_1312 = arith.constant 16 : i32
          %parallel_loop3A_1313 = arith.muli %parallel_loop3A_1223, %parallel_loop3A_1312 : i32
          %parallel_loop3A_1314 = arith.index_cast %parallel_loop3A_1311 : i32 to index
          %parallel_loop3A_1315 = arith.index_cast %parallel_loop3A_1313 : i32 to index
          %parallel_loop3A_1316 = tpu.vector_load %arg14[%parallel_loop3A_1314, %parallel_loop3A_1315] {strides = array<i32>} : memref<64x512xf32, #tpu.memory_space<vmem>>, vector<1x16xf32>,
          %parallel_loop3A_1317 = vector.shape_cast %parallel_loop3A_1316 : vector<1x16xf32> to vector<16xf32>
          %parallel_loop3A_1318 = vector.shape_cast %parallel_loop3A_1309 : vector<16xf32> to vector<1x16xf32>
          tpu.vector_store %arg14[%parallel_loop3A_1314, %parallel_loop3A_1315], %parallel_loop3A_1318 {strides = array<i32>} : memref<64x512xf32, #tpu.memory_space<vmem>>, vector<1x16xf32>,
          %parallel_loop3A_1319 = arith.select %parallel_loop3A_1231, %parallel_loop3A_1147, %parallel_loop3A_1138 : vector<16xi1>, vector<16xf32>
          %parallel_loop3A_1320 = arith.select %parallel_loop3A_1234, %parallel_loop3A_1156, %parallel_loop3A_1319 : vector<16xi1>, vector<16xf32>
          %parallel_loop3A_1321 = arith.select %parallel_loop3A_1237, %parallel_loop3A_1165, %parallel_loop3A_1320 : vector<16xi1>, vector<16xf32>
          %parallel_loop3A_1322 = arith.select %parallel_loop3A_1240, %parallel_loop3A_1174, %parallel_loop3A_1321 : vector<16xi1>, vector<16xf32>
          %parallel_loop3A_1323 = arith.constant 6 : i32
          %parallel_loop3A_1324 = arith.addi %parallel_loop3A_859, %parallel_loop3A_1323 : i32
          %parallel_loop3A_1325 = arith.constant 16 : i32
          %parallel_loop3A_1326 = arith.muli %parallel_loop3A_1223, %parallel_loop3A_1325 : i32
          %parallel_loop3A_1327 = arith.index_cast %parallel_loop3A_1324 : i32 to index
          %parallel_loop3A_1328 = arith.index_cast %parallel_loop3A_1326 : i32 to index
          %parallel_loop3A_1329 = tpu.vector_load %arg14[%parallel_loop3A_1327, %parallel_loop3A_1328] {strides = array<i32>} : memref<64x512xf32, #tpu.memory_space<vmem>>, vector<1x16xf32>,
          %parallel_loop3A_1330 = vector.shape_cast %parallel_loop3A_1329 : vector<1x16xf32> to vector<16xf32>
          %parallel_loop3A_1331 = vector.shape_cast %parallel_loop3A_1322 : vector<16xf32> to vector<1x16xf32>
          tpu.vector_store %arg14[%parallel_loop3A_1327, %parallel_loop3A_1328], %parallel_loop3A_1331 {strides = array<i32>} : memref<64x512xf32, #tpu.memory_space<vmem>>, vector<1x16xf32>,
          %parallel_loop3A_1332 = arith.select %parallel_loop3A_1231, %parallel_loop3A_1192, %parallel_loop3A_1183 : vector<16xi1>, vector<16xf32>
          %parallel_loop3A_1333 = arith.select %parallel_loop3A_1234, %parallel_loop3A_1201, %parallel_loop3A_1332 : vector<16xi1>, vector<16xf32>
          %parallel_loop3A_1334 = arith.select %parallel_loop3A_1237, %parallel_loop3A_1210, %parallel_loop3A_1333 : vector<16xi1>, vector<16xf32>
          %parallel_loop3A_1335 = arith.select %parallel_loop3A_1240, %parallel_loop3A_1219, %parallel_loop3A_1334 : vector<16xi1>, vector<16xf32>
          %parallel_loop3A_1336 = arith.constant 7 : i32
          %parallel_loop3A_1337 = arith.addi %parallel_loop3A_859, %parallel_loop3A_1336 : i32
          %parallel_loop3A_1338 = arith.constant 16 : i32
          %parallel_loop3A_1339 = arith.muli %parallel_loop3A_1223, %parallel_loop3A_1338 : i32
          %parallel_loop3A_1340 = arith.index_cast %parallel_loop3A_1337 : i32 to index
          %parallel_loop3A_1341 = arith.index_cast %parallel_loop3A_1339 : i32 to index
          %parallel_loop3A_1342 = tpu.vector_load %arg14[%parallel_loop3A_1340, %parallel_loop3A_1341] {strides = array<i32>} : memref<64x512xf32, #tpu.memory_space<vmem>>, vector<1x16xf32>,
          %parallel_loop3A_1343 = vector.shape_cast %parallel_loop3A_1342 : vector<1x16xf32> to vector<16xf32>
          %parallel_loop3A_1344 = vector.shape_cast %parallel_loop3A_1335 : vector<16xf32> to vector<1x16xf32>
          tpu.vector_store %arg14[%parallel_loop3A_1340, %parallel_loop3A_1341], %parallel_loop3A_1344 {strides = array<i32>} : memref<64x512xf32, #tpu.memory_space<vmem>>, vector<1x16xf32>,
        } {sc.loop_unroll_factor = 2 : i64, sc.parallel_access}
      } {sc.loop_unroll_factor = 1 : i64, sc.parallel_access}
      %jit3A_735 = arith.constant 32 : i32
      %div3A_736 = arith.divsi %add3A_717, %jit3A_735 : i32
      %sign3A_737 = arith.constant 0 : i32
      %sign3A_738 = arith.cmpi sgt, %add3A_717, %sign3A_737 : i32
      %sign3A_739 = arith.extui %sign3A_738 : i1 to i32
      %sign3A_740 = arith.constant 0 : i32
      %sign3A_741 = arith.cmpi slt, %add3A_717, %sign3A_740 : i32
      %sign3A_742 = arith.extui %sign3A_741 : i1 to i32
      %sign3A_743 = arith.subi %sign3A_739, %sign3A_742 : i32
      %sign3A_744 = arith.constant 0 : i32
      %sign3A_745 = arith.cmpi sgt, %jit3A_735, %sign3A_744 : i32
      %sign3A_746 = arith.extui %sign3A_745 : i1 to i32
      %sign3A_747 = arith.constant 0 : i32
      %sign3A_748 = arith.cmpi slt, %jit3A_735, %sign3A_747 : i32
      %sign3A_749 = arith.extui %sign3A_748 : i1 to i32
      %sign3A_750 = arith.subi %sign3A_746, %sign3A_749 : i32
      %ne3A_751 = arith.cmpi ne, %sign3A_743, %sign3A_750 : i32
      %rem3A_752 = arith.remsi %add3A_717, %jit3A_735 : i32
      %ne3A_753 = arith.constant 0 : i32
      %ne3A_754 = arith.cmpi ne, %rem3A_752, %ne3A_753 : i32
      %and3A_755 = arith.andi %ne3A_751, %ne3A_754 : i1
      %sub3A_756 = arith.constant 1 : i32
      %sub3A_757 = arith.subi %div3A_736, %sub3A_756 : i32
      %select_n3A_758 = arith.select %and3A_755, %sub3A_757, %div3A_736 : i32
      %jit3A_759 = arith.constant 32 : i32
      %eq3A_760 = arith.constant 0 : i32
      %eq3A_761 = arith.cmpi eq, %jit3A_759, %eq3A_760 : i32
      %jit3A_762 = arith.constant 1 : i32
      %select_n3A_763 = arith.select %eq3A_761, %jit3A_762, %jit3A_759 : i32
      %rem3A_764 = arith.remsi %add3A_717, %select_n3A_763 : i32
      %ne3A_765 = arith.constant 0 : i32
      %ne3A_766 = arith.cmpi ne, %rem3A_764, %ne3A_765 : i32
      %lt3A_767 = arith.constant 0 : i32
      %lt3A_768 = arith.cmpi slt, %rem3A_764, %lt3A_767 : i32
      %lt3A_769 = arith.constant 0 : i32
      %lt3A_770 = arith.cmpi slt, %select_n3A_763, %lt3A_769 : i32
      %ne3A_771 = arith.xori %lt3A_768, %lt3A_770 : i1
      %and3A_772 = arith.andi %ne3A_771, %ne3A_766 : i1
      %add3A_773 = arith.addi %rem3A_764, %select_n3A_763 : i32
      %select_n3A_774 = arith.select %and3A_772, %add3A_773, %rem3A_764 : i32
      %mul3A_775 = arith.constant 512 : i32
      %mul3A_776 = arith.muli %select_n3A_774, %mul3A_775 : i32
      %dma_start3A_777 = arith.constant 0 : i32
      %dma_start3A_778 = tpu.memref_slice %arg5[%select_n3A_758, %dma_start3A_777, %mul3A_776] : memref<50x64x16384xf32, #tpu.memory_space<hbm>> -> memref<1x64x512xf32, #tpu.memory_space<hbm>>
      %dma_start3A_779 = tpu.memref_squeeze %dma_start3A_778 : memref<1x64x512xf32, #tpu.memory_space<hbm>> -> memref<64x512xf32, #tpu.memory_space<hbm>>
      %dma_start3A_780 = arith.constant 0 : i32
      %dma_start3A_781 = tpu.memref_slice %arg5[%select_n3A_758, %dma_start3A_780, %mul3A_776] : memref<50x64x16384xf32, #tpu.memory_space<hbm>> -> memref<1x64x512xf32, #tpu.memory_space<hbm>>
      %dma_start3A_782 = tpu.memref_squeeze %dma_start3A_781 : memref<1x64x512xf32, #tpu.memory_space<hbm>> -> memref<64x512xf32, #tpu.memory_space<hbm>>
      tpu.enqueue_dma source(%arg14 : memref<64x512xf32, #tpu.memory_space<vmem>>) target(%dma_start3A_782 : memref<64x512xf32, #tpu.memory_space<hbm>>) target_semaphore(%arg19 : memref<!tpu.dma_semaphore, #tpu.memory_space<semaphore_mem>>)
      %mul3A_783 = arith.constant 2 : i32
      %mul3A_784 = arith.muli %scan3A_710, %mul3A_783 : i32
      %add3A_785 = arith.constant 1 : i32
      %add3A_786 = arith.addi %mul3A_784, %add3A_785 : i32
      %mul3A_787 = arith.constant 50 : i32
      %mul3A_788 = arith.muli %add3A, %mul3A_787 : i32
      %add3A_789 = arith.addi %mul3A_788, %add3A_786 : i32
      %add3A_790 = arith.constant 1 : i32
      %add3A_791 = arith.addi %add3A_786, %add3A_790 : i32
      %lt3A_792 = arith.constant 50 : i32
      %lt3A_793 = arith.cmpi slt, %add3A_791, %lt3A_792 : i32
      %convert_element_type3A_794 = arith.extui %lt3A_793 : i1 to i32
      %cond3A_795 = arith.constant 0 : i32
      %cond3A_796 = arith.cmpi ne, %convert_element_type3A_794, %cond3A_795 : i32
      scf.if %cond3A_796 {
        %add3A_857 = arith.constant 1 : i32
        %add3A_858 = arith.addi %add3A_789, %add3A_857 : i32
        %jit3A_859 = arith.constant 32 : i32
        %div3A_860 = arith.divsi %add3A_858, %jit3A_859 : i32
        %sign3A_861 = arith.constant 0 : i32
        %sign3A_862 = arith.cmpi sgt, %add3A_858, %sign3A_861 : i32
        %sign3A_863 = arith.extui %sign3A_862 : i1 to i32
        %sign3A_864 = arith.constant 0 : i32
        %sign3A_865 = arith.cmpi slt, %add3A_858, %sign3A_864 : i32
        %sign3A_866 = arith.extui %sign3A_865 : i1 to i32
        %sign3A_867 = arith.subi %sign3A_863, %sign3A_866 : i32
        %sign3A_868 = arith.constant 0 : i32
        %sign3A_869 = arith.cmpi sgt, %jit3A_859, %sign3A_868 : i32
        %sign3A_870 = arith.extui %sign3A_869 : i1 to i32
        %sign3A_871 = arith.constant 0 : i32
        %sign3A_872 = arith.cmpi slt, %jit3A_859, %sign3A_871 : i32
        %sign3A_873 = arith.extui %sign3A_872 : i1 to i32
        %sign3A_874 = arith.subi %sign3A_870, %sign3A_873 : i32
        %ne3A_875 = arith.cmpi ne, %sign3A_867, %sign3A_874 : i32
        %rem3A_876 = arith.remsi %add3A_858, %jit3A_859 : i32
        %ne3A_877 = arith.constant 0 : i32
        %ne3A_878 = arith.cmpi ne, %rem3A_876, %ne3A_877 : i32
        %and3A_879 = arith.andi %ne3A_875, %ne3A_878 : i1
        %sub3A_880 = arith.constant 1 : i32
        %sub3A_881 = arith.subi %div3A_860, %sub3A_880 : i32
        %select_n3A_882 = arith.select %and3A_879, %sub3A_881, %div3A_860 : i32
        %jit3A_883 = arith.constant 32 : i32
        %eq3A_884 = arith.constant 0 : i32
        %eq3A_885 = arith.cmpi eq, %jit3A_883, %eq3A_884 : i32
        %jit3A_886 = arith.constant 1 : i32
        %select_n3A_887 = arith.select %eq3A_885, %jit3A_886, %jit3A_883 : i32
        %rem3A_888 = arith.remsi %add3A_858, %select_n3A_887 : i32
        %ne3A_889 = arith.constant 0 : i32
        %ne3A_890 = arith.cmpi ne, %rem3A_888, %ne3A_889 : i32
        %lt3A_891 = arith.constant 0 : i32
        %lt3A_892 = arith.cmpi slt, %rem3A_888, %lt3A_891 : i32
        %lt3A_893 = arith.constant 0 : i32
        %lt3A_894 = arith.cmpi slt, %select_n3A_887, %lt3A_893 : i32
        %ne3A_895 = arith.xori %lt3A_892, %lt3A_894 : i1
        %and3A_896 = arith.andi %ne3A_895, %ne3A_890 : i1
        %add3A_897 = arith.addi %rem3A_888, %select_n3A_887 : i32
        %select_n3A_898 = arith.select %and3A_896, %add3A_897, %rem3A_888 : i32
        %mul3A_899 = arith.constant 512 : i32
        %mul3A_900 = arith.muli %select_n3A_898, %mul3A_899 : i32
        %mul3A_901 = arith.constant 16384 : i32
        %mul3A_902 = arith.muli %select_n3A_882, %mul3A_901 : i32
        %add3A_903 = arith.addi %mul3A_902, %mul3A_900 : i32
        %dma_start3A_904 = tpu.memref_slice %arg4[%add3A_903] : memref<819200xi32, #tpu.memory_space<hbm>> -> memref<512xi32, #tpu.memory_space<hbm>>
        %dma_start3A_905 = tpu.memref_slice %arg4[%add3A_903] : memref<819200xi32, #tpu.memory_space<hbm>> -> memref<512xi32, #tpu.memory_space<hbm>>
        tpu.enqueue_dma source(%dma_start3A_905 : memref<512xi32, #tpu.memory_space<hbm>>) target(%arg12 : memref<512xi32, #tpu.memory_space<vmem>>) target_semaphore(%arg17 : memref<!tpu.dma_semaphore, #tpu.memory_space<semaphore_mem>>)
      } else {
      }
      %ge3A_797 = arith.constant 2 : i32
      %ge3A_798 = arith.cmpi sge, %add3A_786, %ge3A_797 : i32
      %convert_element_type3A_799 = arith.extui %ge3A_798 : i1 to i32
      %cond3A_800 = arith.constant 0 : i32
      %cond3A_801 = arith.cmpi ne, %convert_element_type3A_799, %cond3A_800 : i32
      scf.if %cond3A_801 {
        %dma_wait3A_857 = arith.constant 0 : i32
        %dma_wait3A_858 = arith.constant 0 : i32
        %dma_wait3A_859 = arith.constant 0 : i32
        %dma_wait3A_860 = tpu.memref_slice %arg5[%dma_wait3A_857, %dma_wait3A_858, %dma_wait3A_859] : memref<50x64x16384xf32, #tpu.memory_space<hbm>> -> memref<1x64x512xf32, #tpu.memory_space<hbm>>
        %dma_wait3A_861 = tpu.memref_squeeze %dma_wait3A_860 : memref<1x64x512xf32, #tpu.memory_space<hbm>> -> memref<64x512xf32, #tpu.memory_space<hbm>>
        %dma_wait3A_862 = arith.constant 0 : i32
        %dma_wait3A_863 = arith.constant 0 : i32
        %dma_wait3A_864 = tpu.memref_slice %arg5[%dma_wait3A_857, %dma_wait3A_862, %dma_wait3A_863] : memref<50x64x16384xf32, #tpu.memory_space<hbm>> -> memref<1x64x512xf32, #tpu.memory_space<hbm>>
        %dma_wait3A_865 = tpu.memref_squeeze %dma_wait3A_864 : memref<1x64x512xf32, #tpu.memory_space<hbm>> -> memref<64x512xf32, #tpu.memory_space<hbm>>
        tpu.wait_dma2 semaphore(%arg20 : memref<!tpu.dma_semaphore, #tpu.memory_space<semaphore_mem>>) src(%arg15 : memref<64x512xf32, #tpu.memory_space<vmem>>) dst(%dma_wait3A_865 : memref<64x512xf32, #tpu.memory_space<hbm>>)
      } else {
      }
      %dma_wait3A_802 = arith.constant 0 : i32
      %dma_wait3A_803 = tpu.memref_slice %arg4[%dma_wait3A_802] : memref<819200xi32, #tpu.memory_space<hbm>> -> memref<512xi32, #tpu.memory_space<hbm>>
      %dma_wait3A_804 = arith.constant 0 : i32
      %dma_wait3A_805 = tpu.memref_slice %arg4[%dma_wait3A_804] : memref<819200xi32, #tpu.memory_space<hbm>> -> memref<512xi32, #tpu.memory_space<hbm>>
      tpu.wait_dma2 semaphore(%arg18 : memref<!tpu.dma_semaphore, #tpu.memory_space<semaphore_mem>>) src(%dma_wait3A_805 : memref<512xi32, #tpu.memory_space<hbm>>) dst(%arg13 : memref<512xi32, #tpu.memory_space<vmem>>)
      %parallel_loop3A_806 = arith.constant 0 : i32
      %parallel_loop3A_807 = arith.constant 8 : i32
      %parallel_loop3A_808 = arith.constant 1 : i32
      scf.for %parallel_loop3A_857 = %parallel_loop3A_806 to %parallel_loop3A_807 step %parallel_loop3A_808  : i32 {
        %parallel_loop3A_858 = arith.constant 8 : i32
        %parallel_loop3A_859 = arith.muli %parallel_loop3A_857, %parallel_loop3A_858 : i32
        %parallel_loop3A_860 = arith.constant 0 : i32
        %parallel_loop3A_861 = arith.addi %parallel_loop3A_860, %parallel_loop3A_859 : i32
        %parallel_loop3A_862 = arith.constant 0 : i32
        %parallel_loop3A_863 = arith.addi %parallel_loop3A_861, %parallel_loop3A_862 : i32
        %parallel_loop3A_864 = arith.constant 16 : i32
        %parallel_loop3A_865 = arith.muli %parallel_loop3A_863, %parallel_loop3A_864 : i32
        %parallel_loop3A_866 = arith.index_cast %parallel_loop3A_865 : i32 to index
        %parallel_loop3A_867 = tpu.vector_load %arg11[%parallel_loop3A_866] {strides = array<i32>} : memref<5120xf32, #tpu.memory_space<vmem>>, vector<16xf32>,
        %parallel_loop3A_868 = vector.shape_cast %parallel_loop3A_867 : vector<16xf32> to vector<16xf32>
        %parallel_loop3A_869 = arith.constant 64 : i32
        %parallel_loop3A_870 = arith.addi %parallel_loop3A_869, %parallel_loop3A_859 : i32
        %parallel_loop3A_871 = arith.constant 0 : i32
        %parallel_loop3A_872 = arith.addi %parallel_loop3A_870, %parallel_loop3A_871 : i32
        %parallel_loop3A_873 = arith.constant 16 : i32
        %parallel_loop3A_874 = arith.muli %parallel_loop3A_872, %parallel_loop3A_873 : i32
        %parallel_loop3A_875 = arith.index_cast %parallel_loop3A_874 : i32 to index
        %parallel_loop3A_876 = tpu.vector_load %arg11[%parallel_loop3A_875] {strides = array<i32>} : memref<5120xf32, #tpu.memory_space<vmem>>, vector<16xf32>,
        %parallel_loop3A_877 = vector.shape_cast %parallel_loop3A_876 : vector<16xf32> to vector<16xf32>
        %parallel_loop3A_878 = arith.constant 128 : i32
        %parallel_loop3A_879 = arith.addi %parallel_loop3A_878, %parallel_loop3A_859 : i32
        %parallel_loop3A_880 = arith.constant 0 : i32
        %parallel_loop3A_881 = arith.addi %parallel_loop3A_879, %parallel_loop3A_880 : i32
        %parallel_loop3A_882 = arith.constant 16 : i32
        %parallel_loop3A_883 = arith.muli %parallel_loop3A_881, %parallel_loop3A_882 : i32
        %parallel_loop3A_884 = arith.index_cast %parallel_loop3A_883 : i32 to index
        %parallel_loop3A_885 = tpu.vector_load %arg11[%parallel_loop3A_884] {strides = array<i32>} : memref<5120xf32, #tpu.memory_space<vmem>>, vector<16xf32>,
        %parallel_loop3A_886 = vector.shape_cast %parallel_loop3A_885 : vector<16xf32> to vector<16xf32>
        %parallel_loop3A_887 = arith.constant 192 : i32
        %parallel_loop3A_888 = arith.addi %parallel_loop3A_887, %parallel_loop3A_859 : i32
        %parallel_loop3A_889 = arith.constant 0 : i32
        %parallel_loop3A_890 = arith.addi %parallel_loop3A_888, %parallel_loop3A_889 : i32
        %parallel_loop3A_891 = arith.constant 16 : i32
        %parallel_loop3A_892 = arith.muli %parallel_loop3A_890, %parallel_loop3A_891 : i32
        %parallel_loop3A_893 = arith.index_cast %parallel_loop3A_892 : i32 to index
        %parallel_loop3A_894 = tpu.vector_load %arg11[%parallel_loop3A_893] {strides = array<i32>} : memref<5120xf32, #tpu.memory_space<vmem>>, vector<16xf32>,
        %parallel_loop3A_895 = vector.shape_cast %parallel_loop3A_894 : vector<16xf32> to vector<16xf32>
        %parallel_loop3A_896 = arith.constant 256 : i32
        %parallel_loop3A_897 = arith.addi %parallel_loop3A_896, %parallel_loop3A_859 : i32
        %parallel_loop3A_898 = arith.constant 0 : i32
        %parallel_loop3A_899 = arith.addi %parallel_loop3A_897, %parallel_loop3A_898 : i32
        %parallel_loop3A_900 = arith.constant 16 : i32
        %parallel_loop3A_901 = arith.muli %parallel_loop3A_899, %parallel_loop3A_900 : i32
        %parallel_loop3A_902 = arith.index_cast %parallel_loop3A_901 : i32 to index
        %parallel_loop3A_903 = tpu.vector_load %arg11[%parallel_loop3A_902] {strides = array<i32>} : memref<5120xf32, #tpu.memory_space<vmem>>, vector<16xf32>,
        %parallel_loop3A_904 = vector.shape_cast %parallel_loop3A_903 : vector<16xf32> to vector<16xf32>
        %parallel_loop3A_905 = arith.constant 0 : i32
        %parallel_loop3A_906 = arith.addi %parallel_loop3A_905, %parallel_loop3A_859 : i32
        %parallel_loop3A_907 = arith.constant 1 : i32
        %parallel_loop3A_908 = arith.addi %parallel_loop3A_906, %parallel_loop3A_907 : i32
        %parallel_loop3A_909 = arith.constant 16 : i32
        %parallel_loop3A_910 = arith.muli %parallel_loop3A_908, %parallel_loop3A_909 : i32
        %parallel_loop3A_911 = arith.index_cast %parallel_loop3A_910 : i32 to index
        %parallel_loop3A_912 = tpu.vector_load %arg11[%parallel_loop3A_911] {strides = array<i32>} : memref<5120xf32, #tpu.memory_space<vmem>>, vector<16xf32>,
        %parallel_loop3A_913 = vector.shape_cast %parallel_loop3A_912 : vector<16xf32> to vector<16xf32>
        %parallel_loop3A_914 = arith.constant 64 : i32
        %parallel_loop3A_915 = arith.addi %parallel_loop3A_914, %parallel_loop3A_859 : i32
        %parallel_loop3A_916 = arith.constant 1 : i32
        %parallel_loop3A_917 = arith.addi %parallel_loop3A_915, %parallel_loop3A_916 : i32
        %parallel_loop3A_918 = arith.constant 16 : i32
        %parallel_loop3A_919 = arith.muli %parallel_loop3A_917, %parallel_loop3A_918 : i32
        %parallel_loop3A_920 = arith.index_cast %parallel_loop3A_919 : i32 to index
        %parallel_loop3A_921 = tpu.vector_load %arg11[%parallel_loop3A_920] {strides = array<i32>} : memref<5120xf32, #tpu.memory_space<vmem>>, vector<16xf32>,
        %parallel_loop3A_922 = vector.shape_cast %parallel_loop3A_921 : vector<16xf32> to vector<16xf32>
        %parallel_loop3A_923 = arith.constant 128 : i32
        %parallel_loop3A_924 = arith.addi %parallel_loop3A_923, %parallel_loop3A_859 : i32
        %parallel_loop3A_925 = arith.constant 1 : i32
        %parallel_loop3A_926 = arith.addi %parallel_loop3A_924, %parallel_loop3A_925 : i32
        %parallel_loop3A_927 = arith.constant 16 : i32
        %parallel_loop3A_928 = arith.muli %parallel_loop3A_926, %parallel_loop3A_927 : i32
        %parallel_loop3A_929 = arith.index_cast %parallel_loop3A_928 : i32 to index
        %parallel_loop3A_930 = tpu.vector_load %arg11[%parallel_loop3A_929] {strides = array<i32>} : memref<5120xf32, #tpu.memory_space<vmem>>, vector<16xf32>,
        %parallel_loop3A_931 = vector.shape_cast %parallel_loop3A_930 : vector<16xf32> to vector<16xf32>
        %parallel_loop3A_932 = arith.constant 192 : i32
        %parallel_loop3A_933 = arith.addi %parallel_loop3A_932, %parallel_loop3A_859 : i32
        %parallel_loop3A_934 = arith.constant 1 : i32
        %parallel_loop3A_935 = arith.addi %parallel_loop3A_933, %parallel_loop3A_934 : i32
        %parallel_loop3A_936 = arith.constant 16 : i32
        %parallel_loop3A_937 = arith.muli %parallel_loop3A_935, %parallel_loop3A_936 : i32
        %parallel_loop3A_938 = arith.index_cast %parallel_loop3A_937 : i32 to index
        %parallel_loop3A_939 = tpu.vector_load %arg11[%parallel_loop3A_938] {strides = array<i32>} : memref<5120xf32, #tpu.memory_space<vmem>>, vector<16xf32>,
        %parallel_loop3A_940 = vector.shape_cast %parallel_loop3A_939 : vector<16xf32> to vector<16xf32>
        %parallel_loop3A_941 = arith.constant 256 : i32
        %parallel_loop3A_942 = arith.addi %parallel_loop3A_941, %parallel_loop3A_859 : i32
        %parallel_loop3A_943 = arith.constant 1 : i32
        %parallel_loop3A_944 = arith.addi %parallel_loop3A_942, %parallel_loop3A_943 : i32
        %parallel_loop3A_945 = arith.constant 16 : i32
        %parallel_loop3A_946 = arith.muli %parallel_loop3A_944, %parallel_loop3A_945 : i32
        %parallel_loop3A_947 = arith.index_cast %parallel_loop3A_946 : i32 to index
        %parallel_loop3A_948 = tpu.vector_load %arg11[%parallel_loop3A_947] {strides = array<i32>} : memref<5120xf32, #tpu.memory_space<vmem>>, vector<16xf32>,
        %parallel_loop3A_949 = vector.shape_cast %parallel_loop3A_948 : vector<16xf32> to vector<16xf32>
        %parallel_loop3A_950 = arith.constant 0 : i32
        %parallel_loop3A_951 = arith.addi %parallel_loop3A_950, %parallel_loop3A_859 : i32
        %parallel_loop3A_952 = arith.constant 2 : i32
        %parallel_loop3A_953 = arith.addi %parallel_loop3A_951, %parallel_loop3A_952 : i32
        %parallel_loop3A_954 = arith.constant 16 : i32
        %parallel_loop3A_955 = arith.muli %parallel_loop3A_953, %parallel_loop3A_954 : i32
        %parallel_loop3A_956 = arith.index_cast %parallel_loop3A_955 : i32 to index
        %parallel_loop3A_957 = tpu.vector_load %arg11[%parallel_loop3A_956] {strides = array<i32>} : memref<5120xf32, #tpu.memory_space<vmem>>, vector<16xf32>,
        %parallel_loop3A_958 = vector.shape_cast %parallel_loop3A_957 : vector<16xf32> to vector<16xf32>
        %parallel_loop3A_959 = arith.constant 64 : i32
        %parallel_loop3A_960 = arith.addi %parallel_loop3A_959, %parallel_loop3A_859 : i32
        %parallel_loop3A_961 = arith.constant 2 : i32
        %parallel_loop3A_962 = arith.addi %parallel_loop3A_960, %parallel_loop3A_961 : i32
        %parallel_loop3A_963 = arith.constant 16 : i32
        %parallel_loop3A_964 = arith.muli %parallel_loop3A_962, %parallel_loop3A_963 : i32
        %parallel_loop3A_965 = arith.index_cast %parallel_loop3A_964 : i32 to index
        %parallel_loop3A_966 = tpu.vector_load %arg11[%parallel_loop3A_965] {strides = array<i32>} : memref<5120xf32, #tpu.memory_space<vmem>>, vector<16xf32>,
        %parallel_loop3A_967 = vector.shape_cast %parallel_loop3A_966 : vector<16xf32> to vector<16xf32>
        %parallel_loop3A_968 = arith.constant 128 : i32
        %parallel_loop3A_969 = arith.addi %parallel_loop3A_968, %parallel_loop3A_859 : i32
        %parallel_loop3A_970 = arith.constant 2 : i32
        %parallel_loop3A_971 = arith.addi %parallel_loop3A_969, %parallel_loop3A_970 : i32
        %parallel_loop3A_972 = arith.constant 16 : i32
        %parallel_loop3A_973 = arith.muli %parallel_loop3A_971, %parallel_loop3A_972 : i32
        %parallel_loop3A_974 = arith.index_cast %parallel_loop3A_973 : i32 to index
        %parallel_loop3A_975 = tpu.vector_load %arg11[%parallel_loop3A_974] {strides = array<i32>} : memref<5120xf32, #tpu.memory_space<vmem>>, vector<16xf32>,
        %parallel_loop3A_976 = vector.shape_cast %parallel_loop3A_975 : vector<16xf32> to vector<16xf32>
        %parallel_loop3A_977 = arith.constant 192 : i32
        %parallel_loop3A_978 = arith.addi %parallel_loop3A_977, %parallel_loop3A_859 : i32
        %parallel_loop3A_979 = arith.constant 2 : i32
        %parallel_loop3A_980 = arith.addi %parallel_loop3A_978, %parallel_loop3A_979 : i32
        %parallel_loop3A_981 = arith.constant 16 : i32
        %parallel_loop3A_982 = arith.muli %parallel_loop3A_980, %parallel_loop3A_981 : i32
        %parallel_loop3A_983 = arith.index_cast %parallel_loop3A_982 : i32 to index
        %parallel_loop3A_984 = tpu.vector_load %arg11[%parallel_loop3A_983] {strides = array<i32>} : memref<5120xf32, #tpu.memory_space<vmem>>, vector<16xf32>,
        %parallel_loop3A_985 = vector.shape_cast %parallel_loop3A_984 : vector<16xf32> to vector<16xf32>
        %parallel_loop3A_986 = arith.constant 256 : i32
        %parallel_loop3A_987 = arith.addi %parallel_loop3A_986, %parallel_loop3A_859 : i32
        %parallel_loop3A_988 = arith.constant 2 : i32
        %parallel_loop3A_989 = arith.addi %parallel_loop3A_987, %parallel_loop3A_988 : i32
        %parallel_loop3A_990 = arith.constant 16 : i32
        %parallel_loop3A_991 = arith.muli %parallel_loop3A_989, %parallel_loop3A_990 : i32
        %parallel_loop3A_992 = arith.index_cast %parallel_loop3A_991 : i32 to index
        %parallel_loop3A_993 = tpu.vector_load %arg11[%parallel_loop3A_992] {strides = array<i32>} : memref<5120xf32, #tpu.memory_space<vmem>>, vector<16xf32>,
        %parallel_loop3A_994 = vector.shape_cast %parallel_loop3A_993 : vector<16xf32> to vector<16xf32>
        %parallel_loop3A_995 = arith.constant 0 : i32
        %parallel_loop3A_996 = arith.addi %parallel_loop3A_995, %parallel_loop3A_859 : i32
        %parallel_loop3A_997 = arith.constant 3 : i32
        %parallel_loop3A_998 = arith.addi %parallel_loop3A_996, %parallel_loop3A_997 : i32
        %parallel_loop3A_999 = arith.constant 16 : i32
        %parallel_loop3A_1000 = arith.muli %parallel_loop3A_998, %parallel_loop3A_999 : i32
        %parallel_loop3A_1001 = arith.index_cast %parallel_loop3A_1000 : i32 to index
        %parallel_loop3A_1002 = tpu.vector_load %arg11[%parallel_loop3A_1001] {strides = array<i32>} : memref<5120xf32, #tpu.memory_space<vmem>>, vector<16xf32>,
        %parallel_loop3A_1003 = vector.shape_cast %parallel_loop3A_1002 : vector<16xf32> to vector<16xf32>
        %parallel_loop3A_1004 = arith.constant 64 : i32
        %parallel_loop3A_1005 = arith.addi %parallel_loop3A_1004, %parallel_loop3A_859 : i32
        %parallel_loop3A_1006 = arith.constant 3 : i32
        %parallel_loop3A_1007 = arith.addi %parallel_loop3A_1005, %parallel_loop3A_1006 : i32
        %parallel_loop3A_1008 = arith.constant 16 : i32
        %parallel_loop3A_1009 = arith.muli %parallel_loop3A_1007, %parallel_loop3A_1008 : i32
        %parallel_loop3A_1010 = arith.index_cast %parallel_loop3A_1009 : i32 to index
        %parallel_loop3A_1011 = tpu.vector_load %arg11[%parallel_loop3A_1010] {strides = array<i32>} : memref<5120xf32, #tpu.memory_space<vmem>>, vector<16xf32>,
        %parallel_loop3A_1012 = vector.shape_cast %parallel_loop3A_1011 : vector<16xf32> to vector<16xf32>
        %parallel_loop3A_1013 = arith.constant 128 : i32
        %parallel_loop3A_1014 = arith.addi %parallel_loop3A_1013, %parallel_loop3A_859 : i32
        %parallel_loop3A_1015 = arith.constant 3 : i32
        %parallel_loop3A_1016 = arith.addi %parallel_loop3A_1014, %parallel_loop3A_1015 : i32
        %parallel_loop3A_1017 = arith.constant 16 : i32
        %parallel_loop3A_1018 = arith.muli %parallel_loop3A_1016, %parallel_loop3A_1017 : i32
        %parallel_loop3A_1019 = arith.index_cast %parallel_loop3A_1018 : i32 to index
        %parallel_loop3A_1020 = tpu.vector_load %arg11[%parallel_loop3A_1019] {strides = array<i32>} : memref<5120xf32, #tpu.memory_space<vmem>>, vector<16xf32>,
        %parallel_loop3A_1021 = vector.shape_cast %parallel_loop3A_1020 : vector<16xf32> to vector<16xf32>
        %parallel_loop3A_1022 = arith.constant 192 : i32
        %parallel_loop3A_1023 = arith.addi %parallel_loop3A_1022, %parallel_loop3A_859 : i32
        %parallel_loop3A_1024 = arith.constant 3 : i32
        %parallel_loop3A_1025 = arith.addi %parallel_loop3A_1023, %parallel_loop3A_1024 : i32
        %parallel_loop3A_1026 = arith.constant 16 : i32
        %parallel_loop3A_1027 = arith.muli %parallel_loop3A_1025, %parallel_loop3A_1026 : i32
        %parallel_loop3A_1028 = arith.index_cast %parallel_loop3A_1027 : i32 to index
        %parallel_loop3A_1029 = tpu.vector_load %arg11[%parallel_loop3A_1028] {strides = array<i32>} : memref<5120xf32, #tpu.memory_space<vmem>>, vector<16xf32>,
        %parallel_loop3A_1030 = vector.shape_cast %parallel_loop3A_1029 : vector<16xf32> to vector<16xf32>
        %parallel_loop3A_1031 = arith.constant 256 : i32
        %parallel_loop3A_1032 = arith.addi %parallel_loop3A_1031, %parallel_loop3A_859 : i32
        %parallel_loop3A_1033 = arith.constant 3 : i32
        %parallel_loop3A_1034 = arith.addi %parallel_loop3A_1032, %parallel_loop3A_1033 : i32
        %parallel_loop3A_1035 = arith.constant 16 : i32
        %parallel_loop3A_1036 = arith.muli %parallel_loop3A_1034, %parallel_loop3A_1035 : i32
        %parallel_loop3A_1037 = arith.index_cast %parallel_loop3A_1036 : i32 to index
        %parallel_loop3A_1038 = tpu.vector_load %arg11[%parallel_loop3A_1037] {strides = array<i32>} : memref<5120xf32, #tpu.memory_space<vmem>>, vector<16xf32>,
        %parallel_loop3A_1039 = vector.shape_cast %parallel_loop3A_1038 : vector<16xf32> to vector<16xf32>
        %parallel_loop3A_1040 = arith.constant 0 : i32
        %parallel_loop3A_1041 = arith.addi %parallel_loop3A_1040, %parallel_loop3A_859 : i32
        %parallel_loop3A_1042 = arith.constant 4 : i32
        %parallel_loop3A_1043 = arith.addi %parallel_loop3A_1041, %parallel_loop3A_1042 : i32
        %parallel_loop3A_1044 = arith.constant 16 : i32
        %parallel_loop3A_1045 = arith.muli %parallel_loop3A_1043, %parallel_loop3A_1044 : i32
        %parallel_loop3A_1046 = arith.index_cast %parallel_loop3A_1045 : i32 to index
        %parallel_loop3A_1047 = tpu.vector_load %arg11[%parallel_loop3A_1046] {strides = array<i32>} : memref<5120xf32, #tpu.memory_space<vmem>>, vector<16xf32>,
        %parallel_loop3A_1048 = vector.shape_cast %parallel_loop3A_1047 : vector<16xf32> to vector<16xf32>
        %parallel_loop3A_1049 = arith.constant 64 : i32
        %parallel_loop3A_1050 = arith.addi %parallel_loop3A_1049, %parallel_loop3A_859 : i32
        %parallel_loop3A_1051 = arith.constant 4 : i32
        %parallel_loop3A_1052 = arith.addi %parallel_loop3A_1050, %parallel_loop3A_1051 : i32
        %parallel_loop3A_1053 = arith.constant 16 : i32
        %parallel_loop3A_1054 = arith.muli %parallel_loop3A_1052, %parallel_loop3A_1053 : i32
        %parallel_loop3A_1055 = arith.index_cast %parallel_loop3A_1054 : i32 to index
        %parallel_loop3A_1056 = tpu.vector_load %arg11[%parallel_loop3A_1055] {strides = array<i32>} : memref<5120xf32, #tpu.memory_space<vmem>>, vector<16xf32>,
        %parallel_loop3A_1057 = vector.shape_cast %parallel_loop3A_1056 : vector<16xf32> to vector<16xf32>
        %parallel_loop3A_1058 = arith.constant 128 : i32
        %parallel_loop3A_1059 = arith.addi %parallel_loop3A_1058, %parallel_loop3A_859 : i32
        %parallel_loop3A_1060 = arith.constant 4 : i32
        %parallel_loop3A_1061 = arith.addi %parallel_loop3A_1059, %parallel_loop3A_1060 : i32
        %parallel_loop3A_1062 = arith.constant 16 : i32
        %parallel_loop3A_1063 = arith.muli %parallel_loop3A_1061, %parallel_loop3A_1062 : i32
        %parallel_loop3A_1064 = arith.index_cast %parallel_loop3A_1063 : i32 to index
        %parallel_loop3A_1065 = tpu.vector_load %arg11[%parallel_loop3A_1064] {strides = array<i32>} : memref<5120xf32, #tpu.memory_space<vmem>>, vector<16xf32>,
        %parallel_loop3A_1066 = vector.shape_cast %parallel_loop3A_1065 : vector<16xf32> to vector<16xf32>
        %parallel_loop3A_1067 = arith.constant 192 : i32
        %parallel_loop3A_1068 = arith.addi %parallel_loop3A_1067, %parallel_loop3A_859 : i32
        %parallel_loop3A_1069 = arith.constant 4 : i32
        %parallel_loop3A_1070 = arith.addi %parallel_loop3A_1068, %parallel_loop3A_1069 : i32
        %parallel_loop3A_1071 = arith.constant 16 : i32
        %parallel_loop3A_1072 = arith.muli %parallel_loop3A_1070, %parallel_loop3A_1071 : i32
        %parallel_loop3A_1073 = arith.index_cast %parallel_loop3A_1072 : i32 to index
        %parallel_loop3A_1074 = tpu.vector_load %arg11[%parallel_loop3A_1073] {strides = array<i32>} : memref<5120xf32, #tpu.memory_space<vmem>>, vector<16xf32>,
        %parallel_loop3A_1075 = vector.shape_cast %parallel_loop3A_1074 : vector<16xf32> to vector<16xf32>
        %parallel_loop3A_1076 = arith.constant 256 : i32
        %parallel_loop3A_1077 = arith.addi %parallel_loop3A_1076, %parallel_loop3A_859 : i32
        %parallel_loop3A_1078 = arith.constant 4 : i32
        %parallel_loop3A_1079 = arith.addi %parallel_loop3A_1077, %parallel_loop3A_1078 : i32
        %parallel_loop3A_1080 = arith.constant 16 : i32
        %parallel_loop3A_1081 = arith.muli %parallel_loop3A_1079, %parallel_loop3A_1080 : i32
        %parallel_loop3A_1082 = arith.index_cast %parallel_loop3A_1081 : i32 to index
        %parallel_loop3A_1083 = tpu.vector_load %arg11[%parallel_loop3A_1082] {strides = array<i32>} : memref<5120xf32, #tpu.memory_space<vmem>>, vector<16xf32>,
        %parallel_loop3A_1084 = vector.shape_cast %parallel_loop3A_1083 : vector<16xf32> to vector<16xf32>
        %parallel_loop3A_1085 = arith.constant 0 : i32
        %parallel_loop3A_1086 = arith.addi %parallel_loop3A_1085, %parallel_loop3A_859 : i32
        %parallel_loop3A_1087 = arith.constant 5 : i32
        %parallel_loop3A_1088 = arith.addi %parallel_loop3A_1086, %parallel_loop3A_1087 : i32
        %parallel_loop3A_1089 = arith.constant 16 : i32
        %parallel_loop3A_1090 = arith.muli %parallel_loop3A_1088, %parallel_loop3A_1089 : i32
        %parallel_loop3A_1091 = arith.index_cast %parallel_loop3A_1090 : i32 to index
        %parallel_loop3A_1092 = tpu.vector_load %arg11[%parallel_loop3A_1091] {strides = array<i32>} : memref<5120xf32, #tpu.memory_space<vmem>>, vector<16xf32>,
        %parallel_loop3A_1093 = vector.shape_cast %parallel_loop3A_1092 : vector<16xf32> to vector<16xf32>
        %parallel_loop3A_1094 = arith.constant 64 : i32
        %parallel_loop3A_1095 = arith.addi %parallel_loop3A_1094, %parallel_loop3A_859 : i32
        %parallel_loop3A_1096 = arith.constant 5 : i32
        %parallel_loop3A_1097 = arith.addi %parallel_loop3A_1095, %parallel_loop3A_1096 : i32
        %parallel_loop3A_1098 = arith.constant 16 : i32
        %parallel_loop3A_1099 = arith.muli %parallel_loop3A_1097, %parallel_loop3A_1098 : i32
        %parallel_loop3A_1100 = arith.index_cast %parallel_loop3A_1099 : i32 to index
        %parallel_loop3A_1101 = tpu.vector_load %arg11[%parallel_loop3A_1100] {strides = array<i32>} : memref<5120xf32, #tpu.memory_space<vmem>>, vector<16xf32>,
        %parallel_loop3A_1102 = vector.shape_cast %parallel_loop3A_1101 : vector<16xf32> to vector<16xf32>
        %parallel_loop3A_1103 = arith.constant 128 : i32
        %parallel_loop3A_1104 = arith.addi %parallel_loop3A_1103, %parallel_loop3A_859 : i32
        %parallel_loop3A_1105 = arith.constant 5 : i32
        %parallel_loop3A_1106 = arith.addi %parallel_loop3A_1104, %parallel_loop3A_1105 : i32
        %parallel_loop3A_1107 = arith.constant 16 : i32
        %parallel_loop3A_1108 = arith.muli %parallel_loop3A_1106, %parallel_loop3A_1107 : i32
        %parallel_loop3A_1109 = arith.index_cast %parallel_loop3A_1108 : i32 to index
        %parallel_loop3A_1110 = tpu.vector_load %arg11[%parallel_loop3A_1109] {strides = array<i32>} : memref<5120xf32, #tpu.memory_space<vmem>>, vector<16xf32>,
        %parallel_loop3A_1111 = vector.shape_cast %parallel_loop3A_1110 : vector<16xf32> to vector<16xf32>
        %parallel_loop3A_1112 = arith.constant 192 : i32
        %parallel_loop3A_1113 = arith.addi %parallel_loop3A_1112, %parallel_loop3A_859 : i32
        %parallel_loop3A_1114 = arith.constant 5 : i32
        %parallel_loop3A_1115 = arith.addi %parallel_loop3A_1113, %parallel_loop3A_1114 : i32
        %parallel_loop3A_1116 = arith.constant 16 : i32
        %parallel_loop3A_1117 = arith.muli %parallel_loop3A_1115, %parallel_loop3A_1116 : i32
        %parallel_loop3A_1118 = arith.index_cast %parallel_loop3A_1117 : i32 to index
        %parallel_loop3A_1119 = tpu.vector_load %arg11[%parallel_loop3A_1118] {strides = array<i32>} : memref<5120xf32, #tpu.memory_space<vmem>>, vector<16xf32>,
        %parallel_loop3A_1120 = vector.shape_cast %parallel_loop3A_1119 : vector<16xf32> to vector<16xf32>
        %parallel_loop3A_1121 = arith.constant 256 : i32
        %parallel_loop3A_1122 = arith.addi %parallel_loop3A_1121, %parallel_loop3A_859 : i32
        %parallel_loop3A_1123 = arith.constant 5 : i32
        %parallel_loop3A_1124 = arith.addi %parallel_loop3A_1122, %parallel_loop3A_1123 : i32
        %parallel_loop3A_1125 = arith.constant 16 : i32
        %parallel_loop3A_1126 = arith.muli %parallel_loop3A_1124, %parallel_loop3A_1125 : i32
        %parallel_loop3A_1127 = arith.index_cast %parallel_loop3A_1126 : i32 to index
        %parallel_loop3A_1128 = tpu.vector_load %arg11[%parallel_loop3A_1127] {strides = array<i32>} : memref<5120xf32, #tpu.memory_space<vmem>>, vector<16xf32>,
        %parallel_loop3A_1129 = vector.shape_cast %parallel_loop3A_1128 : vector<16xf32> to vector<16xf32>
        %parallel_loop3A_1130 = arith.constant 0 : i32
        %parallel_loop3A_1131 = arith.addi %parallel_loop3A_1130, %parallel_loop3A_859 : i32
        %parallel_loop3A_1132 = arith.constant 6 : i32
        %parallel_loop3A_1133 = arith.addi %parallel_loop3A_1131, %parallel_loop3A_1132 : i32
        %parallel_loop3A_1134 = arith.constant 16 : i32
        %parallel_loop3A_1135 = arith.muli %parallel_loop3A_1133, %parallel_loop3A_1134 : i32
        %parallel_loop3A_1136 = arith.index_cast %parallel_loop3A_1135 : i32 to index
        %parallel_loop3A_1137 = tpu.vector_load %arg11[%parallel_loop3A_1136] {strides = array<i32>} : memref<5120xf32, #tpu.memory_space<vmem>>, vector<16xf32>,
        %parallel_loop3A_1138 = vector.shape_cast %parallel_loop3A_1137 : vector<16xf32> to vector<16xf32>
        %parallel_loop3A_1139 = arith.constant 64 : i32
        %parallel_loop3A_1140 = arith.addi %parallel_loop3A_1139, %parallel_loop3A_859 : i32
        %parallel_loop3A_1141 = arith.constant 6 : i32
        %parallel_loop3A_1142 = arith.addi %parallel_loop3A_1140, %parallel_loop3A_1141 : i32
        %parallel_loop3A_1143 = arith.constant 16 : i32
        %parallel_loop3A_1144 = arith.muli %parallel_loop3A_1142, %parallel_loop3A_1143 : i32
        %parallel_loop3A_1145 = arith.index_cast %parallel_loop3A_1144 : i32 to index
        %parallel_loop3A_1146 = tpu.vector_load %arg11[%parallel_loop3A_1145] {strides = array<i32>} : memref<5120xf32, #tpu.memory_space<vmem>>, vector<16xf32>,
        %parallel_loop3A_1147 = vector.shape_cast %parallel_loop3A_1146 : vector<16xf32> to vector<16xf32>
        %parallel_loop3A_1148 = arith.constant 128 : i32
        %parallel_loop3A_1149 = arith.addi %parallel_loop3A_1148, %parallel_loop3A_859 : i32
        %parallel_loop3A_1150 = arith.constant 6 : i32
        %parallel_loop3A_1151 = arith.addi %parallel_loop3A_1149, %parallel_loop3A_1150 : i32
        %parallel_loop3A_1152 = arith.constant 16 : i32
        %parallel_loop3A_1153 = arith.muli %parallel_loop3A_1151, %parallel_loop3A_1152 : i32
        %parallel_loop3A_1154 = arith.index_cast %parallel_loop3A_1153 : i32 to index
        %parallel_loop3A_1155 = tpu.vector_load %arg11[%parallel_loop3A_1154] {strides = array<i32>} : memref<5120xf32, #tpu.memory_space<vmem>>, vector<16xf32>,
        %parallel_loop3A_1156 = vector.shape_cast %parallel_loop3A_1155 : vector<16xf32> to vector<16xf32>
        %parallel_loop3A_1157 = arith.constant 192 : i32
        %parallel_loop3A_1158 = arith.addi %parallel_loop3A_1157, %parallel_loop3A_859 : i32
        %parallel_loop3A_1159 = arith.constant 6 : i32
        %parallel_loop3A_1160 = arith.addi %parallel_loop3A_1158, %parallel_loop3A_1159 : i32
        %parallel_loop3A_1161 = arith.constant 16 : i32
        %parallel_loop3A_1162 = arith.muli %parallel_loop3A_1160, %parallel_loop3A_1161 : i32
        %parallel_loop3A_1163 = arith.index_cast %parallel_loop3A_1162 : i32 to index
        %parallel_loop3A_1164 = tpu.vector_load %arg11[%parallel_loop3A_1163] {strides = array<i32>} : memref<5120xf32, #tpu.memory_space<vmem>>, vector<16xf32>,
        %parallel_loop3A_1165 = vector.shape_cast %parallel_loop3A_1164 : vector<16xf32> to vector<16xf32>
        %parallel_loop3A_1166 = arith.constant 256 : i32
        %parallel_loop3A_1167 = arith.addi %parallel_loop3A_1166, %parallel_loop3A_859 : i32
        %parallel_loop3A_1168 = arith.constant 6 : i32
        %parallel_loop3A_1169 = arith.addi %parallel_loop3A_1167, %parallel_loop3A_1168 : i32
        %parallel_loop3A_1170 = arith.constant 16 : i32
        %parallel_loop3A_1171 = arith.muli %parallel_loop3A_1169, %parallel_loop3A_1170 : i32
        %parallel_loop3A_1172 = arith.index_cast %parallel_loop3A_1171 : i32 to index
        %parallel_loop3A_1173 = tpu.vector_load %arg11[%parallel_loop3A_1172] {strides = array<i32>} : memref<5120xf32, #tpu.memory_space<vmem>>, vector<16xf32>,
        %parallel_loop3A_1174 = vector.shape_cast %parallel_loop3A_1173 : vector<16xf32> to vector<16xf32>
        %parallel_loop3A_1175 = arith.constant 0 : i32
        %parallel_loop3A_1176 = arith.addi %parallel_loop3A_1175, %parallel_loop3A_859 : i32
        %parallel_loop3A_1177 = arith.constant 7 : i32
        %parallel_loop3A_1178 = arith.addi %parallel_loop3A_1176, %parallel_loop3A_1177 : i32
        %parallel_loop3A_1179 = arith.constant 16 : i32
        %parallel_loop3A_1180 = arith.muli %parallel_loop3A_1178, %parallel_loop3A_1179 : i32
        %parallel_loop3A_1181 = arith.index_cast %parallel_loop3A_1180 : i32 to index
        %parallel_loop3A_1182 = tpu.vector_load %arg11[%parallel_loop3A_1181] {strides = array<i32>} : memref<5120xf32, #tpu.memory_space<vmem>>, vector<16xf32>,
        %parallel_loop3A_1183 = vector.shape_cast %parallel_loop3A_1182 : vector<16xf32> to vector<16xf32>
        %parallel_loop3A_1184 = arith.constant 64 : i32
        %parallel_loop3A_1185 = arith.addi %parallel_loop3A_1184, %parallel_loop3A_859 : i32
        %parallel_loop3A_1186 = arith.constant 7 : i32
        %parallel_loop3A_1187 = arith.addi %parallel_loop3A_1185, %parallel_loop3A_1186 : i32
        %parallel_loop3A_1188 = arith.constant 16 : i32
        %parallel_loop3A_1189 = arith.muli %parallel_loop3A_1187, %parallel_loop3A_1188 : i32
        %parallel_loop3A_1190 = arith.index_cast %parallel_loop3A_1189 : i32 to index
        %parallel_loop3A_1191 = tpu.vector_load %arg11[%parallel_loop3A_1190] {strides = array<i32>} : memref<5120xf32, #tpu.memory_space<vmem>>, vector<16xf32>,
        %parallel_loop3A_1192 = vector.shape_cast %parallel_loop3A_1191 : vector<16xf32> to vector<16xf32>
        %parallel_loop3A_1193 = arith.constant 128 : i32
        %parallel_loop3A_1194 = arith.addi %parallel_loop3A_1193, %parallel_loop3A_859 : i32
        %parallel_loop3A_1195 = arith.constant 7 : i32
        %parallel_loop3A_1196 = arith.addi %parallel_loop3A_1194, %parallel_loop3A_1195 : i32
        %parallel_loop3A_1197 = arith.constant 16 : i32
        %parallel_loop3A_1198 = arith.muli %parallel_loop3A_1196, %parallel_loop3A_1197 : i32
        %parallel_loop3A_1199 = arith.index_cast %parallel_loop3A_1198 : i32 to index
        %parallel_loop3A_1200 = tpu.vector_load %arg11[%parallel_loop3A_1199] {strides = array<i32>} : memref<5120xf32, #tpu.memory_space<vmem>>, vector<16xf32>,
        %parallel_loop3A_1201 = vector.shape_cast %parallel_loop3A_1200 : vector<16xf32> to vector<16xf32>
        %parallel_loop3A_1202 = arith.constant 192 : i32
        %parallel_loop3A_1203 = arith.addi %parallel_loop3A_1202, %parallel_loop3A_859 : i32
        %parallel_loop3A_1204 = arith.constant 7 : i32
        %parallel_loop3A_1205 = arith.addi %parallel_loop3A_1203, %parallel_loop3A_1204 : i32
        %parallel_loop3A_1206 = arith.constant 16 : i32
        %parallel_loop3A_1207 = arith.muli %parallel_loop3A_1205, %parallel_loop3A_1206 : i32
        %parallel_loop3A_1208 = arith.index_cast %parallel_loop3A_1207 : i32 to index
        %parallel_loop3A_1209 = tpu.vector_load %arg11[%parallel_loop3A_1208] {strides = array<i32>} : memref<5120xf32, #tpu.memory_space<vmem>>, vector<16xf32>,
        %parallel_loop3A_1210 = vector.shape_cast %parallel_loop3A_1209 : vector<16xf32> to vector<16xf32>
        %parallel_loop3A_1211 = arith.constant 256 : i32
        %parallel_loop3A_1212 = arith.addi %parallel_loop3A_1211, %parallel_loop3A_859 : i32
        %parallel_loop3A_1213 = arith.constant 7 : i32
        %parallel_loop3A_1214 = arith.addi %parallel_loop3A_1212, %parallel_loop3A_1213 : i32
        %parallel_loop3A_1215 = arith.constant 16 : i32
        %parallel_loop3A_1216 = arith.muli %parallel_loop3A_1214, %parallel_loop3A_1215 : i32
        %parallel_loop3A_1217 = arith.index_cast %parallel_loop3A_1216 : i32 to index
        %parallel_loop3A_1218 = tpu.vector_load %arg11[%parallel_loop3A_1217] {strides = array<i32>} : memref<5120xf32, #tpu.memory_space<vmem>>, vector<16xf32>,
        %parallel_loop3A_1219 = vector.shape_cast %parallel_loop3A_1218 : vector<16xf32> to vector<16xf32>
        %parallel_loop3A_1220 = arith.constant 0 : i32
        %parallel_loop3A_1221 = arith.constant 32 : i32
        %parallel_loop3A_1222 = arith.constant 1 : i32
        scf.for %parallel_loop3A_1223 = %parallel_loop3A_1220 to %parallel_loop3A_1221 step %parallel_loop3A_1222  : i32 {
          %parallel_loop3A_1224 = arith.constant 16 : i32
          %parallel_loop3A_1225 = arith.muli %parallel_loop3A_1223, %parallel_loop3A_1224 : i32
          %parallel_loop3A_1226 = arith.index_cast %parallel_loop3A_1225 : i32 to index
          %parallel_loop3A_1227 = tpu.vector_load %arg13[%parallel_loop3A_1226] {strides = array<i32>} : memref<512xi32, #tpu.memory_space<vmem>>, vector<16xi32>,
          %parallel_loop3A_1228 = vector.shape_cast %parallel_loop3A_1227 : vector<16xi32> to vector<16xi32>
          %parallel_loop3A_1229 = arith.constant 1 : i32
          %parallel_loop3A_1230 = vector.broadcast %parallel_loop3A_1229 : i32 to vector<16xi32>
          %parallel_loop3A_1231 = arith.cmpi eq, %parallel_loop3A_1228, %parallel_loop3A_1230 : vector<16xi32>
          %parallel_loop3A_1232 = arith.constant 2 : i32
          %parallel_loop3A_1233 = vector.broadcast %parallel_loop3A_1232 : i32 to vector<16xi32>
          %parallel_loop3A_1234 = arith.cmpi eq, %parallel_loop3A_1228, %parallel_loop3A_1233 : vector<16xi32>
          %parallel_loop3A_1235 = arith.constant 3 : i32
          %parallel_loop3A_1236 = vector.broadcast %parallel_loop3A_1235 : i32 to vector<16xi32>
          %parallel_loop3A_1237 = arith.cmpi eq, %parallel_loop3A_1228, %parallel_loop3A_1236 : vector<16xi32>
          %parallel_loop3A_1238 = arith.constant 4 : i32
          %parallel_loop3A_1239 = vector.broadcast %parallel_loop3A_1238 : i32 to vector<16xi32>
          %parallel_loop3A_1240 = arith.cmpi eq, %parallel_loop3A_1228, %parallel_loop3A_1239 : vector<16xi32>
          %parallel_loop3A_1241 = arith.select %parallel_loop3A_1231, %parallel_loop3A_877, %parallel_loop3A_868 : vector<16xi1>, vector<16xf32>
          %parallel_loop3A_1242 = arith.select %parallel_loop3A_1234, %parallel_loop3A_886, %parallel_loop3A_1241 : vector<16xi1>, vector<16xf32>
          %parallel_loop3A_1243 = arith.select %parallel_loop3A_1237, %parallel_loop3A_895, %parallel_loop3A_1242 : vector<16xi1>, vector<16xf32>
          %parallel_loop3A_1244 = arith.select %parallel_loop3A_1240, %parallel_loop3A_904, %parallel_loop3A_1243 : vector<16xi1>, vector<16xf32>
          %parallel_loop3A_1245 = arith.constant 0 : i32
          %parallel_loop3A_1246 = arith.addi %parallel_loop3A_859, %parallel_loop3A_1245 : i32
          %parallel_loop3A_1247 = arith.constant 16 : i32
          %parallel_loop3A_1248 = arith.muli %parallel_loop3A_1223, %parallel_loop3A_1247 : i32
          %parallel_loop3A_1249 = arith.index_cast %parallel_loop3A_1246 : i32 to index
          %parallel_loop3A_1250 = arith.index_cast %parallel_loop3A_1248 : i32 to index
          %parallel_loop3A_1251 = tpu.vector_load %arg15[%parallel_loop3A_1249, %parallel_loop3A_1250] {strides = array<i32>} : memref<64x512xf32, #tpu.memory_space<vmem>>, vector<1x16xf32>,
          %parallel_loop3A_1252 = vector.shape_cast %parallel_loop3A_1251 : vector<1x16xf32> to vector<16xf32>
          %parallel_loop3A_1253 = vector.shape_cast %parallel_loop3A_1244 : vector<16xf32> to vector<1x16xf32>
          tpu.vector_store %arg15[%parallel_loop3A_1249, %parallel_loop3A_1250], %parallel_loop3A_1253 {strides = array<i32>} : memref<64x512xf32, #tpu.memory_space<vmem>>, vector<1x16xf32>,
          %parallel_loop3A_1254 = arith.select %parallel_loop3A_1231, %parallel_loop3A_922, %parallel_loop3A_913 : vector<16xi1>, vector<16xf32>
          %parallel_loop3A_1255 = arith.select %parallel_loop3A_1234, %parallel_loop3A_931, %parallel_loop3A_1254 : vector<16xi1>, vector<16xf32>
          %parallel_loop3A_1256 = arith.select %parallel_loop3A_1237, %parallel_loop3A_940, %parallel_loop3A_1255 : vector<16xi1>, vector<16xf32>
          %parallel_loop3A_1257 = arith.select %parallel_loop3A_1240, %parallel_loop3A_949, %parallel_loop3A_1256 : vector<16xi1>, vector<16xf32>
          %parallel_loop3A_1258 = arith.constant 1 : i32
          %parallel_loop3A_1259 = arith.addi %parallel_loop3A_859, %parallel_loop3A_1258 : i32
          %parallel_loop3A_1260 = arith.constant 16 : i32
          %parallel_loop3A_1261 = arith.muli %parallel_loop3A_1223, %parallel_loop3A_1260 : i32
          %parallel_loop3A_1262 = arith.index_cast %parallel_loop3A_1259 : i32 to index
          %parallel_loop3A_1263 = arith.index_cast %parallel_loop3A_1261 : i32 to index
          %parallel_loop3A_1264 = tpu.vector_load %arg15[%parallel_loop3A_1262, %parallel_loop3A_1263] {strides = array<i32>} : memref<64x512xf32, #tpu.memory_space<vmem>>, vector<1x16xf32>,
          %parallel_loop3A_1265 = vector.shape_cast %parallel_loop3A_1264 : vector<1x16xf32> to vector<16xf32>
          %parallel_loop3A_1266 = vector.shape_cast %parallel_loop3A_1257 : vector<16xf32> to vector<1x16xf32>
          tpu.vector_store %arg15[%parallel_loop3A_1262, %parallel_loop3A_1263], %parallel_loop3A_1266 {strides = array<i32>} : memref<64x512xf32, #tpu.memory_space<vmem>>, vector<1x16xf32>,
          %parallel_loop3A_1267 = arith.select %parallel_loop3A_1231, %parallel_loop3A_967, %parallel_loop3A_958 : vector<16xi1>, vector<16xf32>
          %parallel_loop3A_1268 = arith.select %parallel_loop3A_1234, %parallel_loop3A_976, %parallel_loop3A_1267 : vector<16xi1>, vector<16xf32>
          %parallel_loop3A_1269 = arith.select %parallel_loop3A_1237, %parallel_loop3A_985, %parallel_loop3A_1268 : vector<16xi1>, vector<16xf32>
          %parallel_loop3A_1270 = arith.select %parallel_loop3A_1240, %parallel_loop3A_994, %parallel_loop3A_1269 : vector<16xi1>, vector<16xf32>
          %parallel_loop3A_1271 = arith.constant 2 : i32
          %parallel_loop3A_1272 = arith.addi %parallel_loop3A_859, %parallel_loop3A_1271 : i32
          %parallel_loop3A_1273 = arith.constant 16 : i32
          %parallel_loop3A_1274 = arith.muli %parallel_loop3A_1223, %parallel_loop3A_1273 : i32
          %parallel_loop3A_1275 = arith.index_cast %parallel_loop3A_1272 : i32 to index
          %parallel_loop3A_1276 = arith.index_cast %parallel_loop3A_1274 : i32 to index
          %parallel_loop3A_1277 = tpu.vector_load %arg15[%parallel_loop3A_1275, %parallel_loop3A_1276] {strides = array<i32>} : memref<64x512xf32, #tpu.memory_space<vmem>>, vector<1x16xf32>,
          %parallel_loop3A_1278 = vector.shape_cast %parallel_loop3A_1277 : vector<1x16xf32> to vector<16xf32>
          %parallel_loop3A_1279 = vector.shape_cast %parallel_loop3A_1270 : vector<16xf32> to vector<1x16xf32>
          tpu.vector_store %arg15[%parallel_loop3A_1275, %parallel_loop3A_1276], %parallel_loop3A_1279 {strides = array<i32>} : memref<64x512xf32, #tpu.memory_space<vmem>>, vector<1x16xf32>,
          %parallel_loop3A_1280 = arith.select %parallel_loop3A_1231, %parallel_loop3A_1012, %parallel_loop3A_1003 : vector<16xi1>, vector<16xf32>
          %parallel_loop3A_1281 = arith.select %parallel_loop3A_1234, %parallel_loop3A_1021, %parallel_loop3A_1280 : vector<16xi1>, vector<16xf32>
          %parallel_loop3A_1282 = arith.select %parallel_loop3A_1237, %parallel_loop3A_1030, %parallel_loop3A_1281 : vector<16xi1>, vector<16xf32>
          %parallel_loop3A_1283 = arith.select %parallel_loop3A_1240, %parallel_loop3A_1039, %parallel_loop3A_1282 : vector<16xi1>, vector<16xf32>
          %parallel_loop3A_1284 = arith.constant 3 : i32
          %parallel_loop3A_1285 = arith.addi %parallel_loop3A_859, %parallel_loop3A_1284 : i32
          %parallel_loop3A_1286 = arith.constant 16 : i32
          %parallel_loop3A_1287 = arith.muli %parallel_loop3A_1223, %parallel_loop3A_1286 : i32
          %parallel_loop3A_1288 = arith.index_cast %parallel_loop3A_1285 : i32 to index
          %parallel_loop3A_1289 = arith.index_cast %parallel_loop3A_1287 : i32 to index
          %parallel_loop3A_1290 = tpu.vector_load %arg15[%parallel_loop3A_1288, %parallel_loop3A_1289] {strides = array<i32>} : memref<64x512xf32, #tpu.memory_space<vmem>>, vector<1x16xf32>,
          %parallel_loop3A_1291 = vector.shape_cast %parallel_loop3A_1290 : vector<1x16xf32> to vector<16xf32>
          %parallel_loop3A_1292 = vector.shape_cast %parallel_loop3A_1283 : vector<16xf32> to vector<1x16xf32>
          tpu.vector_store %arg15[%parallel_loop3A_1288, %parallel_loop3A_1289], %parallel_loop3A_1292 {strides = array<i32>} : memref<64x512xf32, #tpu.memory_space<vmem>>, vector<1x16xf32>,
          %parallel_loop3A_1293 = arith.select %parallel_loop3A_1231, %parallel_loop3A_1057, %parallel_loop3A_1048 : vector<16xi1>, vector<16xf32>
          %parallel_loop3A_1294 = arith.select %parallel_loop3A_1234, %parallel_loop3A_1066, %parallel_loop3A_1293 : vector<16xi1>, vector<16xf32>
          %parallel_loop3A_1295 = arith.select %parallel_loop3A_1237, %parallel_loop3A_1075, %parallel_loop3A_1294 : vector<16xi1>, vector<16xf32>
          %parallel_loop3A_1296 = arith.select %parallel_loop3A_1240, %parallel_loop3A_1084, %parallel_loop3A_1295 : vector<16xi1>, vector<16xf32>
          %parallel_loop3A_1297 = arith.constant 4 : i32
          %parallel_loop3A_1298 = arith.addi %parallel_loop3A_859, %parallel_loop3A_1297 : i32
          %parallel_loop3A_1299 = arith.constant 16 : i32
          %parallel_loop3A_1300 = arith.muli %parallel_loop3A_1223, %parallel_loop3A_1299 : i32
          %parallel_loop3A_1301 = arith.index_cast %parallel_loop3A_1298 : i32 to index
          %parallel_loop3A_1302 = arith.index_cast %parallel_loop3A_1300 : i32 to index
          %parallel_loop3A_1303 = tpu.vector_load %arg15[%parallel_loop3A_1301, %parallel_loop3A_1302] {strides = array<i32>} : memref<64x512xf32, #tpu.memory_space<vmem>>, vector<1x16xf32>,
          %parallel_loop3A_1304 = vector.shape_cast %parallel_loop3A_1303 : vector<1x16xf32> to vector<16xf32>
          %parallel_loop3A_1305 = vector.shape_cast %parallel_loop3A_1296 : vector<16xf32> to vector<1x16xf32>
          tpu.vector_store %arg15[%parallel_loop3A_1301, %parallel_loop3A_1302], %parallel_loop3A_1305 {strides = array<i32>} : memref<64x512xf32, #tpu.memory_space<vmem>>, vector<1x16xf32>,
          %parallel_loop3A_1306 = arith.select %parallel_loop3A_1231, %parallel_loop3A_1102, %parallel_loop3A_1093 : vector<16xi1>, vector<16xf32>
          %parallel_loop3A_1307 = arith.select %parallel_loop3A_1234, %parallel_loop3A_1111, %parallel_loop3A_1306 : vector<16xi1>, vector<16xf32>
          %parallel_loop3A_1308 = arith.select %parallel_loop3A_1237, %parallel_loop3A_1120, %parallel_loop3A_1307 : vector<16xi1>, vector<16xf32>
          %parallel_loop3A_1309 = arith.select %parallel_loop3A_1240, %parallel_loop3A_1129, %parallel_loop3A_1308 : vector<16xi1>, vector<16xf32>
          %parallel_loop3A_1310 = arith.constant 5 : i32
          %parallel_loop3A_1311 = arith.addi %parallel_loop3A_859, %parallel_loop3A_1310 : i32
          %parallel_loop3A_1312 = arith.constant 16 : i32
          %parallel_loop3A_1313 = arith.muli %parallel_loop3A_1223, %parallel_loop3A_1312 : i32
          %parallel_loop3A_1314 = arith.index_cast %parallel_loop3A_1311 : i32 to index
          %parallel_loop3A_1315 = arith.index_cast %parallel_loop3A_1313 : i32 to index
          %parallel_loop3A_1316 = tpu.vector_load %arg15[%parallel_loop3A_1314, %parallel_loop3A_1315] {strides = array<i32>} : memref<64x512xf32, #tpu.memory_space<vmem>>, vector<1x16xf32>,
          %parallel_loop3A_1317 = vector.shape_cast %parallel_loop3A_1316 : vector<1x16xf32> to vector<16xf32>
          %parallel_loop3A_1318 = vector.shape_cast %parallel_loop3A_1309 : vector<16xf32> to vector<1x16xf32>
          tpu.vector_store %arg15[%parallel_loop3A_1314, %parallel_loop3A_1315], %parallel_loop3A_1318 {strides = array<i32>} : memref<64x512xf32, #tpu.memory_space<vmem>>, vector<1x16xf32>,
          %parallel_loop3A_1319 = arith.select %parallel_loop3A_1231, %parallel_loop3A_1147, %parallel_loop3A_1138 : vector<16xi1>, vector<16xf32>
          %parallel_loop3A_1320 = arith.select %parallel_loop3A_1234, %parallel_loop3A_1156, %parallel_loop3A_1319 : vector<16xi1>, vector<16xf32>
          %parallel_loop3A_1321 = arith.select %parallel_loop3A_1237, %parallel_loop3A_1165, %parallel_loop3A_1320 : vector<16xi1>, vector<16xf32>
          %parallel_loop3A_1322 = arith.select %parallel_loop3A_1240, %parallel_loop3A_1174, %parallel_loop3A_1321 : vector<16xi1>, vector<16xf32>
          %parallel_loop3A_1323 = arith.constant 6 : i32
          %parallel_loop3A_1324 = arith.addi %parallel_loop3A_859, %parallel_loop3A_1323 : i32
          %parallel_loop3A_1325 = arith.constant 16 : i32
          %parallel_loop3A_1326 = arith.muli %parallel_loop3A_1223, %parallel_loop3A_1325 : i32
          %parallel_loop3A_1327 = arith.index_cast %parallel_loop3A_1324 : i32 to index
          %parallel_loop3A_1328 = arith.index_cast %parallel_loop3A_1326 : i32 to index
          %parallel_loop3A_1329 = tpu.vector_load %arg15[%parallel_loop3A_1327, %parallel_loop3A_1328] {strides = array<i32>} : memref<64x512xf32, #tpu.memory_space<vmem>>, vector<1x16xf32>,
          %parallel_loop3A_1330 = vector.shape_cast %parallel_loop3A_1329 : vector<1x16xf32> to vector<16xf32>
          %parallel_loop3A_1331 = vector.shape_cast %parallel_loop3A_1322 : vector<16xf32> to vector<1x16xf32>
          tpu.vector_store %arg15[%parallel_loop3A_1327, %parallel_loop3A_1328], %parallel_loop3A_1331 {strides = array<i32>} : memref<64x512xf32, #tpu.memory_space<vmem>>, vector<1x16xf32>,
          %parallel_loop3A_1332 = arith.select %parallel_loop3A_1231, %parallel_loop3A_1192, %parallel_loop3A_1183 : vector<16xi1>, vector<16xf32>
          %parallel_loop3A_1333 = arith.select %parallel_loop3A_1234, %parallel_loop3A_1201, %parallel_loop3A_1332 : vector<16xi1>, vector<16xf32>
          %parallel_loop3A_1334 = arith.select %parallel_loop3A_1237, %parallel_loop3A_1210, %parallel_loop3A_1333 : vector<16xi1>, vector<16xf32>
          %parallel_loop3A_1335 = arith.select %parallel_loop3A_1240, %parallel_loop3A_1219, %parallel_loop3A_1334 : vector<16xi1>, vector<16xf32>
          %parallel_loop3A_1336 = arith.constant 7 : i32
          %parallel_loop3A_1337 = arith.addi %parallel_loop3A_859, %parallel_loop3A_1336 : i32
          %parallel_loop3A_1338 = arith.constant 16 : i32
          %parallel_loop3A_1339 = arith.muli %parallel_loop3A_1223, %parallel_loop3A_1338 : i32
          %parallel_loop3A_1340 = arith.index_cast %parallel_loop3A_1337 : i32 to index
          %parallel_loop3A_1341 = arith.index_cast %parallel_loop3A_1339 : i32 to index
          %parallel_loop3A_1342 = tpu.vector_load %arg15[%parallel_loop3A_1340, %parallel_loop3A_1341] {strides = array<i32>} : memref<64x512xf32, #tpu.memory_space<vmem>>, vector<1x16xf32>,
          %parallel_loop3A_1343 = vector.shape_cast %parallel_loop3A_1342 : vector<1x16xf32> to vector<16xf32>
          %parallel_loop3A_1344 = vector.shape_cast %parallel_loop3A_1335 : vector<16xf32> to vector<1x16xf32>
          tpu.vector_store %arg15[%parallel_loop3A_1340, %parallel_loop3A_1341], %parallel_loop3A_1344 {strides = array<i32>} : memref<64x512xf32, #tpu.memory_space<vmem>>, vector<1x16xf32>,
        } {sc.loop_unroll_factor = 2 : i64, sc.parallel_access}
      } {sc.loop_unroll_factor = 1 : i64, sc.parallel_access}
      %jit3A_809 = arith.constant 32 : i32
      %div3A_810 = arith.divsi %add3A_789, %jit3A_809 : i32
      %sign3A_811 = arith.constant 0 : i32
      %sign3A_812 = arith.cmpi sgt, %add3A_789, %sign3A_811 : i32
      %sign3A_813 = arith.extui %sign3A_812 : i1 to i32
      %sign3A_814 = arith.constant 0 : i32
      %sign3A_815 = arith.cmpi slt, %add3A_789, %sign3A_814 : i32
      %sign3A_816 = arith.extui %sign3A_815 : i1 to i32
      %sign3A_817 = arith.subi %sign3A_813, %sign3A_816 : i32
      %sign3A_818 = arith.constant 0 : i32
      %sign3A_819 = arith.cmpi sgt, %jit3A_809, %sign3A_818 : i32
      %sign3A_820 = arith.extui %sign3A_819 : i1 to i32
      %sign3A_821 = arith.constant 0 : i32
      %sign3A_822 = arith.cmpi slt, %jit3A_809, %sign3A_821 : i32
      %sign3A_823 = arith.extui %sign3A_822 : i1 to i32
      %sign3A_824 = arith.subi %sign3A_820, %sign3A_823 : i32
      %ne3A_825 = arith.cmpi ne, %sign3A_817, %sign3A_824 : i32
      %rem3A_826 = arith.remsi %add3A_789, %jit3A_809 : i32
      %ne3A_827 = arith.constant 0 : i32
      %ne3A_828 = arith.cmpi ne, %rem3A_826, %ne3A_827 : i32
      %and3A_829 = arith.andi %ne3A_825, %ne3A_828 : i1
      %sub3A_830 = arith.constant 1 : i32
      %sub3A_831 = arith.subi %div3A_810, %sub3A_830 : i32
      %select_n3A_832 = arith.select %and3A_829, %sub3A_831, %div3A_810 : i32
      %jit3A_833 = arith.constant 32 : i32
      %eq3A_834 = arith.constant 0 : i32
      %eq3A_835 = arith.cmpi eq, %jit3A_833, %eq3A_834 : i32
      %jit3A_836 = arith.constant 1 : i32
      %select_n3A_837 = arith.select %eq3A_835, %jit3A_836, %jit3A_833 : i32
      %rem3A_838 = arith.remsi %add3A_789, %select_n3A_837 : i32
      %ne3A_839 = arith.constant 0 : i32
      %ne3A_840 = arith.cmpi ne, %rem3A_838, %ne3A_839 : i32
      %lt3A_841 = arith.constant 0 : i32
      %lt3A_842 = arith.cmpi slt, %rem3A_838, %lt3A_841 : i32
      %lt3A_843 = arith.constant 0 : i32
      %lt3A_844 = arith.cmpi slt, %select_n3A_837, %lt3A_843 : i32
      %ne3A_845 = arith.xori %lt3A_842, %lt3A_844 : i1
      %and3A_846 = arith.andi %ne3A_845, %ne3A_840 : i1
      %add3A_847 = arith.addi %rem3A_838, %select_n3A_837 : i32
      %select_n3A_848 = arith.select %and3A_846, %add3A_847, %rem3A_838 : i32
      %mul3A_849 = arith.constant 512 : i32
      %mul3A_850 = arith.muli %select_n3A_848, %mul3A_849 : i32
      %dma_start3A_851 = arith.constant 0 : i32
      %dma_start3A_852 = tpu.memref_slice %arg5[%select_n3A_832, %dma_start3A_851, %mul3A_850] : memref<50x64x16384xf32, #tpu.memory_space<hbm>> -> memref<1x64x512xf32, #tpu.memory_space<hbm>>
      %dma_start3A_853 = tpu.memref_squeeze %dma_start3A_852 : memref<1x64x512xf32, #tpu.memory_space<hbm>> -> memref<64x512xf32, #tpu.memory_space<hbm>>
      %dma_start3A_854 = arith.constant 0 : i32
      %dma_start3A_855 = tpu.memref_slice %arg5[%select_n3A_832, %dma_start3A_854, %mul3A_850] : memref<50x64x16384xf32, #tpu.memory_space<hbm>> -> memref<1x64x512xf32, #tpu.memory_space<hbm>>
      %dma_start3A_856 = tpu.memref_squeeze %dma_start3A_855 : memref<1x64x512xf32, #tpu.memory_space<hbm>> -> memref<64x512xf32, #tpu.memory_space<hbm>>
      tpu.enqueue_dma source(%arg15 : memref<64x512xf32, #tpu.memory_space<vmem>>) target(%dma_start3A_856 : memref<64x512xf32, #tpu.memory_space<hbm>>) target_semaphore(%arg20 : memref<!tpu.dma_semaphore, #tpu.memory_space<semaphore_mem>>)
    }
    %scan3A_691 = arith.constant 25 : i32
    %dma_wait3A_692 = arith.constant 0 : i32
    %dma_wait3A_693 = arith.constant 0 : i32
    %dma_wait3A_694 = arith.constant 0 : i32
    %dma_wait3A_695 = tpu.memref_slice %arg5[%dma_wait3A_692, %dma_wait3A_693, %dma_wait3A_694] : memref<50x64x16384xf32, #tpu.memory_space<hbm>> -> memref<1x64x512xf32, #tpu.memory_space<hbm>>
    %dma_wait3A_696 = tpu.memref_squeeze %dma_wait3A_695 : memref<1x64x512xf32, #tpu.memory_space<hbm>> -> memref<64x512xf32, #tpu.memory_space<hbm>>
    %dma_wait3A_697 = arith.constant 0 : i32
    %dma_wait3A_698 = arith.constant 0 : i32
    %dma_wait3A_699 = tpu.memref_slice %arg5[%dma_wait3A_692, %dma_wait3A_697, %dma_wait3A_698] : memref<50x64x16384xf32, #tpu.memory_space<hbm>> -> memref<1x64x512xf32, #tpu.memory_space<hbm>>
    %dma_wait3A_700 = tpu.memref_squeeze %dma_wait3A_699 : memref<1x64x512xf32, #tpu.memory_space<hbm>> -> memref<64x512xf32, #tpu.memory_space<hbm>>
    tpu.wait_dma2 semaphore(%arg19 : memref<!tpu.dma_semaphore, #tpu.memory_space<semaphore_mem>>) src(%arg14 : memref<64x512xf32, #tpu.memory_space<vmem>>) dst(%dma_wait3A_700 : memref<64x512xf32, #tpu.memory_space<hbm>>)
    %dma_wait3A_701 = arith.constant 0 : i32
    %dma_wait3A_702 = arith.constant 0 : i32
    %dma_wait3A_703 = arith.constant 0 : i32
    %dma_wait3A_704 = tpu.memref_slice %arg5[%dma_wait3A_701, %dma_wait3A_702, %dma_wait3A_703] : memref<50x64x16384xf32, #tpu.memory_space<hbm>> -> memref<1x64x512xf32, #tpu.memory_space<hbm>>
    %dma_wait3A_705 = tpu.memref_squeeze %dma_wait3A_704 : memref<1x64x512xf32, #tpu.memory_space<hbm>> -> memref<64x512xf32, #tpu.memory_space<hbm>>
    %dma_wait3A_706 = arith.constant 0 : i32
    %dma_wait3A_707 = arith.constant 0 : i32
    %dma_wait3A_708 = tpu.memref_slice %arg5[%dma_wait3A_701, %dma_wait3A_706, %dma_wait3A_707] : memref<50x64x16384xf32, #tpu.memory_space<hbm>> -> memref<1x64x512xf32, #tpu.memory_space<hbm>>
    %dma_wait3A_709 = tpu.memref_squeeze %dma_wait3A_708 : memref<1x64x512xf32, #tpu.memory_space<hbm>> -> memref<64x512xf32, #tpu.memory_space<hbm>>
    tpu.wait_dma2 semaphore(%arg20 : memref<!tpu.dma_semaphore, #tpu.memory_space<semaphore_mem>>) src(%arg15 : memref<64x512xf32, #tpu.memory_space<vmem>>) dst(%dma_wait3A_709 : memref<64x512xf32, #tpu.memory_space<hbm>>)
    return
  }
}

</mosaic_0001>

<sc_bundles>
// kernel: kernel.3.cloned.1.call-start
scs
__scs_entry_jumppad:
0x0: {  	(pc) =	sbr.rel $0x88, $3  }
0x1: {  	(tag) =	ssettag $0x0;
	lr =	simm.s32 $0x1  }
0x2: {  	[smem:$0x3F9E] =	sst lr;
	_ =	strace $0xD0000000  }
0x3: {  	_ = 	snop  }
0x4: {  	_ = 	snop  }
0x5: {  	_ = 	snop  }
0x6: {  	_ = 	snop  }
0x7: {  	_ = 	snop  }
__scs_overlays_trampoline_lowered:
0x8: {  	[smem:$0x3FAD] =	sst s0  }
0x9: {  	[smem:$0x3FAE] =	sst s1  }
0xa: {  	[smem:$0x3FAF] =	sst s2  }
0xb: {  	[smem:$0x3FB0] =	sst s3  }
0xc: {  	[smem:$0x3FB1] =	sst s4  }
0xd: {  	[smem:$0x3FB2] =	sst s5  }
0xe: {  	[smem:$0x3FB3] =	sst s6  }
0xf: {  	[smem:$0x3FB4] =	sst s7  }
0x10: {  	[smem:$0x3FB5] =	sst s8  }
0x11: {  	[smem:$0x3FB6] =	sst s9;
	s0 =	simm.s32 @!p0 $0x0  }
0x12: {  	s1 =	sld [smem:$0x3F9C];
	s0 =	simm.s32 @p0 $0x1  }
0x13: {  	[smem:$0x3FB7] =	sst s0;
	s0 =	simm.s32 @!p1 $0x0  }
0x14: {  	s2 =	sld [smem:$0x3F9B];
	s0 =	simm.s32 @p1 $0x1  }
0x15: {  	[smem:$0x3FB8] =	sst s0;
	s0 =	simm.s32 @!p2 $0x0  }
0x16: {  	s3 =	sld [smem:$0x3FDB];
	s0 =	simm.s32 @p2 $0x1  }
0x17: {  	s4 =	simm.s32 $0x1BF5;
	[smem:$0x3FBA] =	sst s0  }
0x18: {  	s0 =	sld [smem:$0x3F9D];
	_ =	swait.ge [sflag:s4], $0x0  }
0x19: {  	s7 =	sld [smem:$0x3F9E]  }
0x1a: {  	s8 =	sadd.s32 $0xFFFFE003, lr  }
0x1b: {  	s9 =	sadd.s32 $0xFFFFFEF7, lr;
	s5 =	simm.s32 $0xFFFFFFFF;
	p2 =	slt.u32 s8, $0xFFFFF086  }
0x1c: {  	p1 =	slt.u32 s9, $0xF7A;
	s5 =	simm.s32 @!p2 $0x0  }
0x1d: {  	s5 =	simm.s32 @p1 $0x1;
	p0 =	seq.s32 s7, s2  }
0x1e: {  	s7 =	smul.u32 @!p0 $0xF7A, s2;
	p2 =	seq.s32 @!p0 s5, $0x0  }
0x1f: {  	s9 =	smul.u32 $0xF7A, s1;
	s8 =	simm.s32 @!p0 $0x1BF5;
	p2 =	por !p2, p0  }
0x20: {  	[sflag:s8] =	ssyncset.s32 @!p0 $0xFFFFF086;
	s6 =	sadd.s32 @!p0 s3, s7;
	s7 =	simm.s32 @!p0 $0x108  }
0x21: {  	s3 =	sadd.s32 s3, s9;
	s6 =	sadd.s32 @!p0 $0x88, s6;
	s7 =	simm.s32 @p2 $0x1082  }
0x22: {  	[simem:s7], [sflag:s8] =	dma.local @!p0 [hbm:s6], $0xF7A  }
0x23: {  	s9 =	sor.u32 $0xD0000000, s2;
	s6 =	simm.s32 $0x108;
	_ =	swait.ge @!p0 [sflag:s8], $0x0  }
0x24: {  	s3 =	sadd.s32 $0x88, s3;
	s6 =	simm.s32 @!p1 $0x1082;
	[sflag:s4] =	ssyncset.s32 $0xFFFFF086  }
0x25: {  	[simem:s6], [sflag:s4] =	dma.local [hbm:s3], $0xF7A  }
0x26: {  	[smem:$0x3F9E] =	sst s1;
	(tag) =	ssettag s2;
	_ =	strace s9  }
0x27: {  	s1 =	sld [smem:$0x3FAE]  }
0x28: {  	s2 =	sld [smem:$0x3FAF]  }
0x29: {  	s4 =	sld [smem:$0x3FB1]  }
0x2a: {  	p0 =	seq.s32 s5, $0x0;
	s5 =	sld [smem:$0x3FB2]  }
0x2b: {  	s6 =	sld [smem:$0x3FB3]  }
0x2c: {  	s7 =	sld [smem:$0x3FB4]  }
0x2d: {  	s3 =	simm.s32 $0x108;
	s8 =	sld [smem:$0x3FB5]  }
0x2e: {  	s3 =	simm.s32 @!p0 $0x1082;
	s9 =	sld [smem:$0x3FB6]  }
0x2f: {  	lr =	sadd.s32 s0, s3;
	s0 =	sld [smem:$0x3FAD]  }
0x30: {  	s3 =	sld [smem:$0x3FB0]  }
0x31: {  	[smem:$0x3FB9] =	sst s10  }
0x32: {  	s10 =	sld [smem:$0x3FB7];
	_ =	sdelay $0x3  }
0x33: {  	p0 =	seq.s32 s10, $0x1;
	s10 =	sld [smem:$0x3FB9];
	_ =	sdelay $0x3  }
0x34: {  	[smem:$0x3FB9] =	sst s10  }
0x35: {  	s10 =	sld [smem:$0x3FB8];
	_ =	sdelay $0x3  }
0x36: {  	p1 =	seq.s32 s10, $0x1;
	s10 =	sld [smem:$0x3FB9];
	_ =	sdelay $0x3  }
0x37: {  	[smem:$0x3FB9] =	sst s10  }
0x38: {  	s10 =	sld [smem:$0x3FBA]  }
0x39: {  	_ = 	snop;
	(pc) =	sbr.ind lr, $3  }
0x3a: {  	_ = 	snop  }
0x3b: {  	_ = 	snop  }
0x3c: {  	p2 =	seq.s32 s10, $0x1;
	s10 =	sld [smem:$0x3FB9]  }
0x3d: {  	_ =	shalt  }
0x3e: {  	_ =	shalt  }
0x3f: {  	_ =	shalt  }
0x40: {  	_ =	shalt  }
0x41: {  	_ =	shalt  }
0x42: {  	_ =	shalt  }
0x43: {  	_ =	shalt  }
0x44: {  	_ =	shalt  }
0x45: {  	_ =	shalt  }
0x46: {  	_ =	shalt  }
0x47: {  	_ =	shalt  }
0x48: {  	_ =	shalt  }
0x49: {  	_ =	shalt  }
0x4a: {  	_ =	shalt  }
0x4b: {  	_ =	shalt  }
0x4c: {  	_ =	shalt  }
0x4d: {  	_ =	shalt  }
0x4e: {  	_ =	shalt  }
0x4f: {  	_ =	shalt  }
0x50: {  	_ =	shalt  }
0x51: {  	_ =	shalt  }
0x52: {  	_ =	shalt  }
0x53: {  	_ =	shalt  }
0x54: {  	_ =	shalt  }
0x55: {  	_ =	shalt  }
0x56: {  	_ =	shalt  }
0x57: {  	_ =	shalt  }
0x58: {  	_ =	shalt  }
0x59: {  	_ =	shalt  }
0x5a: {  	_ =	shalt  }
0x5b: {  	_ =	shalt  }
0x5c: {  	_ =	shalt  }
0x5d: {  	_ =	shalt  }
0x5e: {  	_ =	shalt  }
0x5f: {  	_ =	shalt  }
0x60: {  	_ =	shalt  }
0x61: {  	_ =	shalt  }
0x62: {  	_ =	shalt  }
0x63: {  	_ =	shalt  }
0x64: {  	_ =	shalt  }
0x65: {  	_ =	shalt  }
0x66: {  	_ =	shalt  }
0x67: {  	_ =	shalt  }
0x68: {  	_ =	shalt  }
0x69: {  	_ =	shalt  }
0x6a: {  	_ =	shalt  }
0x6b: {  	_ =	shalt  }
0x6c: {  	_ =	shalt  }
0x6d: {  	_ =	shalt  }
0x6e: {  	_ =	shalt  }
0x6f: {  	_ =	shalt  }
0x70: {  	_ =	shalt  }
0x71: {  	_ =	shalt  }
0x72: {  	_ =	shalt  }
0x73: {  	_ =	shalt  }
0x74: {  	_ =	shalt  }
0x75: {  	_ =	shalt  }
0x76: {  	_ =	shalt  }
0x77: {  	_ =	shalt  }
0x78: {  	_ =	shalt  }
0x79: {  	_ =	shalt  }
0x7a: {  	_ =	shalt  }
0x7b: {  	_ =	shalt  }
0x7c: {  	_ =	shalt  }
0x7d: {  	_ =	shalt  }
0x7e: {  	_ =	shalt  }
0x7f: {  	_ =	shalt  }
0x80: {  	_ =	shalt  }
0x81: {  	_ =	shalt  }
0x82: {  	_ =	shalt  }
0x83: {  	_ =	shalt  }
0x84: {  	_ =	shalt  }
0x85: {  	_ =	shalt  }
0x86: {  	_ =	shalt  }
0x87: {  	_ =	shalt  }
.Lfunc_end0:
.L_simem_size_0:
called_computation_lowered:
.L_overlay_start_0:
0x88: {  	s2 =	sld [smem:$0x3FD9]  }
0x89: {  	s3 =	sld [smem:$0x3FFE];
	_ =	sdelay $0x1  }
0x8a: {  	s1 =	srdreg.scid  }
0x8b: {  	s0 =	sand.u32 $0x1, s1  }
0x8c: {  	s17 =	sshll.u32 s0, $0xA;
	s2 =	sadd.s32 s3, s2  }
0x8d: {  	s2 =	sadd.s32 s2, s17  }
0x8e: {  	[smem:$0x3FC5] =	sst s2  }
0x8f: {  	_ = 	snop  }
0x90: {  	s2 =	sld [smem:$0x3FC8]  }
0x91: {  	s18 =	sld [smem:$0x3FC7]  }
0x92: {  	s4 =	sld [smem:$0x3FD0];
	(tm) =	ssettm $0x1  }
0x93: {  	s5 =	sld [smem:$0x3FFB];
	_ =	sdelay $0x3  }
0x94: {  	_ =	strace s5  }
0x95: {  	s5 =	sld [smem:$0x3FFC];
	_ =	sdelay $0x3  }
0x96: {  	_ =	strace s5  }
0x97: {  	s5 =	sld [smem:$0x3FFD];
	_ =	sdelay $0x3  }
0x98: {  	_ =	strace s5  }
0x99: {  	_ =	strace $0x8FFFFFFF  }
0x9a: {  	s19 =	sld [smem:$0x3FDB];
	_ =	sdelay $0x1  }
0x9b: {  	s6 =	simm.s32 $_scs_section_size  }
0x9c: {  	s7 =	simm.s32 $_size__tile_overlayer_lowered;
	s8 =	simm.s32 $_tile_overlayer_lowered  }
0x9d: {  	s22 =	simm.s32 $0x1BFF;
	s21 =	sshll.u32 s8, $0x1;
	s5 =	sadd.s32 s6, s19  }
0x9e: {  	s9 =	simm.s32 $0x0;
	s20 =	sshll.u32 s7, $0x1;
	s7 =	sadd.s32 s21, s5  }
0x9f: {  	[timem:s9], [sflag:s22] =	dma.local [hbm:s7], s20  }
0xa0: {  	_ =	swait.ge [sflag:s22], s20  }
0xa1: {  	s6 =	ssub.s32 $0x0, s20;
	[sflag:s22] =	ssyncset.done $0x0  }
0xa2: {  	[sflag:s22] =	ssyncadd.s32 s6;
	_ =	sdelay $0x1  }
0xa3: {  	s23 =	simm.s32 $0x1B8B  }
0xa4: {  	_ =	swait.ge [sflag:s23], $0x1  }
0xa5: {  	[sflag:s23] =	ssyncset.done $0x0  }
0xa6: {  	s25 =	simm.s32 $0x1B8E;
	s24 =	sld [smem:$0x3FFE];
	[sflag:s23] =	ssyncadd.s32 $0xFFFFFFFF  }
0xa7: {  	s26 =	simm.s32 $execute0_lowered;
	[smem:$0x3FD2] =	sst s25  }
0xa8: {  	s7 =	sshll.u32 s26, $0x1;
	_ =	strace $0x80000046;
	[dreg:$0x1] =	wrdreg $0xFFFFFFFF  }
0xa9: {  	s28 =	simm.s32 $_size_execute0_lowered;
	s5 =	sadd.s32 s5, s7;
	[dreg:$0x0] =	wrdreg $0x0  }
0xaa: {  	s7 =	sshll.u32 s28, $0x1;
	[dreg:$0x2] =	wrdreg s5  }
0xab: {  	[dreg:$0x3] =	wrdreg s7  }
0xac: {  	[dreg:$0x4] =	wrdreg $0xC0  }
0xad: {  	_ =	task [dreg:s9], $0x5FFFF  }
0xae: {  	[dreg:$0x1] =	wrdreg $0xFFFFFFFF  }
0xaf: {  	[dreg:$0x0] =	wrdreg $0x60  }
0xb0: {  	[dreg:$0x2] =	wrdreg s2  }
0xb1: {  	[dreg:$0x3] =	wrdreg s18  }
0xb2: {  	[dreg:$0x4] =	wrdreg s24  }
0xb3: {  	[dreg:$0x5] =	wrdreg s4  }
0xb4: {  	[dreg:$0x6] =	wrdreg $0x6000  }
0xb5: {  	[dreg:$0x7] =	wrdreg $0x9  }
0xb6: {  	_ =	task.clear_ibuf [dreg:s9], $0x8FFFF;
	_ =	strace $0x90000046  }
0xb7: {  	s29 =	simm.s32 $0x9;
	_ =	strace $0x80000048  }
0xb8: {  	_ =	swait.ge [sflag:s29], $0x1  }
0xb9: {  	[sflag:s29] =	ssyncadd.s32 $0xFFFFFFFF  }
0xba: {  	_ =	strace $0x90000048  }
0xbb: {  	_ =	sfence  }
0xbc: {  	s30 =	sld [smem:$0x0];
	_ =	sdelay $0x2  }
0xbd: {  	s31 =	sshll.u32 s1, $0xD;
	s1 =	sshrl.u32 s1, $0x2  }
0xbe: {  	s3 =	sand.u32 $0x4000, s31;
	s1 =	sadd.s32 s1, s30  }
0xbf: {  	s0 =	sor.u32 s3, s0;
	s1 =	sshll.u32 s1, $0x11  }
0xc0: {  	s0 =	sor.u32 s1, s0  }
0xc1: {  	s0 =	sadd.s32 $0x8F2B, s0  }
0xc2: {  	[sflag:s0] =	ssyncadd.remote.s32 $0x1  }
0xc3: {  	_ =	sfence.sel $0xFFFF  }
0xc4: {  	[dreg:$0x0] =	wrdreg $0xFFFFFFFF;
	(pc) =	sbr.abs _section_cstart, $3  }
0xc5: {  	[dreg:$0x1] =	wrdreg $0xFFFFFFFF  }
0xc6: {  	_ =	task.clear_ibuf [dreg:s9], $0x2FFFF;
	_ =	strace $0x9FFFFFFF  }
0xc7: {  	(tm) =	ssettm $0x7FFFFFFF  }
tec
execute0_lowered:
.L_overlay_start_1:
0x0: {  	(tag) =	ssettag $0x1  }
0x1: {  	s0 =	srdreg.scid;
	s7 =	rddreg [dreg:$0x2]  }
0x2: {  	s1 =	stileid.u32;
	s3 =	rddreg [dreg:$0x3]  }
0x3: {  	s4 =	rddreg [dreg:$0x4];
	s10 =	simm.s32 $0x6;
	s14 =	simm.s32 $0x80  }
0x4: {  	s30 =	simm.s32 $0x1;
	s0 =	sand.u32 $0x1, s0;
	s2 =	sshll.u32 s1, $0x1  }
0x5: {  	s31 =	simm.s32 $0x3018;
	s11 =	simm.s32 $0x3218;
	s2 =	sor.u32 s0, s2  }
0x6: {  	s12 =	simm.s32 $0x3;
	s13 =	simm.s32 $0xB218;
	s5 =	smul.u32 $0x6400, s2  }
0x7: {  	s16 =	simm.s32 $0x5;
	s17 =	simm.s32 $0x0;
	s6 =	smul.u32 $0x2400, s2  }
0x8: {  	p0 =	sne.s32 s1, $0x0;
	s1 =	simm.s32 $0x20000;
	s0 =	ssub.s32 $0x2, s0  }
0x9: {  	s28 =	sshrl.u32 s0, $0x1;
	s8 =	sand.u32 $0xFC000, s5;
	s6 =	sand.u32 $0x3C00, s6  }
0xa: {  	s0 =	ssub.s32 s0, s28;
	s5 =	simm.s32 $0x0;
	s6 =	sor.u32 s6, s8  }
0xb: {  	s0 =	smax.u32 s0, $0x1;
	[smem:$0x7FF] =	sst s5;
	s6 =	sshrl.u32 s6, $0x3  }
0xc: {  	s8 =	sadd.s32 $0x440, s7;
	_ =	strace $0x80000047;
	s26 =	sadd.s32 s6, s7  }
0xd: {  	[dreg:$0x7] =	wrdreg s0;
	s0 =	simm.s32 $0x1000;
	s29 =	sadd.s32 $0x400, s26  }
0xe: {  	s6 =	smul.u32 $0x32, s2;
	s2 =	simm.s32 $0x2;
	[dreg:$0x6] =	wrdreg s29  }
.LBB2_1:
.Ltmp0:
0xf: {  	(pc) =	sbr.rel @p0 .LBB2_3-.Ltmp0, $1  }
0x10: {  	_ =	sdelay $0x3  }
0x11: {  	s7 =	rddreg [dreg:$0x0]  }
0x12: {  	[tilespmem:s5], [sflag:$0x6] =	stream.linear.gather [hbm4b:s7+s5], $0x280, $0x38;
	[tilespmem:$0x13218] =	vst v63  }
0x13: {  	_ =	swait.ge [sflag:s10], $0x280  }
0x14: {  	[sflag:s10] =	ssyncset.done $0x0  }
0x15: {  	[sflag:s10] =	ssyncadd.s32 $0xFFFFFD80  }
0x16: {  	s9 =	simm.s32 $0x400;
	s28 =	rddreg [dreg:$0x1]  }
0x17: {  	[tilespmem:s9], [sflag:$0x6] =	stream.linear.gather [hbm4b:s28+s5], $0x80, $0x38;
	[tilespmem:$0x13218] =	vst v63  }
0x18: {  	_ =	swait.ge [sflag:s10], $0x80  }
0x19: {  	[sflag:s10] =	ssyncset.done $0x0  }
0x1a: {  	[sflag:s10] =	ssyncadd.s32 $0xFFFFFF80  }
0x1b: {  	v0 =	vld [tilespmem:$0x0]  }
0x1c: {  	v1 =	vld [tilespmem:$0x400]  }
0x1d: {  	v2 =	vld [tilespmem:$0x10]  }
0x1e: {  	v3 =	vld [tilespmem:$0x410]  }
0x1f: {  	v4 =	vld [tilespmem:$0x20]  }
0x20: {  	v5 =	vld [tilespmem:$0x420]  }
0x21: {  	v6 =	vld [tilespmem:$0x30]  }
0x22: {  	v7 =	vld [tilespmem:$0x430]  }
0x23: {  	v8 =	vld [tilespmem:$0x80]  }
0x24: {  	v9 =	vld [tilespmem:$0x400]  }
0x25: {  	v10 =	vld [tilespmem:$0x90]  }
0x26: {  	v11 =	vld [tilespmem:$0x410]  }
0x27: {  	v12 =	vld [tilespmem:$0xA0]  }
0x28: {  	v13 =	vld [tilespmem:$0x420]  }
0x29: {  	v14 =	vld [tilespmem:$0xB0]  }
0x2a: {  	v15 =	vld [tilespmem:$0x430]  }
0x2b: {  	v16 =	vld [tilespmem:$0x100]  }
0x2c: {  	v17 =	vld [tilespmem:$0x400]  }
0x2d: {  	v18 =	vld [tilespmem:$0x110]  }
0x2e: {  	v19 =	vld [tilespmem:$0x410]  }
0x2f: {  	v20 =	vld [tilespmem:$0x120]  }
0x30: {  	v21 =	vld [tilespmem:$0x420]  }
0x31: {  	v22 =	vld [tilespmem:$0x130]  }
0x32: {  	v23 =	vld [tilespmem:$0x430]  }
0x33: {  	v24 =	vld [tilespmem:$0x180]  }
0x34: {  	v31 =	vld [tilespmem:$0x400];
	v0 =	vadd.f32 v1, v0  }
0x35: {  	v32 =	vld [tilespmem:$0x190];
	v2 =	vadd.f32 v3, v2  }
0x36: {  	v34 =	vld [tilespmem:$0x410];
	v33 =	vadd.f32 v5, v4;
	[tilespmem:$0x480] =	vst v0  }
0x37: {  	v36 =	vld [tilespmem:$0x1A0];
	v35 =	vadd.f32 v7, v6;
	[tilespmem:$0x490] =	vst v2  }
0x38: {  	v38 =	vld [tilespmem:$0x420];
	v37 =	vadd.f32 v9, v8;
	[tilespmem:$0x4A0] =	vst v33  }
0x39: {  	v40 =	vld [tilespmem:$0x1B0];
	v39 =	vadd.f32 v11, v10;
	[tilespmem:$0x4B0] =	vst v35  }
0x3a: {  	v42 =	vld [tilespmem:$0x430];
	v41 =	vadd.f32 v13, v12;
	[tilespmem:$0x4C0] =	vst v37  }
0x3b: {  	v44 =	vld [tilespmem:$0x200];
	v43 =	vadd.f32 v15, v14;
	[tilespmem:$0x4D0] =	vst v39  }
0x3c: {  	v46 =	vld [tilespmem:$0x400];
	v45 =	vadd.f32 v17, v16;
	[tilespmem:$0x4E0] =	vst v41  }
0x3d: {  	v48 =	vld [tilespmem:$0x210];
	v47 =	vadd.f32 v19, v18;
	[tilespmem:$0x4F0] =	vst v43  }
0x3e: {  	v50 =	vld [tilespmem:$0x410];
	v49 =	vadd.f32 v21, v20;
	[tilespmem:$0x500] =	vst v45  }
0x3f: {  	v52 =	vld [tilespmem:$0x220];
	v51 =	vadd.f32 v23, v22;
	[tilespmem:$0x510] =	vst v47  }
0x40: {  	v54 =	vld [tilespmem:$0x420];
	v53 =	vadd.f32 v31, v24;
	[tilespmem:$0x520] =	vst v49  }
0x41: {  	v56 =	vld [tilespmem:$0x230];
	v55 =	vadd.f32 v34, v32;
	[tilespmem:$0x530] =	vst v51  }
0x42: {  	v58 =	vld [tilespmem:$0x430];
	v57 =	vadd.f32 v38, v36;
	[tilespmem:$0x540] =	vst v53  }
0x43: {  	v59 =	vadd.f32 v42, v40;
	[tilespmem:$0x550] =	vst v55  }
0x44: {  	v60 =	vadd.f32 v46, v44;
	[tilespmem:$0x560] =	vst v57  }
0x45: {  	v61 =	vadd.f32 v50, v48;
	[tilespmem:$0x570] =	vst v59  }
0x46: {  	v62 =	vadd.f32 v54, v52;
	[tilespmem:$0x580] =	vst v60  }
0x47: {  	v63 =	vadd.f32 v58, v56;
	[tilespmem:$0x590] =	vst v61  }
0x48: {  	[tilespmem:$0x5A0] =	vst v62  }
0x49: {  	s29 =	simm.s32 $0x480;
	[tilespmem:$0x5B0] =	vst v63  }
0x4a: {  	[spmem:s4] =	stream.linear.scatter [tilespmem:s29], [sflag:$0x6], $0x180, $0x38;
	[tilespmem:$0x13218] =	vst v63  }
0x4b: {  	_ =	swait.ge [sflag:s10], $0x180  }
0x4c: {  	[sflag:s10] =	ssyncset.done $0x0  }
0x4d: {  	[sflag:s10] =	ssyncadd.s32 $0xFFFFFE80  }
.LBB2_3:
0x4e: {  	s7 =	simm.s32 $0x0;
	s9 =	rddreg [dreg:$0x6];
	s15 =	simm.s32 $0x2E18  }
0x4f: {  	[tilespmem:s15], [sflag:$0x2] =	stream.linear.gather [hbm4b:s9+s7], $0x200, $0x38;
	[tilespmem:$0x13218] =	vst v63  }
0x50: {  	s29 =	sand.u32 $0x7E00, s7  }
0x51: {  	s18 =	sand.u32 $0x70, s7;
	s19 =	sshrl.u32 s29, $0x2  }
0x52: {  	s9 =	simm.s32 $0x1;
	v0 =	vmov s7;
	s19 =	sor.u32 s18, s19;
	s18 =	simm.s32 $0x0  }
.LBB2_4:
0x53: {  	p1 =	sne.s32 s9, $0x13F;
	[tilespmem:s19+$0x618] =	vst v0;
	s7 =	sadd.s32 $0x10, s7;
	s18 =	sadd.s32 $0x40, s18  }
.Ltmp1:
0x54: {  	s19 =	smov.u32 s9;
	s9 =	sadd.s32 $0x1, s9;
	(pc) =	sbr.rel @p1 .LBB2_4-.Ltmp1, $4  }
0x55: {  	_ = 	snop  }
0x56: {  	s20 =	sand.u32 $0x7E00, s18  }
0x57: {  	s21 =	sand.u32 $0x70, s7;
	s20 =	sshrl.u32 s20, $0x2  }
0x58: {  	v0 =	vmov s19;
	s19 =	sor.u32 s21, s20  }
0x59: {  	[tilespmem:s19+$0x618] =	vst v0  }
0x5a: {  	s7 =	simm.s32 $0x618;
	s9 =	simm.s32 $0x1A18;
	[bflag:$0x0] =	sbarrier.arrive $0xFFFF  }
0x5b: {  	[tilespmem:s9], [sflag:$0x1] =	stream.indirect.gather [spmem:s4], $0x1, s7, s14, $0xb8;
	[tilespmem:$0x13218] =	vst v63  }
0x5c: {  	s23 =	simm.s32 $0x698;
	s24 =	simm.s32 $0x1A98  }
0x5d: {  	[tilespmem:s24], [sflag:$0x1] =	stream.indirect.gather [spmem:s4], $0x1, s23, s14, $0xb8;
	[tilespmem:$0x13218] =	vst v63  }
0x5e: {  	s25 =	simm.s32 $0x718;
	s26 =	simm.s32 $0x1B18  }
0x5f: {  	[tilespmem:s26], [sflag:$0x1] =	stream.indirect.gather [spmem:s4], $0x1, s25, s14, $0xb8;
	[tilespmem:$0x13218] =	vst v63  }
0x60: {  	s28 =	simm.s32 $0x798;
	s29 =	simm.s32 $0x1B98  }
0x61: {  	[tilespmem:s29], [sflag:$0x1] =	stream.indirect.gather [spmem:s4], $0x1, s28, s14, $0xb8;
	[tilespmem:$0x13218] =	vst v63  }
0x62: {  	s15 =	simm.s32 $0x818;
	s18 =	simm.s32 $0x1C18  }
0x63: {  	[tilespmem:s18], [sflag:$0x1] =	stream.indirect.gather [spmem:s4], $0x1, s15, s14, $0xb8;
	[tilespmem:$0x13218] =	vst v63  }
0x64: {  	s19 =	simm.s32 $0x898;
	s20 =	simm.s32 $0x1C98  }
0x65: {  	[tilespmem:s20], [sflag:$0x1] =	stream.indirect.gather [spmem:s4], $0x1, s19, s14, $0xb8;
	[tilespmem:$0x13218] =	vst v63  }
0x66: {  	s21 =	simm.s32 $0x918;
	s22 =	simm.s32 $0x1D18  }
0x67: {  	[tilespmem:s22], [sflag:$0x1] =	stream.indirect.gather [spmem:s4], $0x1, s21, s14, $0xb8;
	[tilespmem:$0x13218] =	vst v63  }
0x68: {  	s23 =	simm.s32 $0x998;
	s24 =	simm.s32 $0x1D98  }
0x69: {  	[tilespmem:s24], [sflag:$0x1] =	stream.indirect.gather [spmem:s4], $0x1, s23, s14, $0xb8;
	[tilespmem:$0x13218] =	vst v63  }
0x6a: {  	s25 =	simm.s32 $0xA18;
	s26 =	simm.s32 $0x1E18  }
0x6b: {  	[tilespmem:s26], [sflag:$0x1] =	stream.indirect.gather [spmem:s4], $0x1, s25, s14, $0xb8;
	[tilespmem:$0x13218] =	vst v63  }
0x6c: {  	s28 =	simm.s32 $0xA98;
	s29 =	simm.s32 $0x1E98  }
0x6d: {  	[tilespmem:s29], [sflag:$0x1] =	stream.indirect.gather [spmem:s4], $0x1, s28, s14, $0xb8;
	[tilespmem:$0x13218] =	vst v63  }
0x6e: {  	s15 =	simm.s32 $0xB18;
	s18 =	simm.s32 $0x1F18  }
0x6f: {  	[tilespmem:s18], [sflag:$0x1] =	stream.indirect.gather [spmem:s4], $0x1, s15, s14, $0xb8;
	[tilespmem:$0x13218] =	vst v63  }
0x70: {  	s19 =	simm.s32 $0xB98;
	s20 =	simm.s32 $0x1F98  }
0x71: {  	[tilespmem:s20], [sflag:$0x1] =	stream.indirect.gather [spmem:s4], $0x1, s19, s14, $0xb8;
	[tilespmem:$0x13218] =	vst v63  }
0x72: {  	s21 =	simm.s32 $0xC18;
	s22 =	simm.s32 $0x2018  }
0x73: {  	[tilespmem:s22], [sflag:$0x1] =	stream.indirect.gather [spmem:s4], $0x1, s21, s14, $0xb8;
	[tilespmem:$0x13218] =	vst v63  }
0x74: {  	s23 =	simm.s32 $0xC98;
	s24 =	simm.s32 $0x2098  }
0x75: {  	[tilespmem:s24], [sflag:$0x1] =	stream.indirect.gather [spmem:s4], $0x1, s23, s14, $0xb8;
	[tilespmem:$0x13218] =	vst v63  }
0x76: {  	s25 =	simm.s32 $0xD18;
	s26 =	simm.s32 $0x2118  }
0x77: {  	[tilespmem:s26], [sflag:$0x1] =	stream.indirect.gather [spmem:s4], $0x1, s25, s14, $0xb8;
	[tilespmem:$0x13218] =	vst v63  }
0x78: {  	s28 =	simm.s32 $0xD98;
	s29 =	simm.s32 $0x2198  }
0x79: {  	[tilespmem:s29], [sflag:$0x1] =	stream.indirect.gather [spmem:s4], $0x1, s28, s14, $0xb8;
	[tilespmem:$0x13218] =	vst v63  }
0x7a: {  	s15 =	simm.s32 $0xE18;
	s18 =	simm.s32 $0x2218  }
0x7b: {  	[tilespmem:s18], [sflag:$0x1] =	stream.indirect.gather [spmem:s4], $0x1, s15, s14, $0xb8;
	[tilespmem:$0x13218] =	vst v63  }
0x7c: {  	s19 =	simm.s32 $0xE98;
	s20 =	simm.s32 $0x2298  }
0x7d: {  	[tilespmem:s20], [sflag:$0x1] =	stream.indirect.gather [spmem:s4], $0x1, s19, s14, $0xb8;
	[tilespmem:$0x13218] =	vst v63  }
0x7e: {  	s21 =	simm.s32 $0xF18;
	s22 =	simm.s32 $0x2318  }
0x7f: {  	[tilespmem:s22], [sflag:$0x1] =	stream.indirect.gather [spmem:s4], $0x1, s21, s14, $0xb8;
	[tilespmem:$0x13218] =	vst v63  }
0x80: {  	s23 =	simm.s32 $0xF98;
	s24 =	simm.s32 $0x2398  }
0x81: {  	[tilespmem:s24], [sflag:$0x1] =	stream.indirect.gather [spmem:s4], $0x1, s23, s14, $0xb8;
	[tilespmem:$0x13218] =	vst v63  }
0x82: {  	s25 =	simm.s32 $0x1018;
	s26 =	simm.s32 $0x2418  }
0x83: {  	[tilespmem:s26], [sflag:$0x1] =	stream.indirect.gather [spmem:s4], $0x1, s25, s14, $0xb8;
	[tilespmem:$0x13218] =	vst v63  }
0x84: {  	s28 =	simm.s32 $0x1098;
	s29 =	simm.s32 $0x2498  }
0x85: {  	[tilespmem:s29], [sflag:$0x1] =	stream.indirect.gather [spmem:s4], $0x1, s28, s14, $0xb8;
	[tilespmem:$0x13218] =	vst v63  }
0x86: {  	s15 =	simm.s32 $0x1118;
	s18 =	simm.s32 $0x2518  }
0x87: {  	[tilespmem:s18], [sflag:$0x1] =	stream.indirect.gather [spmem:s4], $0x1, s15, s14, $0xb8;
	[tilespmem:$0x13218] =	vst v63  }
0x88: {  	s19 =	simm.s32 $0x1198;
	s20 =	simm.s32 $0x2598  }
0x89: {  	[tilespmem:s20], [sflag:$0x1] =	stream.indirect.gather [spmem:s4], $0x1, s19, s14, $0xb8;
	[tilespmem:$0x13218] =	vst v63  }
0x8a: {  	s21 =	simm.s32 $0x1218;
	s22 =	simm.s32 $0x2618  }
0x8b: {  	[tilespmem:s22], [sflag:$0x1] =	stream.indirect.gather [spmem:s4], $0x1, s21, s14, $0xb8;
	[tilespmem:$0x13218] =	vst v63  }
0x8c: {  	s23 =	simm.s32 $0x1298;
	s24 =	simm.s32 $0x2698  }
0x8d: {  	[tilespmem:s24], [sflag:$0x1] =	stream.indirect.gather [spmem:s4], $0x1, s23, s14, $0xb8;
	[tilespmem:$0x13218] =	vst v63  }
0x8e: {  	s25 =	simm.s32 $0x1318;
	s26 =	simm.s32 $0x2718  }
0x8f: {  	[tilespmem:s26], [sflag:$0x1] =	stream.indirect.gather [spmem:s4], $0x1, s25, s14, $0xb8;
	[tilespmem:$0x13218] =	vst v63  }
0x90: {  	s28 =	simm.s32 $0x1398;
	s29 =	simm.s32 $0x2798  }
0x91: {  	[tilespmem:s29], [sflag:$0x1] =	stream.indirect.gather [spmem:s4], $0x1, s28, s14, $0xb8;
	[tilespmem:$0x13218] =	vst v63  }
0x92: {  	s15 =	simm.s32 $0x1418;
	s18 =	simm.s32 $0x2818  }
0x93: {  	[tilespmem:s18], [sflag:$0x1] =	stream.indirect.gather [spmem:s4], $0x1, s15, s14, $0xb8;
	[tilespmem:$0x13218] =	vst v63  }
0x94: {  	s19 =	simm.s32 $0x1498;
	s20 =	simm.s32 $0x2898  }
0x95: {  	[tilespmem:s20], [sflag:$0x1] =	stream.indirect.gather [spmem:s4], $0x1, s19, s14, $0xb8;
	[tilespmem:$0x13218] =	vst v63  }
0x96: {  	s21 =	simm.s32 $0x1518;
	s22 =	simm.s32 $0x2918  }
0x97: {  	[tilespmem:s22], [sflag:$0x1] =	stream.indirect.gather [spmem:s4], $0x1, s21, s14, $0xb8;
	[tilespmem:$0x13218] =	vst v63  }
0x98: {  	s23 =	simm.s32 $0x1598;
	s24 =	simm.s32 $0x2998  }
0x99: {  	[tilespmem:s24], [sflag:$0x1] =	stream.indirect.gather [spmem:s4], $0x1, s23, s14, $0xb8;
	[tilespmem:$0x13218] =	vst v63  }
0x9a: {  	s25 =	simm.s32 $0x1618;
	s26 =	simm.s32 $0x2A18  }
0x9b: {  	[tilespmem:s26], [sflag:$0x1] =	stream.indirect.gather [spmem:s4], $0x1, s25, s14, $0xb8;
	[tilespmem:$0x13218] =	vst v63  }
0x9c: {  	s28 =	simm.s32 $0x1698;
	s29 =	simm.s32 $0x2A98  }
0x9d: {  	[tilespmem:s29], [sflag:$0x1] =	stream.indirect.gather [spmem:s4], $0x1, s28, s14, $0xb8;
	[tilespmem:$0x13218] =	vst v63  }
0x9e: {  	s15 =	simm.s32 $0x1718;
	s18 =	simm.s32 $0x2B18  }
0x9f: {  	[tilespmem:s18], [sflag:$0x1] =	stream.indirect.gather [spmem:s4], $0x1, s15, s14, $0xb8;
	[tilespmem:$0x13218] =	vst v63  }
0xa0: {  	s19 =	simm.s32 $0x1798;
	s20 =	simm.s32 $0x2B98  }
0xa1: {  	[tilespmem:s20], [sflag:$0x1] =	stream.indirect.gather [spmem:s4], $0x1, s19, s14, $0xb8;
	[tilespmem:$0x13218] =	vst v63  }
0xa2: {  	s21 =	simm.s32 $0x1818;
	s22 =	simm.s32 $0x2C18  }
0xa3: {  	[tilespmem:s22], [sflag:$0x1] =	stream.indirect.gather [spmem:s4], $0x1, s21, s14, $0xb8;
	[tilespmem:$0x13218] =	vst v63  }
0xa4: {  	s23 =	simm.s32 $0x1898;
	s24 =	simm.s32 $0x2C98  }
0xa5: {  	[tilespmem:s24], [sflag:$0x1] =	stream.indirect.gather [spmem:s4], $0x1, s23, s14, $0xb8;
	[tilespmem:$0x13218] =	vst v63  }
0xa6: {  	s25 =	simm.s32 $0x1918;
	s26 =	simm.s32 $0x2D18  }
0xa7: {  	[tilespmem:s26], [sflag:$0x1] =	stream.indirect.gather [spmem:s4], $0x1, s25, s14, $0xb8;
	[tilespmem:$0x13218] =	vst v63  }
0xa8: {  	s28 =	simm.s32 $0x1998;
	s29 =	simm.s32 $0x2D98  }
0xa9: {  	[tilespmem:s29], [sflag:$0x1] =	stream.indirect.gather [spmem:s4], $0x1, s28, s14, $0xb8;
	[tilespmem:$0x13218] =	vst v63  }
0xaa: {  	_ =	swait.ge [sflag:s30], $0x80  }
0xab: {  	[sflag:s30] =	ssyncset.done $0x0  }
0xac: {  	[sflag:s30] =	ssyncadd.s32 $0xFFFFFF80  }
0xad: {  	_ =	swait.ge [sflag:s30], $0x80  }
0xae: {  	[sflag:s30] =	ssyncset.done $0x0  }
0xaf: {  	[sflag:s30] =	ssyncadd.s32 $0xFFFFFF80  }
0xb0: {  	_ =	swait.ge [sflag:s30], $0x80  }
0xb1: {  	[sflag:s30] =	ssyncset.done $0x0  }
0xb2: {  	[sflag:s30] =	ssyncadd.s32 $0xFFFFFF80  }
0xb3: {  	_ =	swait.ge [sflag:s30], $0x80  }
0xb4: {  	[sflag:s30] =	ssyncset.done $0x0  }
0xb5: {  	[sflag:s30] =	ssyncadd.s32 $0xFFFFFF80  }
0xb6: {  	_ =	swait.ge [sflag:s30], $0x80  }
0xb7: {  	[sflag:s30] =	ssyncset.done $0x0  }
0xb8: {  	[sflag:s30] =	ssyncadd.s32 $0xFFFFFF80  }
0xb9: {  	_ =	swait.ge [sflag:s30], $0x80  }
0xba: {  	[sflag:s30] =	ssyncset.done $0x0  }
0xbb: {  	[sflag:s30] =	ssyncadd.s32 $0xFFFFFF80  }
0xbc: {  	_ =	swait.ge [sflag:s30], $0x80  }
0xbd: {  	[sflag:s30] =	ssyncset.done $0x0  }
0xbe: {  	[sflag:s30] =	ssyncadd.s32 $0xFFFFFF80  }
0xbf: {  	_ =	swait.ge [sflag:s30], $0x80  }
0xc0: {  	[sflag:s30] =	ssyncset.done $0x0  }
0xc1: {  	[sflag:s30] =	ssyncadd.s32 $0xFFFFFF80  }
0xc2: {  	_ =	swait.ge [sflag:s30], $0x80  }
0xc3: {  	[sflag:s30] =	ssyncset.done $0x0  }
0xc4: {  	[sflag:s30] =	ssyncadd.s32 $0xFFFFFF80  }
0xc5: {  	_ =	swait.ge [sflag:s30], $0x80  }
0xc6: {  	[sflag:s30] =	ssyncset.done $0x0  }
0xc7: {  	[sflag:s30] =	ssyncadd.s32 $0xFFFFFF80  }
0xc8: {  	_ =	swait.ge [sflag:s30], $0x80  }
0xc9: {  	[sflag:s30] =	ssyncset.done $0x0  }
0xca: {  	[sflag:s30] =	ssyncadd.s32 $0xFFFFFF80  }
0xcb: {  	_ =	swait.ge [sflag:s30], $0x80  }
0xcc: {  	[sflag:s30] =	ssyncset.done $0x0  }
0xcd: {  	[sflag:s30] =	ssyncadd.s32 $0xFFFFFF80  }
0xce: {  	_ =	swait.ge [sflag:s30], $0x80  }
0xcf: {  	[sflag:s30] =	ssyncset.done $0x0  }
0xd0: {  	[sflag:s30] =	ssyncadd.s32 $0xFFFFFF80  }
0xd1: {  	_ =	swait.ge [sflag:s30], $0x80  }
0xd2: {  	[sflag:s30] =	ssyncset.done $0x0  }
0xd3: {  	[sflag:s30] =	ssyncadd.s32 $0xFFFFFF80  }
0xd4: {  	_ =	swait.ge [sflag:s30], $0x80  }
0xd5: {  	[sflag:s30] =	ssyncset.done $0x0  }
0xd6: {  	[sflag:s30] =	ssyncadd.s32 $0xFFFFFF80  }
0xd7: {  	_ =	swait.ge [sflag:s30], $0x80  }
0xd8: {  	[sflag:s30] =	ssyncset.done $0x0  }
0xd9: {  	[sflag:s30] =	ssyncadd.s32 $0xFFFFFF80  }
0xda: {  	_ =	swait.ge [sflag:s30], $0x80  }
0xdb: {  	[sflag:s30] =	ssyncset.done $0x0  }
0xdc: {  	[sflag:s30] =	ssyncadd.s32 $0xFFFFFF80  }
0xdd: {  	_ =	swait.ge [sflag:s30], $0x80  }
0xde: {  	[sflag:s30] =	ssyncset.done $0x0  }
0xdf: {  	[sflag:s30] =	ssyncadd.s32 $0xFFFFFF80  }
0xe0: {  	_ =	swait.ge [sflag:s30], $0x80  }
0xe1: {  	[sflag:s30] =	ssyncset.done $0x0  }
0xe2: {  	[sflag:s30] =	ssyncadd.s32 $0xFFFFFF80  }
0xe3: {  	_ =	swait.ge [sflag:s30], $0x80  }
0xe4: {  	[sflag:s30] =	ssyncset.done $0x0  }
0xe5: {  	[sflag:s30] =	ssyncadd.s32 $0xFFFFFF80  }
0xe6: {  	_ =	swait.ge [sflag:s30], $0x80  }
0xe7: {  	[sflag:s30] =	ssyncset.done $0x0  }
0xe8: {  	[sflag:s30] =	ssyncadd.s32 $0xFFFFFF80  }
0xe9: {  	_ =	swait.ge [sflag:s30], $0x80  }
0xea: {  	[sflag:s30] =	ssyncset.done $0x0  }
0xeb: {  	[sflag:s30] =	ssyncadd.s32 $0xFFFFFF80  }
0xec: {  	_ =	swait.ge [sflag:s30], $0x80  }
0xed: {  	[sflag:s30] =	ssyncset.done $0x0  }
0xee: {  	[sflag:s30] =	ssyncadd.s32 $0xFFFFFF80  }
0xef: {  	_ =	swait.ge [sflag:s30], $0x80  }
0xf0: {  	[sflag:s30] =	ssyncset.done $0x0  }
0xf1: {  	[sflag:s30] =	ssyncadd.s32 $0xFFFFFF80  }
0xf2: {  	_ =	swait.ge [sflag:s30], $0x80  }
0xf3: {  	[sflag:s30] =	ssyncset.done $0x0  }
0xf4: {  	[sflag:s30] =	ssyncadd.s32 $0xFFFFFF80  }
0xf5: {  	_ =	swait.ge [sflag:s30], $0x80  }
0xf6: {  	[sflag:s30] =	ssyncset.done $0x0  }
0xf7: {  	[sflag:s30] =	ssyncadd.s32 $0xFFFFFF80  }
0xf8: {  	_ =	swait.ge [sflag:s30], $0x80  }
0xf9: {  	[sflag:s30] =	ssyncset.done $0x0  }
0xfa: {  	[sflag:s30] =	ssyncadd.s32 $0xFFFFFF80  }
0xfb: {  	_ =	swait.ge [sflag:s30], $0x80  }
0xfc: {  	[sflag:s30] =	ssyncset.done $0x0  }
0xfd: {  	[sflag:s30] =	ssyncadd.s32 $0xFFFFFF80  }
0xfe: {  	_ =	swait.ge [sflag:s30], $0x80  }
0xff: {  	[sflag:s30] =	ssyncset.done $0x0  }
0x100: {  	[sflag:s30] =	ssyncadd.s32 $0xFFFFFF80  }
0x101: {  	_ =	swait.ge [sflag:s30], $0x80  }
0x102: {  	[sflag:s30] =	ssyncset.done $0x0  }
0x103: {  	[sflag:s30] =	ssyncadd.s32 $0xFFFFFF80  }
0x104: {  	_ =	swait.ge [sflag:s30], $0x80  }
0x105: {  	[sflag:s30] =	ssyncset.done $0x0  }
0x106: {  	[sflag:s30] =	ssyncadd.s32 $0xFFFFFF80  }
0x107: {  	_ =	swait.ge [sflag:s30], $0x80  }
0x108: {  	[sflag:s30] =	ssyncset.done $0x0  }
0x109: {  	[sflag:s30] =	ssyncadd.s32 $0xFFFFFF80  }
0x10a: {  	_ =	swait.ge [sflag:s30], $0x80  }
0x10b: {  	[sflag:s30] =	ssyncset.done $0x0  }
0x10c: {  	[sflag:s30] =	ssyncadd.s32 $0xFFFFFF80  }
0x10d: {  	_ =	swait.ge [sflag:s30], $0x80  }
0x10e: {  	[sflag:s30] =	ssyncset.done $0x0  }
0x10f: {  	[sflag:s30] =	ssyncadd.s32 $0xFFFFFF80  }
0x110: {  	_ =	swait.ge [sflag:s30], $0x80  }
0x111: {  	[sflag:s30] =	ssyncset.done $0x0  }
0x112: {  	[sflag:s30] =	ssyncadd.s32 $0xFFFFFF80  }
0x113: {  	_ =	swait.ge [sflag:s30], $0x80  }
0x114: {  	[sflag:s30] =	ssyncset.done $0x0  }
0x115: {  	[sflag:s30] =	ssyncadd.s32 $0xFFFFFF80  }
0x116: {  	_ =	swait.ge [sflag:s30], $0x80  }
0x117: {  	[sflag:s30] =	ssyncset.done $0x0  }
0x118: {  	[sflag:s30] =	ssyncadd.s32 $0xFFFFFF80  }
0x119: {  	_ =	swait.ge [sflag:s30], $0x80  }
0x11a: {  	[sflag:s30] =	ssyncset.done $0x0  }
0x11b: {  	[sflag:s30] =	ssyncadd.s32 $0xFFFFFF80  }
0x11c: {  	_ =	swait.ge [sflag:s30], $0x80  }
0x11d: {  	[sflag:s30] =	ssyncset.done $0x0  }
0x11e: {  	[sflag:s30] =	ssyncadd.s32 $0xFFFFFF80  }
0x11f: {  	_ =	swait.ge [sflag:s30], $0x80  }
0x120: {  	[sflag:s30] =	ssyncset.done $0x0  }
0x121: {  	s18 =	simm.s32 $0x0;
	[sflag:s30] =	ssyncadd.s32 $0xFFFFFF80  }
.LBB2_6:
0x122: {  	s7 =	sshll.u32 s18, $0x1  }
0x123: {  	s19 =	sadd.s32 s6, s7  }
0x124: {  	s7 =	sshll.u32 s19, $0x6  }
0x125: {  	p1 =	seq.s32 s18, $0x0;
	s7 =	sadd.s32 s7, s8  }
0x126: {  	[tilespmem:s31], [sflag:$0x3] =	stream.linear.gather [hbm4b:s7+s5], $0x200, $0x38;
	[tilespmem:$0x13218] =	vst v63  }
0x127: {  	s7 =	simm.s32 @!p1 $0x4  }
0x128: {  	_ =	swait.ge @!p1 [sflag:s7], $0x8000  }
0x129: {  	[sflag:s7] =	ssyncset.done @!p1 $0x0  }
0x12a: {  	[sflag:s7] =	ssyncadd.s32 @!p1 $0xFFFF8000  }
0x12b: {  	_ =	swait.ge [sflag:s2], $0x200  }
0x12c: {  	[sflag:s2] =	ssyncset.done $0x0  }
0x12d: {  	s20 =	sshllo.u32 s18, $0x1;
	s21 =	simm.s32 $0x0;
	[sflag:s2] =	ssyncadd.s32 $0xFFFFFE00  }
.LBB2_7:
0x12e: {  	s7 =	sshll.u32 s21, $0x7;
	s26 =	simm.s32 $0x2E18  }
0x12f: {  	s24 =	sand.u32 $0x3FFFFF80, s7;
	v35 =	vld [tilespmem:s26+$0x0]  }
0x130: {  	v2 =	vld [tilespmem:s24+$0x1A18]  }
0x131: {  	v3 =	vld [tilespmem:s24+$0x1E18]  }
0x132: {  	v4 =	vld [tilespmem:s24+$0x2218]  }
0x133: {  	v1 =	vld [tilespmem:s24+$0x2618]  }
0x134: {  	v0 =	vld [tilespmem:s24+$0x2A18]  }
0x135: {  	v6 =	vld [tilespmem:s24+$0x1A28]  }
0x136: {  	v8 =	vld [tilespmem:s24+$0x1E28]  }
0x137: {  	v10 =	vld [tilespmem:s24+$0x2228]  }
0x138: {  	v7 =	vld [tilespmem:s24+$0x2628]  }
0x139: {  	v5 =	vld [tilespmem:s24+$0x2A28]  }
0x13a: {  	v14 =	vld [tilespmem:s24+$0x1A38]  }
0x13b: {  	v15 =	vld [tilespmem:s24+$0x1E38]  }
0x13c: {  	v17 =	vld [tilespmem:s24+$0x2238]  }
0x13d: {  	v11 =	vld [tilespmem:s24+$0x2638]  }
0x13e: {  	v9 =	vld [tilespmem:s24+$0x2A38]  }
0x13f: {  	v18 =	vld [tilespmem:s24+$0x1A48]  }
0x140: {  	v19 =	vld [tilespmem:s24+$0x1E48]  }
0x141: {  	v20 =	vld [tilespmem:s24+$0x2248]  }
0x142: {  	v16 =	vld [tilespmem:s24+$0x2648]  }
0x143: {  	v12 =	vld [tilespmem:s24+$0x2A48]  }
0x144: {  	v21 =	vld [tilespmem:s24+$0x1A58]  }
0x145: {  	v22 =	vld [tilespmem:s24+$0x1E58]  }
0x146: {  	v23 =	vld [tilespmem:s24+$0x1A68]  }
0x147: {  	v25 =	vld [tilespmem:s24+$0x1E68]  }
0x148: {  	v27 =	vld [tilespmem:s24+$0x1A88]  }
0x149: {  	s22 =	simm.s32 $0x0;
	v29 =	vld [tilespmem:s24+$0x1E88]  }
0x14a: {  	s9 =	sand.u32 $0x60, s22;
	v30 =	vld [tilespmem:s24+$0x1A78]  }
0x14b: {  	s23 =	sand.u32 $0x180, s22;
	s15 =	sor.u32 $0x10, s9;
	v31 =	vld [tilespmem:s24+$0x1E78]  }
0x14c: {  	v32 =	vld [tilespmem:s24+$0x2268];
	s23 =	sor.u32 s15, s23;
	vm5 =	veq.s32 v35, $0x1;
	vm1 =	veq.s32 v35, $0x2  }
0x14d: {  	v36 =	vld [tilespmem:s23+$0x2E18];
	vm0 =	veq.s32 v35, $0x3;
	vm2 =	veq.s32 v35, $0x4;
	v37 =	vsel vm5, v3, v2  }
0x14e: {  	v13 =	vld [tilespmem:s24+$0x2258];
	v33 =	vsel vm5, v8, v6;
	v46 =	vsel vm5, v15, v14;
	v47 =	vsel vm5, v19, v18  }
0x14f: {  	v24 =	vld [tilespmem:s24+$0x2658];
	v34 =	vsel vm5, v22, v21;
	v48 =	vsel vm5, v25, v23;
	v38 =	vsel vm5, v29, v27  }
0x150: {  	v26 =	vld [tilespmem:s24+$0x2288];
	v61 =	vsel vm5, v31, v30;
	v40 =	vsel vm1, v10, v33;
	v42 =	vsel vm1, v4, v37  }
0x151: {  	v28 =	vld [tilespmem:s24+$0x2A58];
	v46 =	vsel vm1, v17, v46;
	v47 =	vsel vm1, v20, v47;
	v48 =	vsel vm1, v32, v48  }
0x152: {  	v35 =	vld [tilespmem:s24+$0x2688];
	vm7 =	veq.s32 v36, $0x1;
	vm6 =	veq.s32 v36, $0x2;
	v45 =	vsel vm0, v7, v40  }
0x153: {  	v33 =	vld [tilespmem:s24+$0x2278];
	vm3 =	veq.s32 v36, $0x3;
	vm4 =	veq.s32 v36, $0x4;
	v47 =	vsel vm0, v16, v47  }
0x154: {  	s26 =	sshll.u32 s21, $0xC;
	v37 =	vld [tilespmem:s24+$0x2678];
	v49 =	vsel vm7, v3, v2;
	v39 =	vsel vm7, v8, v6;
	v41 =	vsel vm7, v19, v18  }
0x155: {  	s23 =	sand.u32 $0x3FFFF000, s26;
	v40 =	vld [tilespmem:s24+$0x2668];
	v50 =	vsel vm7, v22, v21;
	v51 =	vsel vm7, v31, v30;
	v43 =	vsel vm7, v29, v27  }
0x156: {  	s25 =	sand.u32 $0xC00, s22;
	s23 =	sadd.s32 $0x3218, s23;
	v36 =	vld [tilespmem:s24+$0x2A88];
	v57 =	vsel vm7, v15, v14;
	v52 =	vsel vm2, v5, v45;
	v54 =	vsel vm7, v25, v23  }
0x157: {  	s25 =	sadd.s32 s25, s23;
	v47 =	vsel vm2, v12, v47;
	v44 =	vsel vm6, v10, v39;
	v39 =	vld [tilespmem:s24+$0x2A78];
	v43 =	vsel vm6, v26, v43  }
0x158: {  	v45 =	vsel vm6, v20, v41;
	v41 =	vld [tilespmem:s24+$0x2A68];
	v53 =	vsel vm6, v17, v57;
	v58 =	vsel vm6, v13, v50;
	s24 =	sadd.s32 s9, s25  }
0x159: {  	v49 =	vsel vm6, v4, v49;
	v59 =	vsel vm6, v32, v54;
	v50 =	vsel vm3, v24, v58;
	[tilespmem:s24+$0x80] =	vst v52  }
0x15a: {  	s25 =	sadd.s32 s15, s25;
	v49 =	vsel vm3, v1, v49;
	[tilespmem:s24+$0x180] =	vst v47;
	v51 =	vsel vm6, v33, v51;
	v50 =	vsel vm4, v28, v50  }
0x15b: {  	v63 =	vsel vm3, v11, v53;
	v49 =	vsel vm4, v0, v49;
	v51 =	vsel vm3, v37, v51;
	[tilespmem:s25+$0x200] =	vst v50  }
0x15c: {  	v62 =	vsel vm1, v33, v61;
	v60 =	vsel vm3, v40, v59;
	[tilespmem:s25+$0x0] =	vst v49;
	v51 =	vsel vm4, v39, v51  }
0x15d: {  	v48 =	vsel vm0, v40, v48;
	v49 =	vsel vm0, v37, v62;
	v50 =	vsel vm4, v41, v60;
	[tilespmem:s25+$0x300] =	vst v51  }
0x15e: {  	s28 =	simm.s32 $0x20;
	s29 =	simm.s32 $0x2E38;
	s26 =	simm.s32 $0x0;
	v47 =	vsel vm4, v9, v63;
	v48 =	vsel vm2, v41, v48;
	v49 =	vsel vm2, v39, v49;
	[tilespmem:s25+$0x280] =	vst v50  }
.LBB2_8:
0x15f: {  	s9 =	sand.u32 $0x60, s28;
	v50 =	vld [tilespmem:s29+$0x0];
	s26 =	sadd.s32 $0x2, s26;
	v46 =	vsel vm0, v11, v46;
	[tilespmem:s24+$0x300] =	vst v49;
	v44 =	vsel vm3, v7, v44;
	v45 =	vsel vm3, v16, v45;
	s22 =	sadd.s32 $0x100, s22  }
0x160: {  	s15 =	sand.u32 $0x180, s28;
	s7 =	sor.u32 $0x10, s9;
	p1 =	slt.u32 s26, $0x1E;
	v46 =	vsel vm2, v9, v46;
	[tilespmem:s24+$0x280] =	vst v48;
	v44 =	vsel vm4, v5, v44;
	v45 =	vsel vm4, v12, v45  }
0x161: {  	v42 =	vsel vm0, v1, v42;
	v34 =	vsel vm1, v13, v34;
	v43 =	vsel vm3, v35, v43;
	s15 =	sor.u32 s7, s15;
	[tilespmem:s25+$0x80] =	vst v44  }
0x162: {  	v38 =	vsel vm1, v26, v38;
	v34 =	vsel vm0, v24, v34;
	v43 =	vsel vm4, v36, v43;
	v48 =	vld [tilespmem:s15+$0x2E18];
	[tilespmem:s24+$0x100] =	vst v46  }
0x163: {  	v42 =	vsel vm2, v0, v42;
	v44 =	vsel vm2, v28, v34;
	v34 =	vsel vm0, v35, v38;
	[tilespmem:s25+$0x180] =	vst v45  }
0x164: {  	v38 =	vsel vm2, v36, v34;
	vm5 =	veq.s32 v50, $0x1;
	vm1 =	veq.s32 v50, $0x2;
	[tilespmem:s24+$0x0] =	vst v42  }
0x165: {  	vm0 =	veq.s32 v50, $0x3;
	v42 =	vsel vm5, v3, v2;
	v45 =	vsel vm5, v8, v6;
	[tilespmem:s25+$0x100] =	vst v47  }
0x166: {  	v46 =	vsel vm5, v15, v14;
	v47 =	vsel vm5, v19, v18;
	v34 =	vsel vm5, v22, v21;
	[tilespmem:s24+$0x200] =	vst v44  }
0x167: {  	v49 =	vsel vm5, v25, v23;
	vm7 =	veq.s32 v48, $0x1;
	vm6 =	veq.s32 v48, $0x2;
	[tilespmem:s24+$0x380] =	vst v38  }
0x168: {  	v38 =	vsel vm5, v29, v27;
	v51 =	vsel vm7, v3, v2;
	v44 =	vsel vm7, v8, v6;
	[tilespmem:s25+$0x380] =	vst v43  }
0x169: {  	v43 =	vsel vm1, v10, v45;
	v45 =	vsel vm7, v19, v18;
	v52 =	vsel vm7, v22, v21  }
0x16a: {  	v42 =	vsel vm1, v4, v42;
	v53 =	vsel vm7, v31, v30;
	v54 =	vsel vm7, v29, v27  }
0x16b: {  	s15 =	sand.u32 $0xC00, s22;
	vm2 =	veq.s32 v50, $0x4;
	v50 =	vsel vm7, v15, v14;
	v44 =	vsel vm6, v10, v44  }
0x16c: {  	s15 =	sadd.s32 s15, s23;
	vm3 =	veq.s32 v48, $0x3;
	v55 =	vsel vm0, v7, v43;
	v43 =	vsel vm6, v26, v54  }
0x16d: {  	s24 =	sadd.s32 s9, s15;
	vm4 =	veq.s32 v48, $0x4;
	v45 =	vsel vm6, v20, v45;
	v54 =	vsel vm2, v5, v55  }
0x16e: {  	v46 =	vsel vm1, v17, v46;
	v48 =	vsel vm6, v17, v50;
	v50 =	vsel vm6, v13, v52;
	[tilespmem:s24+$0x80] =	vst v54  }
0x16f: {  	v52 =	vsel vm7, v25, v23;
	v53 =	vsel vm6, v33, v53;
	v50 =	vsel vm3, v24, v50  }
0x170: {  	s25 =	sadd.s32 s7, s15;
	v51 =	vsel vm6, v4, v51;
	v53 =	vsel vm3, v37, v53;
	v50 =	vsel vm4, v28, v50  }
0x171: {  	v51 =	vsel vm3, v1, v51;
	[tilespmem:s25+$0x200] =	vst v50;
	v50 =	vsel vm6, v32, v52;
	v52 =	vsel vm4, v39, v53  }
.Ltmp2:
0x172: {  	v47 =	vsel vm1, v20, v47;
	v51 =	vsel vm4, v0, v51;
	v50 =	vsel vm3, v40, v50;
	[tilespmem:s25+$0x300] =	vst v52;
	(pc) =	sbr.rel @p1 .LBB2_8-.Ltmp2, $4  }
0x173: {  	v47 =	vsel vm0, v16, v47;
	v52 =	vsel vm5, v31, v30;
	[tilespmem:s25+$0x0] =	vst v51;
	v50 =	vsel vm4, v41, v50  }
0x174: {  	v49 =	vsel vm1, v32, v49;
	v47 =	vsel vm2, v12, v47;
	v51 =	vsel vm1, v33, v52;
	[tilespmem:s25+$0x280] =	vst v50  }
0x175: {  	v50 =	vsel vm3, v11, v48;
	[tilespmem:s24+$0x180] =	vst v47;
	v47 =	vsel vm0, v40, v49;
	v49 =	vsel vm0, v37, v51  }
0x176: {  	s28 =	sadd.s32 $0x20, s28;
	s29 =	sadd.s32 $0x20, s29;
	v48 =	vsel vm2, v41, v47;
	v49 =	vsel vm2, v39, v49;
	v47 =	vsel vm4, v9, v50  }
0x177: {  	[tilespmem:s24+$0x300] =	vst v49  }
0x178: {  	v2 =	vsel vm3, v7, v44;
	[tilespmem:s24+$0x280] =	vst v48  }
0x179: {  	v3 =	vsel vm0, v11, v46;
	[tilespmem:s25+$0x100] =	vst v47;
	v2 =	vsel vm4, v5, v2  }
0x17a: {  	v4 =	vsel vm3, v16, v45;
	s21 =	sadd.s32 $0x1, s21;
	v3 =	vsel vm2, v9, v3;
	[tilespmem:s25+$0x80] =	vst v2  }
0x17b: {  	v1 =	vsel vm0, v1, v42;
	v56 =	vsel vm4, v12, v4;
	p1 =	sne.s32 s21, $0x8;
	[tilespmem:s24+$0x100] =	vst v3  }
.Ltmp3:
0x17c: {  	v57 =	vsel vm1, v13, v34;
	v62 =	vsel vm3, v35, v43;
	v0 =	vsel vm2, v0, v1;
	[tilespmem:s25+$0x180] =	vst v56;
	(pc) =	sbr.rel @p1 .LBB2_7-.Ltmp3, $4  }
0x17d: {  	v59 =	vsel vm1, v26, v38;
	v58 =	vsel vm0, v24, v57;
	v63 =	vsel vm4, v36, v62;
	[tilespmem:s24+$0x0] =	vst v0  }
0x17e: {  	v61 =	vsel vm0, v35, v59;
	v60 =	vsel vm2, v28, v58;
	[tilespmem:s25+$0x380] =	vst v63  }
0x17f: {  	v1 =	vsel vm2, v36, v61;
	[tilespmem:s24+$0x200] =	vst v60  }
0x180: {  	[tilespmem:s24+$0x380] =	vst v1  }
0x181: {  	s7 =	sshll.u32 s19, $0x9  }
0x182: {  	s9 =	sshll.u32 s19, $0xC;
	s7 =	sand.u32 $0x3C00, s7  }
0x183: {  	s9 =	sand.u32 $0xFFE0000, s9;
	s7 =	sadd.s32 s3, s7  }
0x184: {  	s19 =	sadd.s32 s6, s20;
	p1 =	seq.s32 s18, $0x18;
	s7 =	sadd.s32 s9, s7  }
0x185: {  	[hbm4b:s7+s0] =	stream.strided.scatter [tilespmem:s11], [sflag:$0x4], $0x8000, s1, s0, $0x38;
	[tilespmem:$0x13218] =	vst v63  }
0x186: {  	p2 =	seq.s32 @!p1 s18, $0x0;
	s7 =	sshll.u32 @!p1 s19, $0x6  }
0x187: {  	s15 =	simm.s32 @!p1 $0x2E18;
	s9 =	simm.s32 @!p1 $0x0;
	s7 =	sadd.s32 @!p1 s8, s7  }
0x188: {  	[tilespmem:s15], [sflag:$0x2] =	stream.linear.gather @!p1 [hbm4b:s7+s9], $0x200, $0x38;
	[tilespmem:$0x13218] =	vst v63  }
0x189: {  	p1 =	por p1, !p2  }
0x18a: {  	_ =	swait.ge @p1 [sflag:s16], $0x8000  }
0x18b: {  	[sflag:s16] =	ssyncset.done @p1 $0x0  }
0x18c: {  	[sflag:s16] =	ssyncadd.s32 @p1 $0xFFFF8000  }
0x18d: {  	_ =	swait.ge [sflag:s12], $0x200  }
0x18e: {  	[sflag:s12] =	ssyncset.done $0x0  }
0x18f: {  	s20 =	simm.s32 $0x0;
	s21 =	simm.s32 $0x0;
	[sflag:s12] =	ssyncadd.s32 $0xFFFFFE00  }
.LBB2_11:
0x190: {  	s7 =	sshll.u32 s21, $0x7;
	s22 =	simm.s32 $0x3018  }
0x191: {  	s23 =	sand.u32 $0x3FFFFF80, s7;
	v35 =	vld [tilespmem:s22+$0x0]  }
0x192: {  	v2 =	vld [tilespmem:s23+$0x1A18]  }
0x193: {  	v3 =	vld [tilespmem:s23+$0x1E18]  }
0x194: {  	v4 =	vld [tilespmem:s23+$0x2218]  }
0x195: {  	v1 =	vld [tilespmem:s23+$0x2618]  }
0x196: {  	v0 =	vld [tilespmem:s23+$0x2A18]  }
0x197: {  	v6 =	vld [tilespmem:s23+$0x1A28]  }
0x198: {  	v8 =	vld [tilespmem:s23+$0x1E28]  }
0x199: {  	v10 =	vld [tilespmem:s23+$0x2228]  }
0x19a: {  	v7 =	vld [tilespmem:s23+$0x2628]  }
0x19b: {  	v5 =	vld [tilespmem:s23+$0x2A28]  }
0x19c: {  	v14 =	vld [tilespmem:s23+$0x1A38]  }
0x19d: {  	v15 =	vld [tilespmem:s23+$0x1E38]  }
0x19e: {  	v17 =	vld [tilespmem:s23+$0x2238]  }
0x19f: {  	v11 =	vld [tilespmem:s23+$0x2638]  }
0x1a0: {  	v9 =	vld [tilespmem:s23+$0x2A38]  }
0x1a1: {  	v18 =	vld [tilespmem:s23+$0x1A48]  }
0x1a2: {  	v19 =	vld [tilespmem:s23+$0x1E48]  }
0x1a3: {  	v20 =	vld [tilespmem:s23+$0x2248]  }
0x1a4: {  	v16 =	vld [tilespmem:s23+$0x2648]  }
0x1a5: {  	v21 =	vld [tilespmem:s23+$0x1A58]  }
0x1a6: {  	v22 =	vld [tilespmem:s23+$0x1E58]  }
0x1a7: {  	v23 =	vld [tilespmem:s23+$0x1A68]  }
0x1a8: {  	v25 =	vld [tilespmem:s23+$0x1E68]  }
0x1a9: {  	v27 =	vld [tilespmem:s23+$0x1A88]  }
0x1aa: {  	s9 =	sand.u32 $0x60, s20;
	v29 =	vld [tilespmem:s23+$0x1E88]  }
0x1ab: {  	s15 =	sand.u32 $0x180, s20;
	s24 =	sor.u32 $0x10, s9;
	v30 =	vld [tilespmem:s23+$0x1A78]  }
0x1ac: {  	s15 =	sor.u32 s24, s15;
	v31 =	vld [tilespmem:s23+$0x1E78]  }
0x1ad: {  	v36 =	vld [tilespmem:s15+$0x3018]  }
0x1ae: {  	v12 =	vld [tilespmem:s23+$0x2A48];
	vm5 =	veq.s32 v35, $0x1;
	vm1 =	veq.s32 v35, $0x2  }
0x1af: {  	v13 =	vld [tilespmem:s23+$0x2258];
	vm0 =	veq.s32 v35, $0x3;
	vm2 =	veq.s32 v35, $0x4;
	v37 =	vsel vm5, v3, v2  }
0x1b0: {  	v32 =	vld [tilespmem:s23+$0x2268];
	v33 =	vsel vm5, v8, v6;
	v46 =	vsel vm5, v15, v14;
	v47 =	vsel vm5, v19, v18  }
0x1b1: {  	v24 =	vld [tilespmem:s23+$0x2658];
	v34 =	vsel vm5, v22, v21;
	v48 =	vsel vm5, v25, v23;
	v38 =	vsel vm5, v29, v27  }
0x1b2: {  	v26 =	vld [tilespmem:s23+$0x2288];
	v61 =	vsel vm5, v31, v30;
	vm7 =	veq.s32 v36, $0x1;
	vm6 =	veq.s32 v36, $0x2  }
0x1b3: {  	v28 =	vld [tilespmem:s23+$0x2A58];
	v40 =	vsel vm1, v10, v33;
	v42 =	vsel vm1, v4, v37;
	vm3 =	veq.s32 v36, $0x3  }
0x1b4: {  	v35 =	vld [tilespmem:s23+$0x2688];
	vm4 =	veq.s32 v36, $0x4;
	v46 =	vsel vm1, v17, v46;
	v47 =	vsel vm1, v20, v47  }
0x1b5: {  	v33 =	vld [tilespmem:s23+$0x2278];
	v48 =	vsel vm1, v32, v48;
	v49 =	vsel vm7, v3, v2;
	v39 =	vsel vm7, v8, v6  }
0x1b6: {  	s25 =	sshll.u32 s21, $0xC;
	v37 =	vld [tilespmem:s23+$0x2678];
	v41 =	vsel vm7, v19, v18;
	v50 =	vsel vm7, v22, v21;
	v51 =	vsel vm7, v31, v30  }
0x1b7: {  	s15 =	sand.u32 $0x3FFFF000, s25;
	v36 =	vld [tilespmem:s23+$0x2A88];
	v43 =	vsel vm7, v29, v27;
	v57 =	vsel vm7, v15, v14;
	v45 =	vsel vm0, v7, v40  }
0x1b8: {  	s26 =	sand.u32 $0xC00, s20;
	s22 =	sadd.s32 $0xB218, s15;
	v40 =	vld [tilespmem:s23+$0x2668];
	v54 =	vsel vm7, v25, v23;
	v47 =	vsel vm0, v16, v47;
	v44 =	vsel vm6, v10, v39  }
0x1b9: {  	s15 =	sadd.s32 s26, s22;
	v39 =	vld [tilespmem:s23+$0x2A78];
	v43 =	vsel vm6, v26, v43;
	v52 =	vsel vm2, v5, v45;
	v45 =	vsel vm6, v20, v41  }
0x1ba: {  	v41 =	vld [tilespmem:s23+$0x2A68];
	v53 =	vsel vm6, v17, v57;
	v58 =	vsel vm6, v13, v50;
	s23 =	sadd.s32 s9, s15;
	v49 =	vsel vm6, v4, v49  }
0x1bb: {  	v59 =	vsel vm6, v32, v54;
	v47 =	vsel vm2, v12, v47;
	v50 =	vsel vm3, v24, v58;
	[tilespmem:s23+$0x80] =	vst v52  }
0x1bc: {  	s24 =	sadd.s32 s24, s15;
	v49 =	vsel vm3, v1, v49;
	[tilespmem:s23+$0x180] =	vst v47;
	v50 =	vsel vm4, v28, v50;
	v51 =	vsel vm6, v33, v51  }
0x1bd: {  	v63 =	vsel vm3, v11, v53;
	v49 =	vsel vm4, v0, v49;
	[tilespmem:s24+$0x200] =	vst v50;
	v51 =	vsel vm3, v37, v51  }
0x1be: {  	[tilespmem:s24+$0x0] =	vst v49;
	v62 =	vsel vm1, v33, v61;
	v60 =	vsel vm3, v40, v59;
	v51 =	vsel vm4, v39, v51  }
0x1bf: {  	s28 =	simm.s32 $0x3038;
	v48 =	vsel vm0, v40, v48;
	v49 =	vsel vm0, v37, v62;
	v50 =	vsel vm4, v41, v60;
	[tilespmem:s24+$0x300] =	vst v51  }
0x1c0: {  	s29 =	simm.s32 $0x0;
	s25 =	simm.s32 $0x0;
	s26 =	simm.s32 $0x20;
	v47 =	vsel vm4, v9, v63;
	v48 =	vsel vm2, v41, v48;
	v49 =	vsel vm2, v39, v49;
	[tilespmem:s24+$0x280] =	vst v50  }
.LBB2_12:
0x1c1: {  	s9 =	sand.u32 $0x60, s26;
	v50 =	vld [tilespmem:s28+$0x0];
	s25 =	sadd.s32 $0x2, s25;
	v46 =	vsel vm0, v11, v46;
	[tilespmem:s23+$0x300] =	vst v49;
	v44 =	vsel vm3, v7, v44;
	v45 =	vsel vm3, v16, v45;
	s29 =	sadd.s32 $0x100, s29  }
0x1c2: {  	s15 =	sand.u32 $0x180, s26;
	s7 =	sor.u32 $0x10, s9;
	p1 =	slt.u32 s25, $0x1E;
	v46 =	vsel vm2, v9, v46;
	[tilespmem:s23+$0x280] =	vst v48;
	v44 =	vsel vm4, v5, v44;
	v45 =	vsel vm4, v12, v45  }
0x1c3: {  	v42 =	vsel vm0, v1, v42;
	v34 =	vsel vm1, v13, v34;
	v43 =	vsel vm3, v35, v43;
	s15 =	sor.u32 s7, s15;
	[tilespmem:s24+$0x80] =	vst v44  }
0x1c4: {  	v38 =	vsel vm1, v26, v38;
	v34 =	vsel vm0, v24, v34;
	v43 =	vsel vm4, v36, v43;
	v48 =	vld [tilespmem:s15+$0x3018];
	[tilespmem:s23+$0x100] =	vst v46  }
0x1c5: {  	v42 =	vsel vm2, v0, v42;
	v44 =	vsel vm2, v28, v34;
	v34 =	vsel vm0, v35, v38;
	[tilespmem:s24+$0x180] =	vst v45  }
0x1c6: {  	v38 =	vsel vm2, v36, v34;
	vm5 =	veq.s32 v50, $0x1;
	vm1 =	veq.s32 v50, $0x2;
	[tilespmem:s23+$0x0] =	vst v42  }
0x1c7: {  	vm0 =	veq.s32 v50, $0x3;
	v42 =	vsel vm5, v3, v2;
	v45 =	vsel vm5, v8, v6;
	[tilespmem:s24+$0x100] =	vst v47  }
0x1c8: {  	v46 =	vsel vm5, v15, v14;
	v47 =	vsel vm5, v19, v18;
	v34 =	vsel vm5, v22, v21;
	[tilespmem:s23+$0x200] =	vst v44  }
0x1c9: {  	v49 =	vsel vm5, v25, v23;
	vm7 =	veq.s32 v48, $0x1;
	vm6 =	veq.s32 v48, $0x2;
	[tilespmem:s23+$0x380] =	vst v38  }
0x1ca: {  	v38 =	vsel vm5, v29, v27;
	v51 =	vsel vm7, v3, v2;
	v44 =	vsel vm7, v8, v6;
	[tilespmem:s24+$0x380] =	vst v43  }
0x1cb: {  	v43 =	vsel vm1, v10, v45;
	v45 =	vsel vm7, v19, v18;
	v52 =	vsel vm7, v22, v21  }
0x1cc: {  	v42 =	vsel vm1, v4, v42;
	v53 =	vsel vm7, v31, v30;
	v54 =	vsel vm7, v29, v27  }
0x1cd: {  	s15 =	sand.u32 $0xC00, s29;
	vm2 =	veq.s32 v50, $0x4;
	v50 =	vsel vm7, v15, v14;
	v44 =	vsel vm6, v10, v44  }
0x1ce: {  	s15 =	sadd.s32 s15, s22;
	vm3 =	veq.s32 v48, $0x3;
	v55 =	vsel vm0, v7, v43;
	v43 =	vsel vm6, v26, v54  }
0x1cf: {  	s23 =	sadd.s32 s9, s15;
	vm4 =	veq.s32 v48, $0x4;
	v45 =	vsel vm6, v20, v45;
	v54 =	vsel vm2, v5, v55  }
0x1d0: {  	v46 =	vsel vm1, v17, v46;
	v48 =	vsel vm6, v17, v50;
	v50 =	vsel vm6, v13, v52;
	[tilespmem:s23+$0x80] =	vst v54  }
0x1d1: {  	v52 =	vsel vm7, v25, v23;
	v53 =	vsel vm6, v33, v53;
	v50 =	vsel vm3, v24, v50  }
0x1d2: {  	s24 =	sadd.s32 s7, s15;
	v51 =	vsel vm6, v4, v51;
	v53 =	vsel vm3, v37, v53;
	v50 =	vsel vm4, v28, v50  }
0x1d3: {  	v51 =	vsel vm3, v1, v51;
	[tilespmem:s24+$0x200] =	vst v50;
	v50 =	vsel vm6, v32, v52;
	v52 =	vsel vm4, v39, v53  }
.Ltmp4:
0x1d4: {  	v47 =	vsel vm1, v20, v47;
	v51 =	vsel vm4, v0, v51;
	v50 =	vsel vm3, v40, v50;
	[tilespmem:s24+$0x300] =	vst v52;
	(pc) =	sbr.rel @p1 .LBB2_12-.Ltmp4, $4  }
0x1d5: {  	v47 =	vsel vm0, v16, v47;
	v52 =	vsel vm5, v31, v30;
	[tilespmem:s24+$0x0] =	vst v51;
	v50 =	vsel vm4, v41, v50  }
0x1d6: {  	v49 =	vsel vm1, v32, v49;
	v47 =	vsel vm2, v12, v47;
	v51 =	vsel vm1, v33, v52;
	[tilespmem:s24+$0x280] =	vst v50  }
0x1d7: {  	v50 =	vsel vm3, v11, v48;
	[tilespmem:s23+$0x180] =	vst v47;
	v47 =	vsel vm0, v40, v49;
	v49 =	vsel vm0, v37, v51  }
0x1d8: {  	s26 =	sadd.s32 $0x20, s26;
	s28 =	sadd.s32 $0x20, s28;
	v48 =	vsel vm2, v41, v47;
	v49 =	vsel vm2, v39, v49;
	v47 =	vsel vm4, v9, v50  }
0x1d9: {  	[tilespmem:s23+$0x300] =	vst v49  }
0x1da: {  	v2 =	vsel vm3, v7, v44;
	[tilespmem:s23+$0x280] =	vst v48  }
0x1db: {  	v3 =	vsel vm0, v11, v46;
	[tilespmem:s24+$0x100] =	vst v47;
	v2 =	vsel vm4, v5, v2  }
0x1dc: {  	v4 =	vsel vm3, v16, v45;
	s21 =	sadd.s32 $0x1, s21;
	v3 =	vsel vm2, v9, v3;
	[tilespmem:s24+$0x80] =	vst v2  }
0x1dd: {  	v1 =	vsel vm0, v1, v42;
	v56 =	vsel vm4, v12, v4;
	p1 =	sne.s32 s21, $0x8;
	[tilespmem:s23+$0x100] =	vst v3  }
.Ltmp5:
0x1de: {  	v57 =	vsel vm1, v13, v34;
	v62 =	vsel vm3, v35, v43;
	v0 =	vsel vm2, v0, v1;
	[tilespmem:s24+$0x180] =	vst v56;
	(pc) =	sbr.rel @p1 .LBB2_11-.Ltmp5, $4  }
0x1df: {  	v59 =	vsel vm1, v26, v38;
	v58 =	vsel vm0, v24, v57;
	v63 =	vsel vm4, v36, v62;
	[tilespmem:s23+$0x0] =	vst v0  }
0x1e0: {  	v61 =	vsel vm0, v35, v59;
	v60 =	vsel vm2, v28, v58;
	[tilespmem:s24+$0x380] =	vst v63  }
0x1e1: {  	v1 =	vsel vm2, v36, v61;
	[tilespmem:s23+$0x200] =	vst v60  }
0x1e2: {  	[tilespmem:s23+$0x380] =	vst v1  }
0x1e3: {  	s18 =	sadd.s32 $0x1, s18  }
0x1e4: {  	p1 =	sne.s32 s18, $0x19  }
.Ltmp6:
0x1e5: {  	s7 =	sshll.u32 s19, $0x9;
	(pc) =	sbr.rel @p1 .LBB2_6-.Ltmp6, $4  }
0x1e6: {  	s9 =	sshll.u32 s19, $0xC;
	s7 =	sand.u32 $0x3E00, s7  }
0x1e7: {  	s9 =	sand.u32 $0xFFE0000, s9;
	s7 =	sadd.s32 s3, s7  }
0x1e8: {  	s7 =	sadd.s32 s9, s7  }
0x1e9: {  	[hbm4b:s7+s0] =	stream.strided.scatter [tilespmem:s13], [sflag:$0x5], $0x8000, s1, s0, $0x38;
	[tilespmem:$0x13218] =	vst v63  }
0x1ea: {  	s7 =	simm.s32 $0x4  }
0x1eb: {  	_ =	swait.ge [sflag:s7], $0x8000  }
0x1ec: {  	[sflag:s7] =	ssyncset.done $0x0  }
0x1ed: {  	[sflag:s7] =	ssyncadd.s32 $0xFFFF8000  }
0x1ee: {  	_ =	swait.ge [sflag:s16], $0x8000  }
0x1ef: {  	s17 =	sadd.s32 $0x1, s17;
	s29 =	rddreg [dreg:$0x7]  }
0x1f0: {  	p1 =	sne.s32 s17, s29  }
.Ltmp7:
0x1f1: {  	_ = 	snop;
	(pc) =	sbr.rel @p1 .LBB2_1-.Ltmp7, $3  }
0x1f2: {  	_ =	sdelay $0x1  }
0x1f3: {  	[sflag:s16] =	ssyncset.done $0x0  }
0x1f4: {  	[sflag:s16] =	ssyncadd.s32 $0xFFFF8000  }
0x1f5: {  	_ =	sfence.sel $0x180000  }
0x1f6: {  	[bflag:$0x0] =	sbarrier.arrive $0xFFFF  }
0x1f7: {  	_ =	strace $0x90000047  }
0x1f8: {  	[bflag:$0x2] =	sbarrier.arrive $0xFFFF  }
0x1f9: {  	s0 =	rddreg [dreg:$0x5]  }
0x1fa: {  	s0 =	sadd.s32 @!p0 $0x100000, s0  }
0x1fb: {  	[sflag:s0] =	ssyncadd.tile.s32 @!p0 $0x1;
	_ =	shalt  }
.Lfunc_end2:
_tile_overlayer_lowered:
.L_overlay_start_2:
0x1fc: {  	(tag) =	ssettag $0x2  }
0x1fd: {  	s0 =	rddreg [dreg:$0x0];
	s2 =	stileid.u32  }
0x1fe: {  	s1 =	rddreg [dreg:$0x1];
	p0 =	sne.s32 s2, $0x0  }
0x1ff: {  	s3 =	rddreg [dreg:$0x2];
	[bflag:$0x3] =	sbarrier.arrive $0xFFFF;
	s2 =	simm.s32 @!p0 $0x1C06  }
0x200: {  	[timem:s3], [sflag:s2] =	dma.local @!p0 [hbm:s0], s1  }
0x201: {  	s0 =	simm.s32 @!p0 $0x6  }
0x202: {  	_ =	swait.ge @!p0 [sflag:s0], s1  }
0x203: {  	s1 =	ssub.s32 @!p0 $0x0, s1;
	[sflag:s0] =	ssyncset.done @!p0 $0x0  }
0x204: {  	[sflag:s0] =	ssyncadd.s32 @!p0 s1  }
0x205: {  	[bflag:$0x3] =	sbarrier.arrive $0xFFFF  }
0x206: {  	_ =	shalt  }

</sc_bundles>
